<compile_context>
chip_gen: v7x
topology: tpu7x:2x2x1
jax: 0.10.2.dev20260603
libtpu: 0.0.44.dev20260713+nightly
codegen_flags: <defaults>
</compile_context>

<pallas_src>
import functools

import jax
import jax.numpy as jnp
from jax import lax
from jax.experimental import pallas as pl
from jax.experimental.pallas import tpu as pltpu
from jax.experimental.pallas import tpu_sc as plsc

NC = 2
NS = 16
NW = NC * NS
CHUNK = 80


def _node_body(x_ref, w_ref, b_ref, o_ref):
    o_ref[...] = (
        jnp.dot(x_ref[...], w_ref[...], preferred_element_type=jnp.float32)
        + b_ref[...]
    )


def _node_linear(x, w, b, row_block):
    n, k = x.shape
    d = w.shape[1]
    grid = n // row_block
    return pl.pallas_call(
        _node_body,
        grid=(grid,),
        in_specs=[
            pl.BlockSpec((row_block, k), lambda i: (i, 0)),
            pl.BlockSpec((k, d), lambda i: (0, 0)),
            pl.BlockSpec((1, d), lambda i: (0, 0)),
        ],
        out_specs=pl.BlockSpec((row_block, d), lambda i: (i, 0)),
        out_shape=jax.ShapeDtypeStruct((n, d), jnp.float32),
    )(x, w, b.reshape(1, d))


def _ei_split_body(ei_ref, src_ref, dst_ref):
    src_ref[...] = ei_ref[0, :]
    dst_ref[...] = ei_ref[1, :]


def _ei_split(ei):
    n_edges = ei.shape[1]
    return pl.pallas_call(
        _ei_split_body,
        out_shape=[
            jax.ShapeDtypeStruct((n_edges,), jnp.int32),
            jax.ShapeDtypeStruct((n_edges,), jnp.int32),
        ],
    )(ei)


def _edge_body(xt_ref, w_ref, b_ref, o_ref):
    o_ref[...] = (
        lax.dot_general(
            xt_ref[...].astype(jnp.bfloat16), w_ref[...].astype(jnp.bfloat16),
            dimension_numbers=(((0,), (0,)), ((), ())),
            preferred_element_type=jnp.float32)
        + b_ref[...]
    )


def _edge_linear(xt, w, b, col_block):
    k, n = xt.shape
    d = w.shape[1]
    return pl.pallas_call(
        _edge_body,
        grid=(n // col_block,),
        in_specs=[
            pl.BlockSpec((k, col_block), lambda i: (0, i)),
            pl.BlockSpec((k, d), lambda i: (0, 0)),
            pl.BlockSpec((1, d), lambda i: (0, 0)),
        ],
        out_specs=pl.BlockSpec((col_block, d), lambda i: (i, 0)),
        out_shape=jax.ShapeDtypeStruct((n, d), jnp.float32),
    )(xt, w, b.reshape(1, d))


def _final_body(h_ref, p_ref, ws_ref, wm_ref, b_ref, o_ref):
    agg = p_ref[0] + p_ref[1]
    o_ref[...] = jnp.maximum(
        jnp.dot(h_ref[...], ws_ref[...], preferred_element_type=jnp.float32)
        + jnp.dot(agg, wm_ref[...], preferred_element_type=jnp.float32)
        + b_ref[...],
        0.0,
    )


def _final(h, partial, w_self, w_msg, b_out, row_block):
    n, d = h.shape
    grid = n // row_block
    return pl.pallas_call(
        _final_body,
        grid=(grid,),
        in_specs=[
            pl.BlockSpec((row_block, d), lambda i: (i, 0)),
            pl.BlockSpec((NC, row_block, d), lambda i: (0, i, 0)),
            pl.BlockSpec((d, d), lambda i: (0, 0)),
            pl.BlockSpec((d, d), lambda i: (0, 0)),
            pl.BlockSpec((1, d), lambda i: (0, 0)),
        ],
        out_specs=pl.BlockSpec((row_block, d), lambda i: (i, 0)),
        out_shape=jax.ShapeDtypeStruct((n, d), jnp.float32),
    )(h, partial, w_self, w_msg, b_out.reshape(1, d))


def _make_sc_aggregate(n_nodes, n_edges, d):
    epw = n_edges // NW
    nchunk = epw // CHUNK
    rows_per_tile = n_nodes // NS
    assert nchunk % 2 == 1 and nchunk >= 3

    mesh = plsc.VectorSubcoreMesh(core_axis_name="c", subcore_axis_name="s")

    @functools.partial(
        pl.kernel,
        mesh=mesh,
        out_type=jax.ShapeDtypeStruct((NC, n_nodes, d), jnp.float32),
        scratch_types=[
            [pltpu.VMEM((CHUNK,), jnp.int32)] * 2,
            [pltpu.VMEM((CHUNK,), jnp.int32)] * 2,
            [pltpu.VMEM((CHUNK, d), jnp.float32)] * 2,
            [pltpu.VMEM((CHUNK, d), jnp.float32)] * 2,
            pltpu.VMEM_SHARED((n_nodes, d), jnp.float32),
            [pltpu.SemaphoreType.DMA] * 2,
            [pltpu.SemaphoreType.DMA] * 2,
            [pltpu.SemaphoreType.DMA] * 2,
            [pltpu.SemaphoreType.DMA] * 2,
            [pltpu.SemaphoreType.DMA] * 2,
        ],
    )
    def sc_aggregate(h_hbm, src_hbm, dst_hbm, e_hbm, out_hbm,
                     src_v, dst_v, e_v, rows_v, agg_sh,
                     sem_fs, sem_fd, sem_fe, sem_g, sem_s):
        c = lax.axis_index("c")
        s = lax.axis_index("s")
        wid = c * NS + s

        def zbody(r, _):
            for j in range(d // 16):
                e_v[0][r, pl.ds(j * 16, 16)] = jnp.zeros((16,), jnp.float32)
            return _
        lax.fori_loop(0, CHUNK, zbody, None)
        row0 = s * rows_per_tile
        nfull = rows_per_tile // CHUNK
        zrem = rows_per_tile - nfull * CHUNK
        for j in range(nfull):
            pltpu.sync_copy(e_v[0], agg_sh.at[pl.ds(row0 + j * CHUNK, CHUNK)])
        if zrem:
            pltpu.sync_copy(
                e_v[0].at[pl.ds(0, zrem)],
                agg_sh.at[pl.ds(row0 + nfull * CHUNK, zrem)],
            )
        plsc.subcore_barrier()

        def fetch_issue(j, p):
            base = wid * epw + j * CHUNK
            pltpu.async_copy(src_hbm.at[pl.ds(base, CHUNK)], src_v[p], sem_fs[p])
            pltpu.async_copy(dst_hbm.at[pl.ds(base, CHUNK)], dst_v[p], sem_fd[p])
            pltpu.async_copy(e_hbm.at[pl.ds(base, CHUNK)], e_v[p], sem_fe[p])

        def fetch_wait(j, p):
            base = wid * epw + j * CHUNK
            pltpu.make_async_copy(src_hbm.at[pl.ds(base, CHUNK)], src_v[p], sem_fs[p]).wait()
            pltpu.make_async_copy(dst_hbm.at[pl.ds(base, CHUNK)], dst_v[p], sem_fd[p]).wait()
            pltpu.make_async_copy(e_hbm.at[pl.ds(base, CHUNK)], e_v[p], sem_fe[p]).wait()

        def gather_issue(p):
            pltpu.async_copy(h_hbm.at[src_v[p]], rows_v[p], sem_g[p])

        def gather_wait(p):
            pltpu.make_async_copy(h_hbm.at[src_v[p]], rows_v[p], sem_g[p]).wait()

        def compute(p):
            def rbody(r4, _):
                for u in range(4):
                    r = 4 * r4 + u
                    for j in range(d // 16):
                        sl = pl.ds(j * 16, 16)
                        rows_v[p][r, sl] = jnp.maximum(
                            rows_v[p][r, sl] + e_v[p][r, sl], 0.0)
                return _
            lax.fori_loop(0, CHUNK // 4, rbody, None)

        def scatter_issue(p):
            pltpu.async_copy(rows_v[p], agg_sh.at[dst_v[p]], sem_s[p], add=True)

        def scatter_wait(p):
            pltpu.make_async_copy(rows_v[p], agg_sh.at[dst_v[p]], sem_s[p]).wait()

        fetch_issue(0, 0)
        fetch_wait(0, 0)
        gather_issue(0)
        fetch_issue(1, 1)
        gather_wait(0)
        compute(0)
        fetch_wait(1, 1)
        gather_issue(1)
        scatter_issue(0)

        def element(j, p):
            q = 1 - p
            scatter_wait(q)

            @pl.when(j < nchunk - 1)
            def _():
                fetch_issue(j + 1, q)
            gather_wait(p)
            compute(p)

            @pl.when(j < nchunk - 1)
            def _():
                fetch_wait(j + 1, q)
                gather_issue(q)
            scatter_issue(p)

        def pair(g, _):
            element(2 * g + 1, 1)
            element(2 * g + 2, 0)
            return _
        lax.fori_loop(0, (nchunk - 1) // 2, pair, None)
        scatter_wait((nchunk - 1) % 2)

        plsc.subcore_barrier()
        drain = (n_nodes // NS) // 8 * 8
        pltpu.sync_copy(
            agg_sh.at[pl.ds(s * drain, drain)],
            out_hbm.at[c, pl.ds(s * drain, drain)],
        )
        rem = n_nodes - NS * drain
        if rem:
            @pl.when(s == NS - 1)
            def _():
                pltpu.sync_copy(
                    agg_sh.at[pl.ds(NS * drain, rem)],
                    out_hbm.at[c, pl.ds(NS * drain, rem)],
                )

    return sc_aggregate


def kernel(x, edge_index, edge_attr, W_node, b_node, W_edge, b_edge,
           W_self, W_msg, b_out):
    n_nodes, d_feat = x.shape
    n_edges = edge_attr.shape[0]
    d = W_node.shape[1]

    ei32 = edge_index.astype(jnp.int32)

    h = _node_linear(x, W_node, b_node, row_block=2000)
    src, dst = _ei_split(ei32)
    e = _edge_linear(edge_attr.T, W_edge, b_edge, col_block=3200)

    partial = _make_sc_aggregate(n_nodes, n_edges, d)(h, src, dst, e)

    return _final(h, partial, W_self, W_msg, b_out, row_block=2000)

# --- scband reference (transcript-rebuilt; emitter-appended) ---
"""Pipeline reference for scband-encoder-28312424415243 (READ-ONLY COPY).

The authoritative reference and input builder live on the scoring server;
editing this copy changes nothing except your own understanding.
"""

import jax, jax.numpy as jnp
import numpy as np

N_NODES = 10000
N_EDGES = 320000
D_FEAT = 128
D_EDGE = 16
D_HID = 128


def setup_inputs(seed: int = 0) -> dict:
    key = jax.random.key(seed)
    ks = jax.random.split(key, 10)
    x = jax.random.normal(ks[0], (N_NODES, D_FEAT), dtype=jnp.float32)
    edge_index = jax.random.randint(ks[1], (2, N_EDGES), 0, N_NODES, dtype=jnp.int64)
    edge_attr = jax.random.normal(ks[2], (N_EDGES, D_EDGE), dtype=jnp.float32)
    # node_encoder: Linear(128 -> 128)
    W_node = jax.random.normal(ks[3], (D_FEAT, D_HID), dtype=jnp.float32) * (1.0 / np.sqrt(D_FEAT))
    b_node = jnp.zeros((D_HID,), dtype=jnp.float32)
    # edge_encoder: Linear(16 -> 128)
    W_edge = jax.random.normal(ks[4], (D_EDGE, D_HID), dtype=jnp.float32) * (1.0 / np.sqrt(D_EDGE))
    b_edge = jnp.zeros((D_HID,), dtype=jnp.float32)
    # gnn: message-passing conv params
    W_self = jax.random.normal(ks[5], (D_HID, D_HID), dtype=jnp.float32) * (1.0 / np.sqrt(D_HID))
    W_msg = jax.random.normal(ks[6], (D_HID, D_HID), dtype=jnp.float32) * (1.0 / np.sqrt(D_HID))
    b_out = jnp.zeros((D_HID,), dtype=jnp.float32)
    return {
        "x": x,
        "edge_index": edge_index,
        "edge_attr": edge_attr,
        "W_node": W_node,
        "b_node": b_node,
        "W_edge": W_edge,
        "b_edge": b_edge,
        "W_self": W_self,
        "W_msg": W_msg,
        "b_out": b_out,
    }


def reference(x, edge_index, edge_attr, W_node, b_node, W_edge, b_edge, W_self, W_msg, b_out):
    # x = self.node_encoder(x)
    h = x @ W_node + b_node
    # edge_attr = self.edge_encoder(edge_attr)
    e = edge_attr @ W_edge + b_edge
    # x = self.gnn(h.float(), edge_index.long(), e.float())
    src = edge_index[0]
    dst = edge_index[1]
    msg = jax.nn.relu(h[src] + e)                      # gather by src (SparseCore gather)
    agg = jax.ops.segment_sum(msg, dst, num_segments=h.shape[0])  # scatter-add by dst
    out = jax.nn.relu(h @ W_self + agg @ W_msg + b_out)
    return out

if __name__ == "__main__":
    import jax
    _d = setup_inputs()
    print(jax.jit(kernel)(*tuple(_d.values())))

</pallas_src>

<mosaic_0001>
#map = affine_map<(d0, d1) -> (0, 0)>
#map1 = affine_map<(d0, d1) -> (0)>
#map2 = affine_map<(d0, d1) -> (0, 0, 0)>
module attributes {stable_mosaic.version = 14 : i64} {
  func.func @sc_aggregate(%arg0: i32, %arg1: i32, %arg2: memref<10000x128xf32, #tpu.memory_space<hbm>>, %arg3: memref<320000xi32, #tpu.memory_space<hbm>>, %arg4: memref<320000xi32, #tpu.memory_space<hbm>>, %arg5: memref<320000x128xf32, #tpu.memory_space<hbm>>, %arg6: memref<2x10000x128xf32, #tpu.memory_space<hbm>>, %arg7: memref<80xi32, #tpu.memory_space<vmem>>, %arg8: memref<80xi32, #tpu.memory_space<vmem>>, %arg9: memref<80xi32, #tpu.memory_space<vmem>>, %arg10: memref<80xi32, #tpu.memory_space<vmem>>, %arg11: memref<80x128xf32, #tpu.memory_space<vmem>>, %arg12: memref<80x128xf32, #tpu.memory_space<vmem>>, %arg13: memref<80x128xf32, #tpu.memory_space<vmem>>, %arg14: memref<80x128xf32, #tpu.memory_space<vmem>>, %arg15: memref<10000x128xf32, #tpu.memory_space<vmem_shared>>, %arg16: memref<!tpu.dma_semaphore, #tpu.memory_space<semaphore_mem>>, %arg17: memref<!tpu.dma_semaphore, #tpu.memory_space<semaphore_mem>>, %arg18: memref<!tpu.dma_semaphore, #tpu.memory_space<semaphore_mem>>, %arg19: memref<!tpu.dma_semaphore, #tpu.memory_space<semaphore_mem>>, %arg20: memref<!tpu.dma_semaphore, #tpu.memory_space<semaphore_mem>>, %arg21: memref<!tpu.dma_semaphore, #tpu.memory_space<semaphore_mem>>, %arg22: memref<!tpu.dma_semaphore, #tpu.memory_space<semaphore_mem>>, %arg23: memref<!tpu.dma_semaphore, #tpu.memory_space<semaphore_mem>>, %arg24: memref<!tpu.dma_semaphore, #tpu.memory_space<semaphore_mem>>, %arg25: memref<!tpu.dma_semaphore, #tpu.memory_space<semaphore_mem>>) attributes {dimension_semantics = [#tpu.dimension_semantics<core_parallel>, #tpu.dimension_semantics<subcore_parallel>], iteration_bounds = array<i64: 2, 16>, scalar_prefetch = 0 : i64, scratch_operands = 19 : i64, tpu.core_type = #tpu.core_type<sc_vector_subcore>, window_params = [{transform_indices = #map}, {transform_indices = #map1}, {transform_indices = #map1}, {transform_indices = #map}, {transform_indices = #map2}]} {
    %mul3A = arith.constant 16 : i32
    %mul3A_0 = arith.muli %arg0, %mul3A : i32
    %add3A = arith.addi %mul3A_0, %arg1 : i32
    %scan3A = arith.constant 0 : i32
    %scan3A_1 = arith.constant 80 : i32
    %scan3A_2 = arith.addi %scan3A, %scan3A_1 : i32
    %scan3A_3 = arith.constant 1 : i32
    scf.for %scan3A_101 = %scan3A to %scan3A_2 step %scan3A_3  : i32 {
      %broadcast_in_dim3A = arith.constant 0.000000e+00 : f32
      %broadcast_in_dim3A_102 = vector.broadcast %broadcast_in_dim3A : f32 to vector<16xf32>
      %swap3A = arith.index_cast %scan3A_101 : i32 to index
      %swap3A_103 = arith.constant 0 : index
      %swap3A_104 = tpu.vector_load %arg11[%swap3A, %swap3A_103] {strides = array<i32>} : memref<80x128xf32, #tpu.memory_space<vmem>>, vector<1x16xf32>,
      %swap3A_105 = vector.shape_cast %swap3A_104 : vector<1x16xf32> to vector<16xf32>
      %swap3A_106 = vector.shape_cast %broadcast_in_dim3A_102 : vector<16xf32> to vector<1x16xf32>
      tpu.vector_store %arg11[%swap3A, %swap3A_103], %swap3A_106 {strides = array<i32>} : memref<80x128xf32, #tpu.memory_space<vmem>>, vector<1x16xf32>,
      %broadcast_in_dim3A_107 = arith.constant 0.000000e+00 : f32
      %broadcast_in_dim3A_108 = vector.broadcast %broadcast_in_dim3A_107 : f32 to vector<16xf32>
      %swap3A_109 = arith.index_cast %scan3A_101 : i32 to index
      %swap3A_110 = arith.constant 16 : index
      %swap3A_111 = tpu.vector_load %arg11[%swap3A_109, %swap3A_110] {strides = array<i32>} : memref<80x128xf32, #tpu.memory_space<vmem>>, vector<1x16xf32>,
      %swap3A_112 = vector.shape_cast %swap3A_111 : vector<1x16xf32> to vector<16xf32>
      %swap3A_113 = vector.shape_cast %broadcast_in_dim3A_108 : vector<16xf32> to vector<1x16xf32>
      tpu.vector_store %arg11[%swap3A_109, %swap3A_110], %swap3A_113 {strides = array<i32>} : memref<80x128xf32, #tpu.memory_space<vmem>>, vector<1x16xf32>,
      %broadcast_in_dim3A_114 = arith.constant 0.000000e+00 : f32
      %broadcast_in_dim3A_115 = vector.broadcast %broadcast_in_dim3A_114 : f32 to vector<16xf32>
      %swap3A_116 = arith.index_cast %scan3A_101 : i32 to index
      %swap3A_117 = arith.constant 32 : index
      %swap3A_118 = tpu.vector_load %arg11[%swap3A_116, %swap3A_117] {strides = array<i32>} : memref<80x128xf32, #tpu.memory_space<vmem>>, vector<1x16xf32>,
      %swap3A_119 = vector.shape_cast %swap3A_118 : vector<1x16xf32> to vector<16xf32>
      %swap3A_120 = vector.shape_cast %broadcast_in_dim3A_115 : vector<16xf32> to vector<1x16xf32>
      tpu.vector_store %arg11[%swap3A_116, %swap3A_117], %swap3A_120 {strides = array<i32>} : memref<80x128xf32, #tpu.memory_space<vmem>>, vector<1x16xf32>,
      %broadcast_in_dim3A_121 = arith.constant 0.000000e+00 : f32
      %broadcast_in_dim3A_122 = vector.broadcast %broadcast_in_dim3A_121 : f32 to vector<16xf32>
      %swap3A_123 = arith.index_cast %scan3A_101 : i32 to index
      %swap3A_124 = arith.constant 48 : index
      %swap3A_125 = tpu.vector_load %arg11[%swap3A_123, %swap3A_124] {strides = array<i32>} : memref<80x128xf32, #tpu.memory_space<vmem>>, vector<1x16xf32>,
      %swap3A_126 = vector.shape_cast %swap3A_125 : vector<1x16xf32> to vector<16xf32>
      %swap3A_127 = vector.shape_cast %broadcast_in_dim3A_122 : vector<16xf32> to vector<1x16xf32>
      tpu.vector_store %arg11[%swap3A_123, %swap3A_124], %swap3A_127 {strides = array<i32>} : memref<80x128xf32, #tpu.memory_space<vmem>>, vector<1x16xf32>,
      %broadcast_in_dim3A_128 = arith.constant 0.000000e+00 : f32
      %broadcast_in_dim3A_129 = vector.broadcast %broadcast_in_dim3A_128 : f32 to vector<16xf32>
      %swap3A_130 = arith.index_cast %scan3A_101 : i32 to index
      %swap3A_131 = arith.constant 64 : index
      %swap3A_132 = tpu.vector_load %arg11[%swap3A_130, %swap3A_131] {strides = array<i32>} : memref<80x128xf32, #tpu.memory_space<vmem>>, vector<1x16xf32>,
      %swap3A_133 = vector.shape_cast %swap3A_132 : vector<1x16xf32> to vector<16xf32>
      %swap3A_134 = vector.shape_cast %broadcast_in_dim3A_129 : vector<16xf32> to vector<1x16xf32>
      tpu.vector_store %arg11[%swap3A_130, %swap3A_131], %swap3A_134 {strides = array<i32>} : memref<80x128xf32, #tpu.memory_space<vmem>>, vector<1x16xf32>,
      %broadcast_in_dim3A_135 = arith.constant 0.000000e+00 : f32
      %broadcast_in_dim3A_136 = vector.broadcast %broadcast_in_dim3A_135 : f32 to vector<16xf32>
      %swap3A_137 = arith.index_cast %scan3A_101 : i32 to index
      %swap3A_138 = arith.constant 80 : index
      %swap3A_139 = tpu.vector_load %arg11[%swap3A_137, %swap3A_138] {strides = array<i32>} : memref<80x128xf32, #tpu.memory_space<vmem>>, vector<1x16xf32>,
      %swap3A_140 = vector.shape_cast %swap3A_139 : vector<1x16xf32> to vector<16xf32>
      %swap3A_141 = vector.shape_cast %broadcast_in_dim3A_136 : vector<16xf32> to vector<1x16xf32>
      tpu.vector_store %arg11[%swap3A_137, %swap3A_138], %swap3A_141 {strides = array<i32>} : memref<80x128xf32, #tpu.memory_space<vmem>>, vector<1x16xf32>,
      %broadcast_in_dim3A_142 = arith.constant 0.000000e+00 : f32
      %broadcast_in_dim3A_143 = vector.broadcast %broadcast_in_dim3A_142 : f32 to vector<16xf32>
      %swap3A_144 = arith.index_cast %scan3A_101 : i32 to index
      %swap3A_145 = arith.constant 96 : index
      %swap3A_146 = tpu.vector_load %arg11[%swap3A_144, %swap3A_145] {strides = array<i32>} : memref<80x128xf32, #tpu.memory_space<vmem>>, vector<1x16xf32>,
      %swap3A_147 = vector.shape_cast %swap3A_146 : vector<1x16xf32> to vector<16xf32>
      %swap3A_148 = vector.shape_cast %broadcast_in_dim3A_143 : vector<16xf32> to vector<1x16xf32>
      tpu.vector_store %arg11[%swap3A_144, %swap3A_145], %swap3A_148 {strides = array<i32>} : memref<80x128xf32, #tpu.memory_space<vmem>>, vector<1x16xf32>,
      %broadcast_in_dim3A_149 = arith.constant 0.000000e+00 : f32
      %broadcast_in_dim3A_150 = vector.broadcast %broadcast_in_dim3A_149 : f32 to vector<16xf32>
      %swap3A_151 = arith.index_cast %scan3A_101 : i32 to index
      %swap3A_152 = arith.constant 112 : index
      %swap3A_153 = tpu.vector_load %arg11[%swap3A_151, %swap3A_152] {strides = array<i32>} : memref<80x128xf32, #tpu.memory_space<vmem>>, vector<1x16xf32>,
      %swap3A_154 = vector.shape_cast %swap3A_153 : vector<1x16xf32> to vector<16xf32>
      %swap3A_155 = vector.shape_cast %broadcast_in_dim3A_150 : vector<16xf32> to vector<1x16xf32>
      tpu.vector_store %arg11[%swap3A_151, %swap3A_152], %swap3A_155 {strides = array<i32>} : memref<80x128xf32, #tpu.memory_space<vmem>>, vector<1x16xf32>,
    }
    %scan3A_4 = arith.constant 80 : i32
    %mul3A_5 = arith.constant 625 : i32
    %mul3A_6 = arith.muli %arg1, %mul3A_5 : i32
    %add3A_7 = arith.constant 0 : i32
    %add3A_8 = arith.addi %mul3A_6, %add3A_7 : i32
    "tpu.region"() ({
      %run_scoped3A = tpu.sem_alloc : memref<!tpu.dma_semaphore, #tpu.memory_space<semaphore_mem>>
      %dma_start3A_101 = arith.constant 0 : i32
      %dma_start3A_102 = tpu.memref_slice %arg15[%add3A_8, %dma_start3A_101] : memref<10000x128xf32, #tpu.memory_space<vmem_shared>> -> memref<80x128xf32, #tpu.memory_space<vmem_shared>>
      %dma_start3A_103 = arith.constant 0 : i32
      %dma_start3A_104 = tpu.memref_slice %arg15[%add3A_8, %dma_start3A_103] : memref<10000x128xf32, #tpu.memory_space<vmem_shared>> -> memref<80x128xf32, #tpu.memory_space<vmem_shared>>
      tpu.enqueue_dma source(%arg11 : memref<80x128xf32, #tpu.memory_space<vmem>>) target(%dma_start3A_104 : memref<80x128xf32, #tpu.memory_space<vmem_shared>>) target_semaphore(%run_scoped3A : memref<!tpu.dma_semaphore, #tpu.memory_space<semaphore_mem>>)
      %dma_wait3A_105 = arith.constant 0 : i32
      %dma_wait3A_106 = tpu.memref_slice %arg15[%add3A_8, %dma_wait3A_105] : memref<10000x128xf32, #tpu.memory_space<vmem_shared>> -> memref<80x128xf32, #tpu.memory_space<vmem_shared>>
      %dma_wait3A_107 = arith.constant 0 : i32
      %dma_wait3A_108 = tpu.memref_slice %arg15[%add3A_8, %dma_wait3A_107] : memref<10000x128xf32, #tpu.memory_space<vmem_shared>> -> memref<80x128xf32, #tpu.memory_space<vmem_shared>>
      tpu.wait_dma2 semaphore(%run_scoped3A : memref<!tpu.dma_semaphore, #tpu.memory_space<semaphore_mem>>) src(%arg11 : memref<80x128xf32, #tpu.memory_space<vmem>>) dst(%dma_wait3A_108 : memref<80x128xf32, #tpu.memory_space<vmem_shared>>)
      tpu.yield
    }) : () -> ()
    %add3A_9 = arith.constant 80 : i32
    %add3A_10 = arith.addi %mul3A_6, %add3A_9 : i32
    "tpu.region"() ({
      %run_scoped3A = tpu.sem_alloc : memref<!tpu.dma_semaphore, #tpu.memory_space<semaphore_mem>>
      %dma_start3A_101 = arith.constant 0 : i32
      %dma_start3A_102 = tpu.memref_slice %arg15[%add3A_10, %dma_start3A_101] : memref<10000x128xf32, #tpu.memory_space<vmem_shared>> -> memref<80x128xf32, #tpu.memory_space<vmem_shared>>
      %dma_start3A_103 = arith.constant 0 : i32
      %dma_start3A_104 = tpu.memref_slice %arg15[%add3A_10, %dma_start3A_103] : memref<10000x128xf32, #tpu.memory_space<vmem_shared>> -> memref<80x128xf32, #tpu.memory_space<vmem_shared>>
      tpu.enqueue_dma source(%arg11 : memref<80x128xf32, #tpu.memory_space<vmem>>) target(%dma_start3A_104 : memref<80x128xf32, #tpu.memory_space<vmem_shared>>) target_semaphore(%run_scoped3A : memref<!tpu.dma_semaphore, #tpu.memory_space<semaphore_mem>>)
      %dma_wait3A_105 = arith.constant 0 : i32
      %dma_wait3A_106 = tpu.memref_slice %arg15[%add3A_10, %dma_wait3A_105] : memref<10000x128xf32, #tpu.memory_space<vmem_shared>> -> memref<80x128xf32, #tpu.memory_space<vmem_shared>>
      %dma_wait3A_107 = arith.constant 0 : i32
      %dma_wait3A_108 = tpu.memref_slice %arg15[%add3A_10, %dma_wait3A_107] : memref<10000x128xf32, #tpu.memory_space<vmem_shared>> -> memref<80x128xf32, #tpu.memory_space<vmem_shared>>
      tpu.wait_dma2 semaphore(%run_scoped3A : memref<!tpu.dma_semaphore, #tpu.memory_space<semaphore_mem>>) src(%arg11 : memref<80x128xf32, #tpu.memory_space<vmem>>) dst(%dma_wait3A_108 : memref<80x128xf32, #tpu.memory_space<vmem_shared>>)
      tpu.yield
    }) : () -> ()
    %add3A_11 = arith.constant 160 : i32
    %add3A_12 = arith.addi %mul3A_6, %add3A_11 : i32
    "tpu.region"() ({
      %run_scoped3A = tpu.sem_alloc : memref<!tpu.dma_semaphore, #tpu.memory_space<semaphore_mem>>
      %dma_start3A_101 = arith.constant 0 : i32
      %dma_start3A_102 = tpu.memref_slice %arg15[%add3A_12, %dma_start3A_101] : memref<10000x128xf32, #tpu.memory_space<vmem_shared>> -> memref<80x128xf32, #tpu.memory_space<vmem_shared>>
      %dma_start3A_103 = arith.constant 0 : i32
      %dma_start3A_104 = tpu.memref_slice %arg15[%add3A_12, %dma_start3A_103] : memref<10000x128xf32, #tpu.memory_space<vmem_shared>> -> memref<80x128xf32, #tpu.memory_space<vmem_shared>>
      tpu.enqueue_dma source(%arg11 : memref<80x128xf32, #tpu.memory_space<vmem>>) target(%dma_start3A_104 : memref<80x128xf32, #tpu.memory_space<vmem_shared>>) target_semaphore(%run_scoped3A : memref<!tpu.dma_semaphore, #tpu.memory_space<semaphore_mem>>)
      %dma_wait3A_105 = arith.constant 0 : i32
      %dma_wait3A_106 = tpu.memref_slice %arg15[%add3A_12, %dma_wait3A_105] : memref<10000x128xf32, #tpu.memory_space<vmem_shared>> -> memref<80x128xf32, #tpu.memory_space<vmem_shared>>
      %dma_wait3A_107 = arith.constant 0 : i32
      %dma_wait3A_108 = tpu.memref_slice %arg15[%add3A_12, %dma_wait3A_107] : memref<10000x128xf32, #tpu.memory_space<vmem_shared>> -> memref<80x128xf32, #tpu.memory_space<vmem_shared>>
      tpu.wait_dma2 semaphore(%run_scoped3A : memref<!tpu.dma_semaphore, #tpu.memory_space<semaphore_mem>>) src(%arg11 : memref<80x128xf32, #tpu.memory_space<vmem>>) dst(%dma_wait3A_108 : memref<80x128xf32, #tpu.memory_space<vmem_shared>>)
      tpu.yield
    }) : () -> ()
    %add3A_13 = arith.constant 240 : i32
    %add3A_14 = arith.addi %mul3A_6, %add3A_13 : i32
    "tpu.region"() ({
      %run_scoped3A = tpu.sem_alloc : memref<!tpu.dma_semaphore, #tpu.memory_space<semaphore_mem>>
      %dma_start3A_101 = arith.constant 0 : i32
      %dma_start3A_102 = tpu.memref_slice %arg15[%add3A_14, %dma_start3A_101] : memref<10000x128xf32, #tpu.memory_space<vmem_shared>> -> memref<80x128xf32, #tpu.memory_space<vmem_shared>>
      %dma_start3A_103 = arith.constant 0 : i32
      %dma_start3A_104 = tpu.memref_slice %arg15[%add3A_14, %dma_start3A_103] : memref<10000x128xf32, #tpu.memory_space<vmem_shared>> -> memref<80x128xf32, #tpu.memory_space<vmem_shared>>
      tpu.enqueue_dma source(%arg11 : memref<80x128xf32, #tpu.memory_space<vmem>>) target(%dma_start3A_104 : memref<80x128xf32, #tpu.memory_space<vmem_shared>>) target_semaphore(%run_scoped3A : memref<!tpu.dma_semaphore, #tpu.memory_space<semaphore_mem>>)
      %dma_wait3A_105 = arith.constant 0 : i32
      %dma_wait3A_106 = tpu.memref_slice %arg15[%add3A_14, %dma_wait3A_105] : memref<10000x128xf32, #tpu.memory_space<vmem_shared>> -> memref<80x128xf32, #tpu.memory_space<vmem_shared>>
      %dma_wait3A_107 = arith.constant 0 : i32
      %dma_wait3A_108 = tpu.memref_slice %arg15[%add3A_14, %dma_wait3A_107] : memref<10000x128xf32, #tpu.memory_space<vmem_shared>> -> memref<80x128xf32, #tpu.memory_space<vmem_shared>>
      tpu.wait_dma2 semaphore(%run_scoped3A : memref<!tpu.dma_semaphore, #tpu.memory_space<semaphore_mem>>) src(%arg11 : memref<80x128xf32, #tpu.memory_space<vmem>>) dst(%dma_wait3A_108 : memref<80x128xf32, #tpu.memory_space<vmem_shared>>)
      tpu.yield
    }) : () -> ()
    %add3A_15 = arith.constant 320 : i32
    %add3A_16 = arith.addi %mul3A_6, %add3A_15 : i32
    "tpu.region"() ({
      %run_scoped3A = tpu.sem_alloc : memref<!tpu.dma_semaphore, #tpu.memory_space<semaphore_mem>>
      %dma_start3A_101 = arith.constant 0 : i32
      %dma_start3A_102 = tpu.memref_slice %arg15[%add3A_16, %dma_start3A_101] : memref<10000x128xf32, #tpu.memory_space<vmem_shared>> -> memref<80x128xf32, #tpu.memory_space<vmem_shared>>
      %dma_start3A_103 = arith.constant 0 : i32
      %dma_start3A_104 = tpu.memref_slice %arg15[%add3A_16, %dma_start3A_103] : memref<10000x128xf32, #tpu.memory_space<vmem_shared>> -> memref<80x128xf32, #tpu.memory_space<vmem_shared>>
      tpu.enqueue_dma source(%arg11 : memref<80x128xf32, #tpu.memory_space<vmem>>) target(%dma_start3A_104 : memref<80x128xf32, #tpu.memory_space<vmem_shared>>) target_semaphore(%run_scoped3A : memref<!tpu.dma_semaphore, #tpu.memory_space<semaphore_mem>>)
      %dma_wait3A_105 = arith.constant 0 : i32
      %dma_wait3A_106 = tpu.memref_slice %arg15[%add3A_16, %dma_wait3A_105] : memref<10000x128xf32, #tpu.memory_space<vmem_shared>> -> memref<80x128xf32, #tpu.memory_space<vmem_shared>>
      %dma_wait3A_107 = arith.constant 0 : i32
      %dma_wait3A_108 = tpu.memref_slice %arg15[%add3A_16, %dma_wait3A_107] : memref<10000x128xf32, #tpu.memory_space<vmem_shared>> -> memref<80x128xf32, #tpu.memory_space<vmem_shared>>
      tpu.wait_dma2 semaphore(%run_scoped3A : memref<!tpu.dma_semaphore, #tpu.memory_space<semaphore_mem>>) src(%arg11 : memref<80x128xf32, #tpu.memory_space<vmem>>) dst(%dma_wait3A_108 : memref<80x128xf32, #tpu.memory_space<vmem_shared>>)
      tpu.yield
    }) : () -> ()
    %add3A_17 = arith.constant 400 : i32
    %add3A_18 = arith.addi %mul3A_6, %add3A_17 : i32
    "tpu.region"() ({
      %run_scoped3A = tpu.sem_alloc : memref<!tpu.dma_semaphore, #tpu.memory_space<semaphore_mem>>
      %dma_start3A_101 = arith.constant 0 : i32
      %dma_start3A_102 = tpu.memref_slice %arg15[%add3A_18, %dma_start3A_101] : memref<10000x128xf32, #tpu.memory_space<vmem_shared>> -> memref<80x128xf32, #tpu.memory_space<vmem_shared>>
      %dma_start3A_103 = arith.constant 0 : i32
      %dma_start3A_104 = tpu.memref_slice %arg15[%add3A_18, %dma_start3A_103] : memref<10000x128xf32, #tpu.memory_space<vmem_shared>> -> memref<80x128xf32, #tpu.memory_space<vmem_shared>>
      tpu.enqueue_dma source(%arg11 : memref<80x128xf32, #tpu.memory_space<vmem>>) target(%dma_start3A_104 : memref<80x128xf32, #tpu.memory_space<vmem_shared>>) target_semaphore(%run_scoped3A : memref<!tpu.dma_semaphore, #tpu.memory_space<semaphore_mem>>)
      %dma_wait3A_105 = arith.constant 0 : i32
      %dma_wait3A_106 = tpu.memref_slice %arg15[%add3A_18, %dma_wait3A_105] : memref<10000x128xf32, #tpu.memory_space<vmem_shared>> -> memref<80x128xf32, #tpu.memory_space<vmem_shared>>
      %dma_wait3A_107 = arith.constant 0 : i32
      %dma_wait3A_108 = tpu.memref_slice %arg15[%add3A_18, %dma_wait3A_107] : memref<10000x128xf32, #tpu.memory_space<vmem_shared>> -> memref<80x128xf32, #tpu.memory_space<vmem_shared>>
      tpu.wait_dma2 semaphore(%run_scoped3A : memref<!tpu.dma_semaphore, #tpu.memory_space<semaphore_mem>>) src(%arg11 : memref<80x128xf32, #tpu.memory_space<vmem>>) dst(%dma_wait3A_108 : memref<80x128xf32, #tpu.memory_space<vmem_shared>>)
      tpu.yield
    }) : () -> ()
    %add3A_19 = arith.constant 480 : i32
    %add3A_20 = arith.addi %mul3A_6, %add3A_19 : i32
    "tpu.region"() ({
      %run_scoped3A = tpu.sem_alloc : memref<!tpu.dma_semaphore, #tpu.memory_space<semaphore_mem>>
      %dma_start3A_101 = arith.constant 0 : i32
      %dma_start3A_102 = tpu.memref_slice %arg15[%add3A_20, %dma_start3A_101] : memref<10000x128xf32, #tpu.memory_space<vmem_shared>> -> memref<80x128xf32, #tpu.memory_space<vmem_shared>>
      %dma_start3A_103 = arith.constant 0 : i32
      %dma_start3A_104 = tpu.memref_slice %arg15[%add3A_20, %dma_start3A_103] : memref<10000x128xf32, #tpu.memory_space<vmem_shared>> -> memref<80x128xf32, #tpu.memory_space<vmem_shared>>
      tpu.enqueue_dma source(%arg11 : memref<80x128xf32, #tpu.memory_space<vmem>>) target(%dma_start3A_104 : memref<80x128xf32, #tpu.memory_space<vmem_shared>>) target_semaphore(%run_scoped3A : memref<!tpu.dma_semaphore, #tpu.memory_space<semaphore_mem>>)
      %dma_wait3A_105 = arith.constant 0 : i32
      %dma_wait3A_106 = tpu.memref_slice %arg15[%add3A_20, %dma_wait3A_105] : memref<10000x128xf32, #tpu.memory_space<vmem_shared>> -> memref<80x128xf32, #tpu.memory_space<vmem_shared>>
      %dma_wait3A_107 = arith.constant 0 : i32
      %dma_wait3A_108 = tpu.memref_slice %arg15[%add3A_20, %dma_wait3A_107] : memref<10000x128xf32, #tpu.memory_space<vmem_shared>> -> memref<80x128xf32, #tpu.memory_space<vmem_shared>>
      tpu.wait_dma2 semaphore(%run_scoped3A : memref<!tpu.dma_semaphore, #tpu.memory_space<semaphore_mem>>) src(%arg11 : memref<80x128xf32, #tpu.memory_space<vmem>>) dst(%dma_wait3A_108 : memref<80x128xf32, #tpu.memory_space<vmem_shared>>)
      tpu.yield
    }) : () -> ()
    %add3A_21 = arith.constant 560 : i32
    %add3A_22 = arith.addi %mul3A_6, %add3A_21 : i32
    "tpu.region"() ({
      %run_scoped3A = tpu.sem_alloc : memref<!tpu.dma_semaphore, #tpu.memory_space<semaphore_mem>>
      %dma_start3A_101 = arith.constant 0 : i32
      %dma_start3A_102 = arith.constant 0 : i32
      %dma_start3A_103 = tpu.memref_slice %arg11[%dma_start3A_101, %dma_start3A_102] : memref<80x128xf32, #tpu.memory_space<vmem>> -> memref<65x128xf32, #tpu.memory_space<vmem>>
      %dma_start3A_104 = arith.constant 0 : i32
      %dma_start3A_105 = tpu.memref_slice %arg15[%add3A_22, %dma_start3A_104] : memref<10000x128xf32, #tpu.memory_space<vmem_shared>> -> memref<65x128xf32, #tpu.memory_space<vmem_shared>>
      %dma_start3A_106 = arith.constant 0 : i32
      %dma_start3A_107 = tpu.memref_slice %arg15[%add3A_22, %dma_start3A_106] : memref<10000x128xf32, #tpu.memory_space<vmem_shared>> -> memref<65x128xf32, #tpu.memory_space<vmem_shared>>
      %dma_start3A_108 = arith.constant 0 : i32
      %dma_start3A_109 = arith.constant 0 : i32
      %dma_start3A_110 = tpu.memref_slice %arg11[%dma_start3A_108, %dma_start3A_109] : memref<80x128xf32, #tpu.memory_space<vmem>> -> memref<65x128xf32, #tpu.memory_space<vmem>>
      tpu.enqueue_dma source(%dma_start3A_110 : memref<65x128xf32, #tpu.memory_space<vmem>>) target(%dma_start3A_107 : memref<65x128xf32, #tpu.memory_space<vmem_shared>>) target_semaphore(%run_scoped3A : memref<!tpu.dma_semaphore, #tpu.memory_space<semaphore_mem>>)
      %dma_wait3A_111 = arith.constant 0 : i32
      %dma_wait3A_112 = arith.constant 0 : i32
      %dma_wait3A_113 = tpu.memref_slice %arg11[%dma_wait3A_111, %dma_wait3A_112] : memref<80x128xf32, #tpu.memory_space<vmem>> -> memref<65x128xf32, #tpu.memory_space<vmem>>
      %dma_wait3A_114 = arith.constant 0 : i32
      %dma_wait3A_115 = tpu.memref_slice %arg15[%add3A_22, %dma_wait3A_114] : memref<10000x128xf32, #tpu.memory_space<vmem_shared>> -> memref<65x128xf32, #tpu.memory_space<vmem_shared>>
      %dma_wait3A_116 = arith.constant 0 : i32
      %dma_wait3A_117 = tpu.memref_slice %arg15[%add3A_22, %dma_wait3A_116] : memref<10000x128xf32, #tpu.memory_space<vmem_shared>> -> memref<65x128xf32, #tpu.memory_space<vmem_shared>>
      %dma_wait3A_118 = arith.constant 0 : i32
      %dma_wait3A_119 = arith.constant 0 : i32
      %dma_wait3A_120 = tpu.memref_slice %arg11[%dma_wait3A_118, %dma_wait3A_119] : memref<80x128xf32, #tpu.memory_space<vmem>> -> memref<65x128xf32, #tpu.memory_space<vmem>>
      tpu.wait_dma2 semaphore(%run_scoped3A : memref<!tpu.dma_semaphore, #tpu.memory_space<semaphore_mem>>) src(%dma_wait3A_120 : memref<65x128xf32, #tpu.memory_space<vmem>>) dst(%dma_wait3A_117 : memref<65x128xf32, #tpu.memory_space<vmem_shared>>)
      tpu.yield
    }) : () -> ()
    %barrier3A = arith.constant 0 : index
    tpu.barrier barrier_id(%barrier3A)
    %mul3A_23 = arith.constant 10000 : i32
    %mul3A_24 = arith.muli %add3A, %mul3A_23 : i32
    %add3A_25 = arith.constant 0 : i32
    %add3A_26 = arith.addi %mul3A_24, %add3A_25 : i32
    %dma_start3A = tpu.memref_slice %arg3[%add3A_26] : memref<320000xi32, #tpu.memory_space<hbm>> -> memref<80xi32, #tpu.memory_space<hbm>>
    %dma_start3A_27 = tpu.memref_slice %arg3[%add3A_26] : memref<320000xi32, #tpu.memory_space<hbm>> -> memref<80xi32, #tpu.memory_space<hbm>>
    tpu.enqueue_dma source(%dma_start3A_27 : memref<80xi32, #tpu.memory_space<hbm>>) target(%arg7 : memref<80xi32, #tpu.memory_space<vmem>>) target_semaphore(%arg16 : memref<!tpu.dma_semaphore, #tpu.memory_space<semaphore_mem>>)
    %dma_start3A_28 = tpu.memref_slice %arg4[%add3A_26] : memref<320000xi32, #tpu.memory_space<hbm>> -> memref<80xi32, #tpu.memory_space<hbm>>
    %dma_start3A_29 = tpu.memref_slice %arg4[%add3A_26] : memref<320000xi32, #tpu.memory_space<hbm>> -> memref<80xi32, #tpu.memory_space<hbm>>
    tpu.enqueue_dma source(%dma_start3A_29 : memref<80xi32, #tpu.memory_space<hbm>>) target(%arg9 : memref<80xi32, #tpu.memory_space<vmem>>) target_semaphore(%arg18 : memref<!tpu.dma_semaphore, #tpu.memory_space<semaphore_mem>>)
    %dma_start3A_30 = arith.constant 0 : i32
    %dma_start3A_31 = tpu.memref_slice %arg5[%add3A_26, %dma_start3A_30] : memref<320000x128xf32, #tpu.memory_space<hbm>> -> memref<80x128xf32, #tpu.memory_space<hbm>>
    %dma_start3A_32 = arith.constant 0 : i32
    %dma_start3A_33 = tpu.memref_slice %arg5[%add3A_26, %dma_start3A_32] : memref<320000x128xf32, #tpu.memory_space<hbm>> -> memref<80x128xf32, #tpu.memory_space<hbm>>
    tpu.enqueue_dma source(%dma_start3A_33 : memref<80x128xf32, #tpu.memory_space<hbm>>) target(%arg11 : memref<80x128xf32, #tpu.memory_space<vmem>>) target_semaphore(%arg20 : memref<!tpu.dma_semaphore, #tpu.memory_space<semaphore_mem>>)
    %mul3A_34 = arith.constant 10000 : i32
    %mul3A_35 = arith.muli %add3A, %mul3A_34 : i32
    %add3A_36 = arith.constant 0 : i32
    %add3A_37 = arith.addi %mul3A_35, %add3A_36 : i32
    %dma_wait3A = tpu.memref_slice %arg3[%add3A_37] : memref<320000xi32, #tpu.memory_space<hbm>> -> memref<80xi32, #tpu.memory_space<hbm>>
    %dma_wait3A_38 = tpu.memref_slice %arg3[%add3A_37] : memref<320000xi32, #tpu.memory_space<hbm>> -> memref<80xi32, #tpu.memory_space<hbm>>
    tpu.wait_dma2 semaphore(%arg16 : memref<!tpu.dma_semaphore, #tpu.memory_space<semaphore_mem>>) src(%dma_wait3A_38 : memref<80xi32, #tpu.memory_space<hbm>>) dst(%arg7 : memref<80xi32, #tpu.memory_space<vmem>>)
    %dma_wait3A_39 = tpu.memref_slice %arg4[%add3A_37] : memref<320000xi32, #tpu.memory_space<hbm>> -> memref<80xi32, #tpu.memory_space<hbm>>
    %dma_wait3A_40 = tpu.memref_slice %arg4[%add3A_37] : memref<320000xi32, #tpu.memory_space<hbm>> -> memref<80xi32, #tpu.memory_space<hbm>>
    tpu.wait_dma2 semaphore(%arg18 : memref<!tpu.dma_semaphore, #tpu.memory_space<semaphore_mem>>) src(%dma_wait3A_40 : memref<80xi32, #tpu.memory_space<hbm>>) dst(%arg9 : memref<80xi32, #tpu.memory_space<vmem>>)
    %dma_wait3A_41 = arith.constant 0 : i32
    %dma_wait3A_42 = tpu.memref_slice %arg5[%add3A_37, %dma_wait3A_41] : memref<320000x128xf32, #tpu.memory_space<hbm>> -> memref<80x128xf32, #tpu.memory_space<hbm>>
    %dma_wait3A_43 = arith.constant 0 : i32
    %dma_wait3A_44 = tpu.memref_slice %arg5[%add3A_37, %dma_wait3A_43] : memref<320000x128xf32, #tpu.memory_space<hbm>> -> memref<80x128xf32, #tpu.memory_space<hbm>>
    tpu.wait_dma2 semaphore(%arg20 : memref<!tpu.dma_semaphore, #tpu.memory_space<semaphore_mem>>) src(%dma_wait3A_44 : memref<80x128xf32, #tpu.memory_space<hbm>>) dst(%arg11 : memref<80x128xf32, #tpu.memory_space<vmem>>)
    %dma_start3A_45 = arith.constant 0 : i32
    %dma_start3A_46 = arith.constant 0 : i32
    %dma_start3A_47 = tpu.memref_slice %arg2[%dma_start3A_45, %dma_start3A_46] : memref<10000x128xf32, #tpu.memory_space<hbm>> -> memref<10000x128xf32, #tpu.memory_space<hbm>>
    tpu.enqueue_indirect_dma source(%dma_start3A_47 : memref<10000x128xf32, #tpu.memory_space<hbm>>) target(%arg13 : memref<80x128xf32, #tpu.memory_space<vmem>>) offsets(%arg7 : memref<80xi32, #tpu.memory_space<vmem>>) semaphore(%arg22 : memref<!tpu.dma_semaphore, #tpu.memory_space<semaphore_mem>>)
    %mul3A_48 = arith.constant 10000 : i32
    %mul3A_49 = arith.muli %add3A, %mul3A_48 : i32
    %add3A_50 = arith.constant 80 : i32
    %add3A_51 = arith.addi %mul3A_49, %add3A_50 : i32
    %dma_start3A_52 = tpu.memref_slice %arg3[%add3A_51] : memref<320000xi32, #tpu.memory_space<hbm>> -> memref<80xi32, #tpu.memory_space<hbm>>
    %dma_start3A_53 = tpu.memref_slice %arg3[%add3A_51] : memref<320000xi32, #tpu.memory_space<hbm>> -> memref<80xi32, #tpu.memory_space<hbm>>
    tpu.enqueue_dma source(%dma_start3A_53 : memref<80xi32, #tpu.memory_space<hbm>>) target(%arg8 : memref<80xi32, #tpu.memory_space<vmem>>) target_semaphore(%arg17 : memref<!tpu.dma_semaphore, #tpu.memory_space<semaphore_mem>>)
    %dma_start3A_54 = tpu.memref_slice %arg4[%add3A_51] : memref<320000xi32, #tpu.memory_space<hbm>> -> memref<80xi32, #tpu.memory_space<hbm>>
    %dma_start3A_55 = tpu.memref_slice %arg4[%add3A_51] : memref<320000xi32, #tpu.memory_space<hbm>> -> memref<80xi32, #tpu.memory_space<hbm>>
    tpu.enqueue_dma source(%dma_start3A_55 : memref<80xi32, #tpu.memory_space<hbm>>) target(%arg10 : memref<80xi32, #tpu.memory_space<vmem>>) target_semaphore(%arg19 : memref<!tpu.dma_semaphore, #tpu.memory_space<semaphore_mem>>)
    %dma_start3A_56 = arith.constant 0 : i32
    %dma_start3A_57 = tpu.memref_slice %arg5[%add3A_51, %dma_start3A_56] : memref<320000x128xf32, #tpu.memory_space<hbm>> -> memref<80x128xf32, #tpu.memory_space<hbm>>
    %dma_start3A_58 = arith.constant 0 : i32
    %dma_start3A_59 = tpu.memref_slice %arg5[%add3A_51, %dma_start3A_58] : memref<320000x128xf32, #tpu.memory_space<hbm>> -> memref<80x128xf32, #tpu.memory_space<hbm>>
    tpu.enqueue_dma source(%dma_start3A_59 : memref<80x128xf32, #tpu.memory_space<hbm>>) target(%arg12 : memref<80x128xf32, #tpu.memory_space<vmem>>) target_semaphore(%arg21 : memref<!tpu.dma_semaphore, #tpu.memory_space<semaphore_mem>>)
    %dma_wait3A_60 = arith.constant 0 : i32
    %dma_wait3A_61 = arith.constant 0 : i32
    %dma_wait3A_62 = tpu.memref_slice %arg2[%dma_wait3A_60, %dma_wait3A_61] : memref<10000x128xf32, #tpu.memory_space<hbm>> -> memref<10000x128xf32, #tpu.memory_space<hbm>>
    tpu.wait_indirect_dma semaphore(%arg22 : memref<!tpu.dma_semaphore, #tpu.memory_space<semaphore_mem>>) src(%dma_wait3A_62 : memref<10000x128xf32, #tpu.memory_space<hbm>>) dst(%arg13 : memref<80x128xf32, #tpu.memory_space<vmem>>)
    %scan3A_63 = arith.constant 0 : i32
    %scan3A_64 = arith.constant 20 : i32
    %scan3A_65 = arith.addi %scan3A_63, %scan3A_64 : i32
    %scan3A_66 = arith.constant 1 : i32
    scf.for %scan3A_101 = %scan3A_63 to %scan3A_65 step %scan3A_66  : i32 {
      %mul3A_102 = arith.constant 4 : i32
      %mul3A_103 = arith.muli %mul3A_102, %scan3A_101 : i32
      %add3A_104 = arith.constant 0 : i32
      %add3A_105 = arith.addi %mul3A_103, %add3A_104 : i32
      %get3A = arith.index_cast %add3A_105 : i32 to index
      %get3A_106 = arith.constant 0 : index
      %get3A_107 = tpu.vector_load %arg13[%get3A, %get3A_106] {strides = array<i32>} : memref<80x128xf32, #tpu.memory_space<vmem>>, vector<1x16xf32>,
      %get3A_108 = vector.shape_cast %get3A_107 : vector<1x16xf32> to vector<16xf32>
      %get3A_109 = arith.index_cast %add3A_105 : i32 to index
      %get3A_110 = arith.constant 0 : index
      %get3A_111 = tpu.vector_load %arg11[%get3A_109, %get3A_110] {strides = array<i32>} : memref<80x128xf32, #tpu.memory_space<vmem>>, vector<1x16xf32>,
      %get3A_112 = vector.shape_cast %get3A_111 : vector<1x16xf32> to vector<16xf32>
      %add3A_113 = arith.addf %get3A_108, %get3A_112 : vector<16xf32>
      %max3A = arith.constant 0.000000e+00 : f32
      %max3A_114 = vector.broadcast %max3A : f32 to vector<16xf32>
      %max3A_115 = arith.maximumf %add3A_113, %max3A_114 : vector<16xf32>
      %swap3A = arith.index_cast %add3A_105 : i32 to index
      %swap3A_116 = arith.constant 0 : index
      %swap3A_117 = tpu.vector_load %arg13[%swap3A, %swap3A_116] {strides = array<i32>} : memref<80x128xf32, #tpu.memory_space<vmem>>, vector<1x16xf32>,
      %swap3A_118 = vector.shape_cast %swap3A_117 : vector<1x16xf32> to vector<16xf32>
      %swap3A_119 = vector.shape_cast %max3A_115 : vector<16xf32> to vector<1x16xf32>
      tpu.vector_store %arg13[%swap3A, %swap3A_116], %swap3A_119 {strides = array<i32>} : memref<80x128xf32, #tpu.memory_space<vmem>>, vector<1x16xf32>,
      %get3A_120 = arith.index_cast %add3A_105 : i32 to index
      %get3A_121 = arith.constant 16 : index
      %get3A_122 = tpu.vector_load %arg13[%get3A_120, %get3A_121] {strides = array<i32>} : memref<80x128xf32, #tpu.memory_space<vmem>>, vector<1x16xf32>,
      %get3A_123 = vector.shape_cast %get3A_122 : vector<1x16xf32> to vector<16xf32>
      %get3A_124 = arith.index_cast %add3A_105 : i32 to index
      %get3A_125 = arith.constant 16 : index
      %get3A_126 = tpu.vector_load %arg11[%get3A_124, %get3A_125] {strides = array<i32>} : memref<80x128xf32, #tpu.memory_space<vmem>>, vector<1x16xf32>,
      %get3A_127 = vector.shape_cast %get3A_126 : vector<1x16xf32> to vector<16xf32>
      %add3A_128 = arith.addf %get3A_123, %get3A_127 : vector<16xf32>
      %max3A_129 = arith.constant 0.000000e+00 : f32
      %max3A_130 = vector.broadcast %max3A_129 : f32 to vector<16xf32>
      %max3A_131 = arith.maximumf %add3A_128, %max3A_130 : vector<16xf32>
      %swap3A_132 = arith.index_cast %add3A_105 : i32 to index
      %swap3A_133 = arith.constant 16 : index
      %swap3A_134 = tpu.vector_load %arg13[%swap3A_132, %swap3A_133] {strides = array<i32>} : memref<80x128xf32, #tpu.memory_space<vmem>>, vector<1x16xf32>,
      %swap3A_135 = vector.shape_cast %swap3A_134 : vector<1x16xf32> to vector<16xf32>
      %swap3A_136 = vector.shape_cast %max3A_131 : vector<16xf32> to vector<1x16xf32>
      tpu.vector_store %arg13[%swap3A_132, %swap3A_133], %swap3A_136 {strides = array<i32>} : memref<80x128xf32, #tpu.memory_space<vmem>>, vector<1x16xf32>,
      %get3A_137 = arith.index_cast %add3A_105 : i32 to index
      %get3A_138 = arith.constant 32 : index
      %get3A_139 = tpu.vector_load %arg13[%get3A_137, %get3A_138] {strides = array<i32>} : memref<80x128xf32, #tpu.memory_space<vmem>>, vector<1x16xf32>,
      %get3A_140 = vector.shape_cast %get3A_139 : vector<1x16xf32> to vector<16xf32>
      %get3A_141 = arith.index_cast %add3A_105 : i32 to index
      %get3A_142 = arith.constant 32 : index
      %get3A_143 = tpu.vector_load %arg11[%get3A_141, %get3A_142] {strides = array<i32>} : memref<80x128xf32, #tpu.memory_space<vmem>>, vector<1x16xf32>,
      %get3A_144 = vector.shape_cast %get3A_143 : vector<1x16xf32> to vector<16xf32>
      %add3A_145 = arith.addf %get3A_140, %get3A_144 : vector<16xf32>
      %max3A_146 = arith.constant 0.000000e+00 : f32
      %max3A_147 = vector.broadcast %max3A_146 : f32 to vector<16xf32>
      %max3A_148 = arith.maximumf %add3A_145, %max3A_147 : vector<16xf32>
      %swap3A_149 = arith.index_cast %add3A_105 : i32 to index
      %swap3A_150 = arith.constant 32 : index
      %swap3A_151 = tpu.vector_load %arg13[%swap3A_149, %swap3A_150] {strides = array<i32>} : memref<80x128xf32, #tpu.memory_space<vmem>>, vector<1x16xf32>,
      %swap3A_152 = vector.shape_cast %swap3A_151 : vector<1x16xf32> to vector<16xf32>
      %swap3A_153 = vector.shape_cast %max3A_148 : vector<16xf32> to vector<1x16xf32>
      tpu.vector_store %arg13[%swap3A_149, %swap3A_150], %swap3A_153 {strides = array<i32>} : memref<80x128xf32, #tpu.memory_space<vmem>>, vector<1x16xf32>,
      %get3A_154 = arith.index_cast %add3A_105 : i32 to index
      %get3A_155 = arith.constant 48 : index
      %get3A_156 = tpu.vector_load %arg13[%get3A_154, %get3A_155] {strides = array<i32>} : memref<80x128xf32, #tpu.memory_space<vmem>>, vector<1x16xf32>,
      %get3A_157 = vector.shape_cast %get3A_156 : vector<1x16xf32> to vector<16xf32>
      %get3A_158 = arith.index_cast %add3A_105 : i32 to index
      %get3A_159 = arith.constant 48 : index
      %get3A_160 = tpu.vector_load %arg11[%get3A_158, %get3A_159] {strides = array<i32>} : memref<80x128xf32, #tpu.memory_space<vmem>>, vector<1x16xf32>,
      %get3A_161 = vector.shape_cast %get3A_160 : vector<1x16xf32> to vector<16xf32>
      %add3A_162 = arith.addf %get3A_157, %get3A_161 : vector<16xf32>
      %max3A_163 = arith.constant 0.000000e+00 : f32
      %max3A_164 = vector.broadcast %max3A_163 : f32 to vector<16xf32>
      %max3A_165 = arith.maximumf %add3A_162, %max3A_164 : vector<16xf32>
      %swap3A_166 = arith.index_cast %add3A_105 : i32 to index
      %swap3A_167 = arith.constant 48 : index
      %swap3A_168 = tpu.vector_load %arg13[%swap3A_166, %swap3A_167] {strides = array<i32>} : memref<80x128xf32, #tpu.memory_space<vmem>>, vector<1x16xf32>,
      %swap3A_169 = vector.shape_cast %swap3A_168 : vector<1x16xf32> to vector<16xf32>
      %swap3A_170 = vector.shape_cast %max3A_165 : vector<16xf32> to vector<1x16xf32>
      tpu.vector_store %arg13[%swap3A_166, %swap3A_167], %swap3A_170 {strides = array<i32>} : memref<80x128xf32, #tpu.memory_space<vmem>>, vector<1x16xf32>,
      %get3A_171 = arith.index_cast %add3A_105 : i32 to index
      %get3A_172 = arith.constant 64 : index
      %get3A_173 = tpu.vector_load %arg13[%get3A_171, %get3A_172] {strides = array<i32>} : memref<80x128xf32, #tpu.memory_space<vmem>>, vector<1x16xf32>,
      %get3A_174 = vector.shape_cast %get3A_173 : vector<1x16xf32> to vector<16xf32>
      %get3A_175 = arith.index_cast %add3A_105 : i32 to index
      %get3A_176 = arith.constant 64 : index
      %get3A_177 = tpu.vector_load %arg11[%get3A_175, %get3A_176] {strides = array<i32>} : memref<80x128xf32, #tpu.memory_space<vmem>>, vector<1x16xf32>,
      %get3A_178 = vector.shape_cast %get3A_177 : vector<1x16xf32> to vector<16xf32>
      %add3A_179 = arith.addf %get3A_174, %get3A_178 : vector<16xf32>
      %max3A_180 = arith.constant 0.000000e+00 : f32
      %max3A_181 = vector.broadcast %max3A_180 : f32 to vector<16xf32>
      %max3A_182 = arith.maximumf %add3A_179, %max3A_181 : vector<16xf32>
      %swap3A_183 = arith.index_cast %add3A_105 : i32 to index
      %swap3A_184 = arith.constant 64 : index
      %swap3A_185 = tpu.vector_load %arg13[%swap3A_183, %swap3A_184] {strides = array<i32>} : memref<80x128xf32, #tpu.memory_space<vmem>>, vector<1x16xf32>,
      %swap3A_186 = vector.shape_cast %swap3A_185 : vector<1x16xf32> to vector<16xf32>
      %swap3A_187 = vector.shape_cast %max3A_182 : vector<16xf32> to vector<1x16xf32>
      tpu.vector_store %arg13[%swap3A_183, %swap3A_184], %swap3A_187 {strides = array<i32>} : memref<80x128xf32, #tpu.memory_space<vmem>>, vector<1x16xf32>,
      %get3A_188 = arith.index_cast %add3A_105 : i32 to index
      %get3A_189 = arith.constant 80 : index
      %get3A_190 = tpu.vector_load %arg13[%get3A_188, %get3A_189] {strides = array<i32>} : memref<80x128xf32, #tpu.memory_space<vmem>>, vector<1x16xf32>,
      %get3A_191 = vector.shape_cast %get3A_190 : vector<1x16xf32> to vector<16xf32>
      %get3A_192 = arith.index_cast %add3A_105 : i32 to index
      %get3A_193 = arith.constant 80 : index
      %get3A_194 = tpu.vector_load %arg11[%get3A_192, %get3A_193] {strides = array<i32>} : memref<80x128xf32, #tpu.memory_space<vmem>>, vector<1x16xf32>,
      %get3A_195 = vector.shape_cast %get3A_194 : vector<1x16xf32> to vector<16xf32>
      %add3A_196 = arith.addf %get3A_191, %get3A_195 : vector<16xf32>
      %max3A_197 = arith.constant 0.000000e+00 : f32
      %max3A_198 = vector.broadcast %max3A_197 : f32 to vector<16xf32>
      %max3A_199 = arith.maximumf %add3A_196, %max3A_198 : vector<16xf32>
      %swap3A_200 = arith.index_cast %add3A_105 : i32 to index
      %swap3A_201 = arith.constant 80 : index
      %swap3A_202 = tpu.vector_load %arg13[%swap3A_200, %swap3A_201] {strides = array<i32>} : memref<80x128xf32, #tpu.memory_space<vmem>>, vector<1x16xf32>,
      %swap3A_203 = vector.shape_cast %swap3A_202 : vector<1x16xf32> to vector<16xf32>
      %swap3A_204 = vector.shape_cast %max3A_199 : vector<16xf32> to vector<1x16xf32>
      tpu.vector_store %arg13[%swap3A_200, %swap3A_201], %swap3A_204 {strides = array<i32>} : memref<80x128xf32, #tpu.memory_space<vmem>>, vector<1x16xf32>,
      %get3A_205 = arith.index_cast %add3A_105 : i32 to index
      %get3A_206 = arith.constant 96 : index
      %get3A_207 = tpu.vector_load %arg13[%get3A_205, %get3A_206] {strides = array<i32>} : memref<80x128xf32, #tpu.memory_space<vmem>>, vector<1x16xf32>,
      %get3A_208 = vector.shape_cast %get3A_207 : vector<1x16xf32> to vector<16xf32>
      %get3A_209 = arith.index_cast %add3A_105 : i32 to index
      %get3A_210 = arith.constant 96 : index
      %get3A_211 = tpu.vector_load %arg11[%get3A_209, %get3A_210] {strides = array<i32>} : memref<80x128xf32, #tpu.memory_space<vmem>>, vector<1x16xf32>,
      %get3A_212 = vector.shape_cast %get3A_211 : vector<1x16xf32> to vector<16xf32>
      %add3A_213 = arith.addf %get3A_208, %get3A_212 : vector<16xf32>
      %max3A_214 = arith.constant 0.000000e+00 : f32
      %max3A_215 = vector.broadcast %max3A_214 : f32 to vector<16xf32>
      %max3A_216 = arith.maximumf %add3A_213, %max3A_215 : vector<16xf32>
      %swap3A_217 = arith.index_cast %add3A_105 : i32 to index
      %swap3A_218 = arith.constant 96 : index
      %swap3A_219 = tpu.vector_load %arg13[%swap3A_217, %swap3A_218] {strides = array<i32>} : memref<80x128xf32, #tpu.memory_space<vmem>>, vector<1x16xf32>,
      %swap3A_220 = vector.shape_cast %swap3A_219 : vector<1x16xf32> to vector<16xf32>
      %swap3A_221 = vector.shape_cast %max3A_216 : vector<16xf32> to vector<1x16xf32>
      tpu.vector_store %arg13[%swap3A_217, %swap3A_218], %swap3A_221 {strides = array<i32>} : memref<80x128xf32, #tpu.memory_space<vmem>>, vector<1x16xf32>,
      %get3A_222 = arith.index_cast %add3A_105 : i32 to index
      %get3A_223 = arith.constant 112 : index
      %get3A_224 = tpu.vector_load %arg13[%get3A_222, %get3A_223] {strides = array<i32>} : memref<80x128xf32, #tpu.memory_space<vmem>>, vector<1x16xf32>,
      %get3A_225 = vector.shape_cast %get3A_224 : vector<1x16xf32> to vector<16xf32>
      %get3A_226 = arith.index_cast %add3A_105 : i32 to index
      %get3A_227 = arith.constant 112 : index
      %get3A_228 = tpu.vector_load %arg11[%get3A_226, %get3A_227] {strides = array<i32>} : memref<80x128xf32, #tpu.memory_space<vmem>>, vector<1x16xf32>,
      %get3A_229 = vector.shape_cast %get3A_228 : vector<1x16xf32> to vector<16xf32>
      %add3A_230 = arith.addf %get3A_225, %get3A_229 : vector<16xf32>
      %max3A_231 = arith.constant 0.000000e+00 : f32
      %max3A_232 = vector.broadcast %max3A_231 : f32 to vector<16xf32>
      %max3A_233 = arith.maximumf %add3A_230, %max3A_232 : vector<16xf32>
      %swap3A_234 = arith.index_cast %add3A_105 : i32 to index
      %swap3A_235 = arith.constant 112 : index
      %swap3A_236 = tpu.vector_load %arg13[%swap3A_234, %swap3A_235] {strides = array<i32>} : memref<80x128xf32, #tpu.memory_space<vmem>>, vector<1x16xf32>,
      %swap3A_237 = vector.shape_cast %swap3A_236 : vector<1x16xf32> to vector<16xf32>
      %swap3A_238 = vector.shape_cast %max3A_233 : vector<16xf32> to vector<1x16xf32>
      tpu.vector_store %arg13[%swap3A_234, %swap3A_235], %swap3A_238 {strides = array<i32>} : memref<80x128xf32, #tpu.memory_space<vmem>>, vector<1x16xf32>,
      %mul3A_239 = arith.constant 4 : i32
      %mul3A_240 = arith.muli %mul3A_239, %scan3A_101 : i32
      %add3A_241 = arith.constant 1 : i32
      %add3A_242 = arith.addi %mul3A_240, %add3A_241 : i32
      %get3A_243 = arith.index_cast %add3A_242 : i32 to index
      %get3A_244 = arith.constant 0 : index
      %get3A_245 = tpu.vector_load %arg13[%get3A_243, %get3A_244] {strides = array<i32>} : memref<80x128xf32, #tpu.memory_space<vmem>>, vector<1x16xf32>,
      %get3A_246 = vector.shape_cast %get3A_245 : vector<1x16xf32> to vector<16xf32>
      %get3A_247 = arith.index_cast %add3A_242 : i32 to index
      %get3A_248 = arith.constant 0 : index
      %get3A_249 = tpu.vector_load %arg11[%get3A_247, %get3A_248] {strides = array<i32>} : memref<80x128xf32, #tpu.memory_space<vmem>>, vector<1x16xf32>,
      %get3A_250 = vector.shape_cast %get3A_249 : vector<1x16xf32> to vector<16xf32>
      %add3A_251 = arith.addf %get3A_246, %get3A_250 : vector<16xf32>
      %max3A_252 = arith.constant 0.000000e+00 : f32
      %max3A_253 = vector.broadcast %max3A_252 : f32 to vector<16xf32>
      %max3A_254 = arith.maximumf %add3A_251, %max3A_253 : vector<16xf32>
      %swap3A_255 = arith.index_cast %add3A_242 : i32 to index
      %swap3A_256 = arith.constant 0 : index
      %swap3A_257 = tpu.vector_load %arg13[%swap3A_255, %swap3A_256] {strides = array<i32>} : memref<80x128xf32, #tpu.memory_space<vmem>>, vector<1x16xf32>,
      %swap3A_258 = vector.shape_cast %swap3A_257 : vector<1x16xf32> to vector<16xf32>
      %swap3A_259 = vector.shape_cast %max3A_254 : vector<16xf32> to vector<1x16xf32>
      tpu.vector_store %arg13[%swap3A_255, %swap3A_256], %swap3A_259 {strides = array<i32>} : memref<80x128xf32, #tpu.memory_space<vmem>>, vector<1x16xf32>,
      %get3A_260 = arith.index_cast %add3A_242 : i32 to index
      %get3A_261 = arith.constant 16 : index
      %get3A_262 = tpu.vector_load %arg13[%get3A_260, %get3A_261] {strides = array<i32>} : memref<80x128xf32, #tpu.memory_space<vmem>>, vector<1x16xf32>,
      %get3A_263 = vector.shape_cast %get3A_262 : vector<1x16xf32> to vector<16xf32>
      %get3A_264 = arith.index_cast %add3A_242 : i32 to index
      %get3A_265 = arith.constant 16 : index
      %get3A_266 = tpu.vector_load %arg11[%get3A_264, %get3A_265] {strides = array<i32>} : memref<80x128xf32, #tpu.memory_space<vmem>>, vector<1x16xf32>,
      %get3A_267 = vector.shape_cast %get3A_266 : vector<1x16xf32> to vector<16xf32>
      %add3A_268 = arith.addf %get3A_263, %get3A_267 : vector<16xf32>
      %max3A_269 = arith.constant 0.000000e+00 : f32
      %max3A_270 = vector.broadcast %max3A_269 : f32 to vector<16xf32>
      %max3A_271 = arith.maximumf %add3A_268, %max3A_270 : vector<16xf32>
      %swap3A_272 = arith.index_cast %add3A_242 : i32 to index
      %swap3A_273 = arith.constant 16 : index
      %swap3A_274 = tpu.vector_load %arg13[%swap3A_272, %swap3A_273] {strides = array<i32>} : memref<80x128xf32, #tpu.memory_space<vmem>>, vector<1x16xf32>,
      %swap3A_275 = vector.shape_cast %swap3A_274 : vector<1x16xf32> to vector<16xf32>
      %swap3A_276 = vector.shape_cast %max3A_271 : vector<16xf32> to vector<1x16xf32>
      tpu.vector_store %arg13[%swap3A_272, %swap3A_273], %swap3A_276 {strides = array<i32>} : memref<80x128xf32, #tpu.memory_space<vmem>>, vector<1x16xf32>,
      %get3A_277 = arith.index_cast %add3A_242 : i32 to index
      %get3A_278 = arith.constant 32 : index
      %get3A_279 = tpu.vector_load %arg13[%get3A_277, %get3A_278] {strides = array<i32>} : memref<80x128xf32, #tpu.memory_space<vmem>>, vector<1x16xf32>,
      %get3A_280 = vector.shape_cast %get3A_279 : vector<1x16xf32> to vector<16xf32>
      %get3A_281 = arith.index_cast %add3A_242 : i32 to index
      %get3A_282 = arith.constant 32 : index
      %get3A_283 = tpu.vector_load %arg11[%get3A_281, %get3A_282] {strides = array<i32>} : memref<80x128xf32, #tpu.memory_space<vmem>>, vector<1x16xf32>,
      %get3A_284 = vector.shape_cast %get3A_283 : vector<1x16xf32> to vector<16xf32>
      %add3A_285 = arith.addf %get3A_280, %get3A_284 : vector<16xf32>
      %max3A_286 = arith.constant 0.000000e+00 : f32
      %max3A_287 = vector.broadcast %max3A_286 : f32 to vector<16xf32>
      %max3A_288 = arith.maximumf %add3A_285, %max3A_287 : vector<16xf32>
      %swap3A_289 = arith.index_cast %add3A_242 : i32 to index
      %swap3A_290 = arith.constant 32 : index
      %swap3A_291 = tpu.vector_load %arg13[%swap3A_289, %swap3A_290] {strides = array<i32>} : memref<80x128xf32, #tpu.memory_space<vmem>>, vector<1x16xf32>,
      %swap3A_292 = vector.shape_cast %swap3A_291 : vector<1x16xf32> to vector<16xf32>
      %swap3A_293 = vector.shape_cast %max3A_288 : vector<16xf32> to vector<1x16xf32>
      tpu.vector_store %arg13[%swap3A_289, %swap3A_290], %swap3A_293 {strides = array<i32>} : memref<80x128xf32, #tpu.memory_space<vmem>>, vector<1x16xf32>,
      %get3A_294 = arith.index_cast %add3A_242 : i32 to index
      %get3A_295 = arith.constant 48 : index
      %get3A_296 = tpu.vector_load %arg13[%get3A_294, %get3A_295] {strides = array<i32>} : memref<80x128xf32, #tpu.memory_space<vmem>>, vector<1x16xf32>,
      %get3A_297 = vector.shape_cast %get3A_296 : vector<1x16xf32> to vector<16xf32>
      %get3A_298 = arith.index_cast %add3A_242 : i32 to index
      %get3A_299 = arith.constant 48 : index
      %get3A_300 = tpu.vector_load %arg11[%get3A_298, %get3A_299] {strides = array<i32>} : memref<80x128xf32, #tpu.memory_space<vmem>>, vector<1x16xf32>,
      %get3A_301 = vector.shape_cast %get3A_300 : vector<1x16xf32> to vector<16xf32>
      %add3A_302 = arith.addf %get3A_297, %get3A_301 : vector<16xf32>
      %max3A_303 = arith.constant 0.000000e+00 : f32
      %max3A_304 = vector.broadcast %max3A_303 : f32 to vector<16xf32>
      %max3A_305 = arith.maximumf %add3A_302, %max3A_304 : vector<16xf32>
      %swap3A_306 = arith.index_cast %add3A_242 : i32 to index
      %swap3A_307 = arith.constant 48 : index
      %swap3A_308 = tpu.vector_load %arg13[%swap3A_306, %swap3A_307] {strides = array<i32>} : memref<80x128xf32, #tpu.memory_space<vmem>>, vector<1x16xf32>,
      %swap3A_309 = vector.shape_cast %swap3A_308 : vector<1x16xf32> to vector<16xf32>
      %swap3A_310 = vector.shape_cast %max3A_305 : vector<16xf32> to vector<1x16xf32>
      tpu.vector_store %arg13[%swap3A_306, %swap3A_307], %swap3A_310 {strides = array<i32>} : memref<80x128xf32, #tpu.memory_space<vmem>>, vector<1x16xf32>,
      %get3A_311 = arith.index_cast %add3A_242 : i32 to index
      %get3A_312 = arith.constant 64 : index
      %get3A_313 = tpu.vector_load %arg13[%get3A_311, %get3A_312] {strides = array<i32>} : memref<80x128xf32, #tpu.memory_space<vmem>>, vector<1x16xf32>,
      %get3A_314 = vector.shape_cast %get3A_313 : vector<1x16xf32> to vector<16xf32>
      %get3A_315 = arith.index_cast %add3A_242 : i32 to index
      %get3A_316 = arith.constant 64 : index
      %get3A_317 = tpu.vector_load %arg11[%get3A_315, %get3A_316] {strides = array<i32>} : memref<80x128xf32, #tpu.memory_space<vmem>>, vector<1x16xf32>,
      %get3A_318 = vector.shape_cast %get3A_317 : vector<1x16xf32> to vector<16xf32>
      %add3A_319 = arith.addf %get3A_314, %get3A_318 : vector<16xf32>
      %max3A_320 = arith.constant 0.000000e+00 : f32
      %max3A_321 = vector.broadcast %max3A_320 : f32 to vector<16xf32>
      %max3A_322 = arith.maximumf %add3A_319, %max3A_321 : vector<16xf32>
      %swap3A_323 = arith.index_cast %add3A_242 : i32 to index
      %swap3A_324 = arith.constant 64 : index
      %swap3A_325 = tpu.vector_load %arg13[%swap3A_323, %swap3A_324] {strides = array<i32>} : memref<80x128xf32, #tpu.memory_space<vmem>>, vector<1x16xf32>,
      %swap3A_326 = vector.shape_cast %swap3A_325 : vector<1x16xf32> to vector<16xf32>
      %swap3A_327 = vector.shape_cast %max3A_322 : vector<16xf32> to vector<1x16xf32>
      tpu.vector_store %arg13[%swap3A_323, %swap3A_324], %swap3A_327 {strides = array<i32>} : memref<80x128xf32, #tpu.memory_space<vmem>>, vector<1x16xf32>,
      %get3A_328 = arith.index_cast %add3A_242 : i32 to index
      %get3A_329 = arith.constant 80 : index
      %get3A_330 = tpu.vector_load %arg13[%get3A_328, %get3A_329] {strides = array<i32>} : memref<80x128xf32, #tpu.memory_space<vmem>>, vector<1x16xf32>,
      %get3A_331 = vector.shape_cast %get3A_330 : vector<1x16xf32> to vector<16xf32>
      %get3A_332 = arith.index_cast %add3A_242 : i32 to index
      %get3A_333 = arith.constant 80 : index
      %get3A_334 = tpu.vector_load %arg11[%get3A_332, %get3A_333] {strides = array<i32>} : memref<80x128xf32, #tpu.memory_space<vmem>>, vector<1x16xf32>,
      %get3A_335 = vector.shape_cast %get3A_334 : vector<1x16xf32> to vector<16xf32>
      %add3A_336 = arith.addf %get3A_331, %get3A_335 : vector<16xf32>
      %max3A_337 = arith.constant 0.000000e+00 : f32
      %max3A_338 = vector.broadcast %max3A_337 : f32 to vector<16xf32>
      %max3A_339 = arith.maximumf %add3A_336, %max3A_338 : vector<16xf32>
      %swap3A_340 = arith.index_cast %add3A_242 : i32 to index
      %swap3A_341 = arith.constant 80 : index
      %swap3A_342 = tpu.vector_load %arg13[%swap3A_340, %swap3A_341] {strides = array<i32>} : memref<80x128xf32, #tpu.memory_space<vmem>>, vector<1x16xf32>,
      %swap3A_343 = vector.shape_cast %swap3A_342 : vector<1x16xf32> to vector<16xf32>
      %swap3A_344 = vector.shape_cast %max3A_339 : vector<16xf32> to vector<1x16xf32>
      tpu.vector_store %arg13[%swap3A_340, %swap3A_341], %swap3A_344 {strides = array<i32>} : memref<80x128xf32, #tpu.memory_space<vmem>>, vector<1x16xf32>,
      %get3A_345 = arith.index_cast %add3A_242 : i32 to index
      %get3A_346 = arith.constant 96 : index
      %get3A_347 = tpu.vector_load %arg13[%get3A_345, %get3A_346] {strides = array<i32>} : memref<80x128xf32, #tpu.memory_space<vmem>>, vector<1x16xf32>,
      %get3A_348 = vector.shape_cast %get3A_347 : vector<1x16xf32> to vector<16xf32>
      %get3A_349 = arith.index_cast %add3A_242 : i32 to index
      %get3A_350 = arith.constant 96 : index
      %get3A_351 = tpu.vector_load %arg11[%get3A_349, %get3A_350] {strides = array<i32>} : memref<80x128xf32, #tpu.memory_space<vmem>>, vector<1x16xf32>,
      %get3A_352 = vector.shape_cast %get3A_351 : vector<1x16xf32> to vector<16xf32>
      %add3A_353 = arith.addf %get3A_348, %get3A_352 : vector<16xf32>
      %max3A_354 = arith.constant 0.000000e+00 : f32
      %max3A_355 = vector.broadcast %max3A_354 : f32 to vector<16xf32>
      %max3A_356 = arith.maximumf %add3A_353, %max3A_355 : vector<16xf32>
      %swap3A_357 = arith.index_cast %add3A_242 : i32 to index
      %swap3A_358 = arith.constant 96 : index
      %swap3A_359 = tpu.vector_load %arg13[%swap3A_357, %swap3A_358] {strides = array<i32>} : memref<80x128xf32, #tpu.memory_space<vmem>>, vector<1x16xf32>,
      %swap3A_360 = vector.shape_cast %swap3A_359 : vector<1x16xf32> to vector<16xf32>
      %swap3A_361 = vector.shape_cast %max3A_356 : vector<16xf32> to vector<1x16xf32>
      tpu.vector_store %arg13[%swap3A_357, %swap3A_358], %swap3A_361 {strides = array<i32>} : memref<80x128xf32, #tpu.memory_space<vmem>>, vector<1x16xf32>,
      %get3A_362 = arith.index_cast %add3A_242 : i32 to index
      %get3A_363 = arith.constant 112 : index
      %get3A_364 = tpu.vector_load %arg13[%get3A_362, %get3A_363] {strides = array<i32>} : memref<80x128xf32, #tpu.memory_space<vmem>>, vector<1x16xf32>,
      %get3A_365 = vector.shape_cast %get3A_364 : vector<1x16xf32> to vector<16xf32>
      %get3A_366 = arith.index_cast %add3A_242 : i32 to index
      %get3A_367 = arith.constant 112 : index
      %get3A_368 = tpu.vector_load %arg11[%get3A_366, %get3A_367] {strides = array<i32>} : memref<80x128xf32, #tpu.memory_space<vmem>>, vector<1x16xf32>,
      %get3A_369 = vector.shape_cast %get3A_368 : vector<1x16xf32> to vector<16xf32>
      %add3A_370 = arith.addf %get3A_365, %get3A_369 : vector<16xf32>
      %max3A_371 = arith.constant 0.000000e+00 : f32
      %max3A_372 = vector.broadcast %max3A_371 : f32 to vector<16xf32>
      %max3A_373 = arith.maximumf %add3A_370, %max3A_372 : vector<16xf32>
      %swap3A_374 = arith.index_cast %add3A_242 : i32 to index
      %swap3A_375 = arith.constant 112 : index
      %swap3A_376 = tpu.vector_load %arg13[%swap3A_374, %swap3A_375] {strides = array<i32>} : memref<80x128xf32, #tpu.memory_space<vmem>>, vector<1x16xf32>,
      %swap3A_377 = vector.shape_cast %swap3A_376 : vector<1x16xf32> to vector<16xf32>
      %swap3A_378 = vector.shape_cast %max3A_373 : vector<16xf32> to vector<1x16xf32>
      tpu.vector_store %arg13[%swap3A_374, %swap3A_375], %swap3A_378 {strides = array<i32>} : memref<80x128xf32, #tpu.memory_space<vmem>>, vector<1x16xf32>,
      %mul3A_379 = arith.constant 4 : i32
      %mul3A_380 = arith.muli %mul3A_379, %scan3A_101 : i32
      %add3A_381 = arith.constant 2 : i32
      %add3A_382 = arith.addi %mul3A_380, %add3A_381 : i32
      %get3A_383 = arith.index_cast %add3A_382 : i32 to index
      %get3A_384 = arith.constant 0 : index
      %get3A_385 = tpu.vector_load %arg13[%get3A_383, %get3A_384] {strides = array<i32>} : memref<80x128xf32, #tpu.memory_space<vmem>>, vector<1x16xf32>,
      %get3A_386 = vector.shape_cast %get3A_385 : vector<1x16xf32> to vector<16xf32>
      %get3A_387 = arith.index_cast %add3A_382 : i32 to index
      %get3A_388 = arith.constant 0 : index
      %get3A_389 = tpu.vector_load %arg11[%get3A_387, %get3A_388] {strides = array<i32>} : memref<80x128xf32, #tpu.memory_space<vmem>>, vector<1x16xf32>,
      %get3A_390 = vector.shape_cast %get3A_389 : vector<1x16xf32> to vector<16xf32>
      %add3A_391 = arith.addf %get3A_386, %get3A_390 : vector<16xf32>
      %max3A_392 = arith.constant 0.000000e+00 : f32
      %max3A_393 = vector.broadcast %max3A_392 : f32 to vector<16xf32>
      %max3A_394 = arith.maximumf %add3A_391, %max3A_393 : vector<16xf32>
      %swap3A_395 = arith.index_cast %add3A_382 : i32 to index
      %swap3A_396 = arith.constant 0 : index
      %swap3A_397 = tpu.vector_load %arg13[%swap3A_395, %swap3A_396] {strides = array<i32>} : memref<80x128xf32, #tpu.memory_space<vmem>>, vector<1x16xf32>,
      %swap3A_398 = vector.shape_cast %swap3A_397 : vector<1x16xf32> to vector<16xf32>
      %swap3A_399 = vector.shape_cast %max3A_394 : vector<16xf32> to vector<1x16xf32>
      tpu.vector_store %arg13[%swap3A_395, %swap3A_396], %swap3A_399 {strides = array<i32>} : memref<80x128xf32, #tpu.memory_space<vmem>>, vector<1x16xf32>,
      %get3A_400 = arith.index_cast %add3A_382 : i32 to index
      %get3A_401 = arith.constant 16 : index
      %get3A_402 = tpu.vector_load %arg13[%get3A_400, %get3A_401] {strides = array<i32>} : memref<80x128xf32, #tpu.memory_space<vmem>>, vector<1x16xf32>,
      %get3A_403 = vector.shape_cast %get3A_402 : vector<1x16xf32> to vector<16xf32>
      %get3A_404 = arith.index_cast %add3A_382 : i32 to index
      %get3A_405 = arith.constant 16 : index
      %get3A_406 = tpu.vector_load %arg11[%get3A_404, %get3A_405] {strides = array<i32>} : memref<80x128xf32, #tpu.memory_space<vmem>>, vector<1x16xf32>,
      %get3A_407 = vector.shape_cast %get3A_406 : vector<1x16xf32> to vector<16xf32>
      %add3A_408 = arith.addf %get3A_403, %get3A_407 : vector<16xf32>
      %max3A_409 = arith.constant 0.000000e+00 : f32
      %max3A_410 = vector.broadcast %max3A_409 : f32 to vector<16xf32>
      %max3A_411 = arith.maximumf %add3A_408, %max3A_410 : vector<16xf32>
      %swap3A_412 = arith.index_cast %add3A_382 : i32 to index
      %swap3A_413 = arith.constant 16 : index
      %swap3A_414 = tpu.vector_load %arg13[%swap3A_412, %swap3A_413] {strides = array<i32>} : memref<80x128xf32, #tpu.memory_space<vmem>>, vector<1x16xf32>,
      %swap3A_415 = vector.shape_cast %swap3A_414 : vector<1x16xf32> to vector<16xf32>
      %swap3A_416 = vector.shape_cast %max3A_411 : vector<16xf32> to vector<1x16xf32>
      tpu.vector_store %arg13[%swap3A_412, %swap3A_413], %swap3A_416 {strides = array<i32>} : memref<80x128xf32, #tpu.memory_space<vmem>>, vector<1x16xf32>,
      %get3A_417 = arith.index_cast %add3A_382 : i32 to index
      %get3A_418 = arith.constant 32 : index
      %get3A_419 = tpu.vector_load %arg13[%get3A_417, %get3A_418] {strides = array<i32>} : memref<80x128xf32, #tpu.memory_space<vmem>>, vector<1x16xf32>,
      %get3A_420 = vector.shape_cast %get3A_419 : vector<1x16xf32> to vector<16xf32>
      %get3A_421 = arith.index_cast %add3A_382 : i32 to index
      %get3A_422 = arith.constant 32 : index
      %get3A_423 = tpu.vector_load %arg11[%get3A_421, %get3A_422] {strides = array<i32>} : memref<80x128xf32, #tpu.memory_space<vmem>>, vector<1x16xf32>,
      %get3A_424 = vector.shape_cast %get3A_423 : vector<1x16xf32> to vector<16xf32>
      %add3A_425 = arith.addf %get3A_420, %get3A_424 : vector<16xf32>
      %max3A_426 = arith.constant 0.000000e+00 : f32
      %max3A_427 = vector.broadcast %max3A_426 : f32 to vector<16xf32>
      %max3A_428 = arith.maximumf %add3A_425, %max3A_427 : vector<16xf32>
      %swap3A_429 = arith.index_cast %add3A_382 : i32 to index
      %swap3A_430 = arith.constant 32 : index
      %swap3A_431 = tpu.vector_load %arg13[%swap3A_429, %swap3A_430] {strides = array<i32>} : memref<80x128xf32, #tpu.memory_space<vmem>>, vector<1x16xf32>,
      %swap3A_432 = vector.shape_cast %swap3A_431 : vector<1x16xf32> to vector<16xf32>
      %swap3A_433 = vector.shape_cast %max3A_428 : vector<16xf32> to vector<1x16xf32>
      tpu.vector_store %arg13[%swap3A_429, %swap3A_430], %swap3A_433 {strides = array<i32>} : memref<80x128xf32, #tpu.memory_space<vmem>>, vector<1x16xf32>,
      %get3A_434 = arith.index_cast %add3A_382 : i32 to index
      %get3A_435 = arith.constant 48 : index
      %get3A_436 = tpu.vector_load %arg13[%get3A_434, %get3A_435] {strides = array<i32>} : memref<80x128xf32, #tpu.memory_space<vmem>>, vector<1x16xf32>,
      %get3A_437 = vector.shape_cast %get3A_436 : vector<1x16xf32> to vector<16xf32>
      %get3A_438 = arith.index_cast %add3A_382 : i32 to index
      %get3A_439 = arith.constant 48 : index
      %get3A_440 = tpu.vector_load %arg11[%get3A_438, %get3A_439] {strides = array<i32>} : memref<80x128xf32, #tpu.memory_space<vmem>>, vector<1x16xf32>,
      %get3A_441 = vector.shape_cast %get3A_440 : vector<1x16xf32> to vector<16xf32>
      %add3A_442 = arith.addf %get3A_437, %get3A_441 : vector<16xf32>
      %max3A_443 = arith.constant 0.000000e+00 : f32
      %max3A_444 = vector.broadcast %max3A_443 : f32 to vector<16xf32>
      %max3A_445 = arith.maximumf %add3A_442, %max3A_444 : vector<16xf32>
      %swap3A_446 = arith.index_cast %add3A_382 : i32 to index
      %swap3A_447 = arith.constant 48 : index
      %swap3A_448 = tpu.vector_load %arg13[%swap3A_446, %swap3A_447] {strides = array<i32>} : memref<80x128xf32, #tpu.memory_space<vmem>>, vector<1x16xf32>,
      %swap3A_449 = vector.shape_cast %swap3A_448 : vector<1x16xf32> to vector<16xf32>
      %swap3A_450 = vector.shape_cast %max3A_445 : vector<16xf32> to vector<1x16xf32>
      tpu.vector_store %arg13[%swap3A_446, %swap3A_447], %swap3A_450 {strides = array<i32>} : memref<80x128xf32, #tpu.memory_space<vmem>>, vector<1x16xf32>,
      %get3A_451 = arith.index_cast %add3A_382 : i32 to index
      %get3A_452 = arith.constant 64 : index
      %get3A_453 = tpu.vector_load %arg13[%get3A_451, %get3A_452] {strides = array<i32>} : memref<80x128xf32, #tpu.memory_space<vmem>>, vector<1x16xf32>,
      %get3A_454 = vector.shape_cast %get3A_453 : vector<1x16xf32> to vector<16xf32>
      %get3A_455 = arith.index_cast %add3A_382 : i32 to index
      %get3A_456 = arith.constant 64 : index
      %get3A_457 = tpu.vector_load %arg11[%get3A_455, %get3A_456] {strides = array<i32>} : memref<80x128xf32, #tpu.memory_space<vmem>>, vector<1x16xf32>,
      %get3A_458 = vector.shape_cast %get3A_457 : vector<1x16xf32> to vector<16xf32>
      %add3A_459 = arith.addf %get3A_454, %get3A_458 : vector<16xf32>
      %max3A_460 = arith.constant 0.000000e+00 : f32
      %max3A_461 = vector.broadcast %max3A_460 : f32 to vector<16xf32>
      %max3A_462 = arith.maximumf %add3A_459, %max3A_461 : vector<16xf32>
      %swap3A_463 = arith.index_cast %add3A_382 : i32 to index
      %swap3A_464 = arith.constant 64 : index
      %swap3A_465 = tpu.vector_load %arg13[%swap3A_463, %swap3A_464] {strides = array<i32>} : memref<80x128xf32, #tpu.memory_space<vmem>>, vector<1x16xf32>,
      %swap3A_466 = vector.shape_cast %swap3A_465 : vector<1x16xf32> to vector<16xf32>
      %swap3A_467 = vector.shape_cast %max3A_462 : vector<16xf32> to vector<1x16xf32>
      tpu.vector_store %arg13[%swap3A_463, %swap3A_464], %swap3A_467 {strides = array<i32>} : memref<80x128xf32, #tpu.memory_space<vmem>>, vector<1x16xf32>,
      %get3A_468 = arith.index_cast %add3A_382 : i32 to index
      %get3A_469 = arith.constant 80 : index
      %get3A_470 = tpu.vector_load %arg13[%get3A_468, %get3A_469] {strides = array<i32>} : memref<80x128xf32, #tpu.memory_space<vmem>>, vector<1x16xf32>,
      %get3A_471 = vector.shape_cast %get3A_470 : vector<1x16xf32> to vector<16xf32>
      %get3A_472 = arith.index_cast %add3A_382 : i32 to index
      %get3A_473 = arith.constant 80 : index
      %get3A_474 = tpu.vector_load %arg11[%get3A_472, %get3A_473] {strides = array<i32>} : memref<80x128xf32, #tpu.memory_space<vmem>>, vector<1x16xf32>,
      %get3A_475 = vector.shape_cast %get3A_474 : vector<1x16xf32> to vector<16xf32>
      %add3A_476 = arith.addf %get3A_471, %get3A_475 : vector<16xf32>
      %max3A_477 = arith.constant 0.000000e+00 : f32
      %max3A_478 = vector.broadcast %max3A_477 : f32 to vector<16xf32>
      %max3A_479 = arith.maximumf %add3A_476, %max3A_478 : vector<16xf32>
      %swap3A_480 = arith.index_cast %add3A_382 : i32 to index
      %swap3A_481 = arith.constant 80 : index
      %swap3A_482 = tpu.vector_load %arg13[%swap3A_480, %swap3A_481] {strides = array<i32>} : memref<80x128xf32, #tpu.memory_space<vmem>>, vector<1x16xf32>,
      %swap3A_483 = vector.shape_cast %swap3A_482 : vector<1x16xf32> to vector<16xf32>
      %swap3A_484 = vector.shape_cast %max3A_479 : vector<16xf32> to vector<1x16xf32>
      tpu.vector_store %arg13[%swap3A_480, %swap3A_481], %swap3A_484 {strides = array<i32>} : memref<80x128xf32, #tpu.memory_space<vmem>>, vector<1x16xf32>,
      %get3A_485 = arith.index_cast %add3A_382 : i32 to index
      %get3A_486 = arith.constant 96 : index
      %get3A_487 = tpu.vector_load %arg13[%get3A_485, %get3A_486] {strides = array<i32>} : memref<80x128xf32, #tpu.memory_space<vmem>>, vector<1x16xf32>,
      %get3A_488 = vector.shape_cast %get3A_487 : vector<1x16xf32> to vector<16xf32>
      %get3A_489 = arith.index_cast %add3A_382 : i32 to index
      %get3A_490 = arith.constant 96 : index
      %get3A_491 = tpu.vector_load %arg11[%get3A_489, %get3A_490] {strides = array<i32>} : memref<80x128xf32, #tpu.memory_space<vmem>>, vector<1x16xf32>,
      %get3A_492 = vector.shape_cast %get3A_491 : vector<1x16xf32> to vector<16xf32>
      %add3A_493 = arith.addf %get3A_488, %get3A_492 : vector<16xf32>
      %max3A_494 = arith.constant 0.000000e+00 : f32
      %max3A_495 = vector.broadcast %max3A_494 : f32 to vector<16xf32>
      %max3A_496 = arith.maximumf %add3A_493, %max3A_495 : vector<16xf32>
      %swap3A_497 = arith.index_cast %add3A_382 : i32 to index
      %swap3A_498 = arith.constant 96 : index
      %swap3A_499 = tpu.vector_load %arg13[%swap3A_497, %swap3A_498] {strides = array<i32>} : memref<80x128xf32, #tpu.memory_space<vmem>>, vector<1x16xf32>,
      %swap3A_500 = vector.shape_cast %swap3A_499 : vector<1x16xf32> to vector<16xf32>
      %swap3A_501 = vector.shape_cast %max3A_496 : vector<16xf32> to vector<1x16xf32>
      tpu.vector_store %arg13[%swap3A_497, %swap3A_498], %swap3A_501 {strides = array<i32>} : memref<80x128xf32, #tpu.memory_space<vmem>>, vector<1x16xf32>,
      %get3A_502 = arith.index_cast %add3A_382 : i32 to index
      %get3A_503 = arith.constant 112 : index
      %get3A_504 = tpu.vector_load %arg13[%get3A_502, %get3A_503] {strides = array<i32>} : memref<80x128xf32, #tpu.memory_space<vmem>>, vector<1x16xf32>,
      %get3A_505 = vector.shape_cast %get3A_504 : vector<1x16xf32> to vector<16xf32>
      %get3A_506 = arith.index_cast %add3A_382 : i32 to index
      %get3A_507 = arith.constant 112 : index
      %get3A_508 = tpu.vector_load %arg11[%get3A_506, %get3A_507] {strides = array<i32>} : memref<80x128xf32, #tpu.memory_space<vmem>>, vector<1x16xf32>,
      %get3A_509 = vector.shape_cast %get3A_508 : vector<1x16xf32> to vector<16xf32>
      %add3A_510 = arith.addf %get3A_505, %get3A_509 : vector<16xf32>
      %max3A_511 = arith.constant 0.000000e+00 : f32
      %max3A_512 = vector.broadcast %max3A_511 : f32 to vector<16xf32>
      %max3A_513 = arith.maximumf %add3A_510, %max3A_512 : vector<16xf32>
      %swap3A_514 = arith.index_cast %add3A_382 : i32 to index
      %swap3A_515 = arith.constant 112 : index
      %swap3A_516 = tpu.vector_load %arg13[%swap3A_514, %swap3A_515] {strides = array<i32>} : memref<80x128xf32, #tpu.memory_space<vmem>>, vector<1x16xf32>,
      %swap3A_517 = vector.shape_cast %swap3A_516 : vector<1x16xf32> to vector<16xf32>
      %swap3A_518 = vector.shape_cast %max3A_513 : vector<16xf32> to vector<1x16xf32>
      tpu.vector_store %arg13[%swap3A_514, %swap3A_515], %swap3A_518 {strides = array<i32>} : memref<80x128xf32, #tpu.memory_space<vmem>>, vector<1x16xf32>,
      %mul3A_519 = arith.constant 4 : i32
      %mul3A_520 = arith.muli %mul3A_519, %scan3A_101 : i32
      %add3A_521 = arith.constant 3 : i32
      %add3A_522 = arith.addi %mul3A_520, %add3A_521 : i32
      %get3A_523 = arith.index_cast %add3A_522 : i32 to index
      %get3A_524 = arith.constant 0 : index
      %get3A_525 = tpu.vector_load %arg13[%get3A_523, %get3A_524] {strides = array<i32>} : memref<80x128xf32, #tpu.memory_space<vmem>>, vector<1x16xf32>,
      %get3A_526 = vector.shape_cast %get3A_525 : vector<1x16xf32> to vector<16xf32>
      %get3A_527 = arith.index_cast %add3A_522 : i32 to index
      %get3A_528 = arith.constant 0 : index
      %get3A_529 = tpu.vector_load %arg11[%get3A_527, %get3A_528] {strides = array<i32>} : memref<80x128xf32, #tpu.memory_space<vmem>>, vector<1x16xf32>,
      %get3A_530 = vector.shape_cast %get3A_529 : vector<1x16xf32> to vector<16xf32>
      %add3A_531 = arith.addf %get3A_526, %get3A_530 : vector<16xf32>
      %max3A_532 = arith.constant 0.000000e+00 : f32
      %max3A_533 = vector.broadcast %max3A_532 : f32 to vector<16xf32>
      %max3A_534 = arith.maximumf %add3A_531, %max3A_533 : vector<16xf32>
      %swap3A_535 = arith.index_cast %add3A_522 : i32 to index
      %swap3A_536 = arith.constant 0 : index
      %swap3A_537 = tpu.vector_load %arg13[%swap3A_535, %swap3A_536] {strides = array<i32>} : memref<80x128xf32, #tpu.memory_space<vmem>>, vector<1x16xf32>,
      %swap3A_538 = vector.shape_cast %swap3A_537 : vector<1x16xf32> to vector<16xf32>
      %swap3A_539 = vector.shape_cast %max3A_534 : vector<16xf32> to vector<1x16xf32>
      tpu.vector_store %arg13[%swap3A_535, %swap3A_536], %swap3A_539 {strides = array<i32>} : memref<80x128xf32, #tpu.memory_space<vmem>>, vector<1x16xf32>,
      %get3A_540 = arith.index_cast %add3A_522 : i32 to index
      %get3A_541 = arith.constant 16 : index
      %get3A_542 = tpu.vector_load %arg13[%get3A_540, %get3A_541] {strides = array<i32>} : memref<80x128xf32, #tpu.memory_space<vmem>>, vector<1x16xf32>,
      %get3A_543 = vector.shape_cast %get3A_542 : vector<1x16xf32> to vector<16xf32>
      %get3A_544 = arith.index_cast %add3A_522 : i32 to index
      %get3A_545 = arith.constant 16 : index
      %get3A_546 = tpu.vector_load %arg11[%get3A_544, %get3A_545] {strides = array<i32>} : memref<80x128xf32, #tpu.memory_space<vmem>>, vector<1x16xf32>,
      %get3A_547 = vector.shape_cast %get3A_546 : vector<1x16xf32> to vector<16xf32>
      %add3A_548 = arith.addf %get3A_543, %get3A_547 : vector<16xf32>
      %max3A_549 = arith.constant 0.000000e+00 : f32
      %max3A_550 = vector.broadcast %max3A_549 : f32 to vector<16xf32>
      %max3A_551 = arith.maximumf %add3A_548, %max3A_550 : vector<16xf32>
      %swap3A_552 = arith.index_cast %add3A_522 : i32 to index
      %swap3A_553 = arith.constant 16 : index
      %swap3A_554 = tpu.vector_load %arg13[%swap3A_552, %swap3A_553] {strides = array<i32>} : memref<80x128xf32, #tpu.memory_space<vmem>>, vector<1x16xf32>,
      %swap3A_555 = vector.shape_cast %swap3A_554 : vector<1x16xf32> to vector<16xf32>
      %swap3A_556 = vector.shape_cast %max3A_551 : vector<16xf32> to vector<1x16xf32>
      tpu.vector_store %arg13[%swap3A_552, %swap3A_553], %swap3A_556 {strides = array<i32>} : memref<80x128xf32, #tpu.memory_space<vmem>>, vector<1x16xf32>,
      %get3A_557 = arith.index_cast %add3A_522 : i32 to index
      %get3A_558 = arith.constant 32 : index
      %get3A_559 = tpu.vector_load %arg13[%get3A_557, %get3A_558] {strides = array<i32>} : memref<80x128xf32, #tpu.memory_space<vmem>>, vector<1x16xf32>,
      %get3A_560 = vector.shape_cast %get3A_559 : vector<1x16xf32> to vector<16xf32>
      %get3A_561 = arith.index_cast %add3A_522 : i32 to index
      %get3A_562 = arith.constant 32 : index
      %get3A_563 = tpu.vector_load %arg11[%get3A_561, %get3A_562] {strides = array<i32>} : memref<80x128xf32, #tpu.memory_space<vmem>>, vector<1x16xf32>,
      %get3A_564 = vector.shape_cast %get3A_563 : vector<1x16xf32> to vector<16xf32>
      %add3A_565 = arith.addf %get3A_560, %get3A_564 : vector<16xf32>
      %max3A_566 = arith.constant 0.000000e+00 : f32
      %max3A_567 = vector.broadcast %max3A_566 : f32 to vector<16xf32>
      %max3A_568 = arith.maximumf %add3A_565, %max3A_567 : vector<16xf32>
      %swap3A_569 = arith.index_cast %add3A_522 : i32 to index
      %swap3A_570 = arith.constant 32 : index
      %swap3A_571 = tpu.vector_load %arg13[%swap3A_569, %swap3A_570] {strides = array<i32>} : memref<80x128xf32, #tpu.memory_space<vmem>>, vector<1x16xf32>,
      %swap3A_572 = vector.shape_cast %swap3A_571 : vector<1x16xf32> to vector<16xf32>
      %swap3A_573 = vector.shape_cast %max3A_568 : vector<16xf32> to vector<1x16xf32>
      tpu.vector_store %arg13[%swap3A_569, %swap3A_570], %swap3A_573 {strides = array<i32>} : memref<80x128xf32, #tpu.memory_space<vmem>>, vector<1x16xf32>,
      %get3A_574 = arith.index_cast %add3A_522 : i32 to index
      %get3A_575 = arith.constant 48 : index
      %get3A_576 = tpu.vector_load %arg13[%get3A_574, %get3A_575] {strides = array<i32>} : memref<80x128xf32, #tpu.memory_space<vmem>>, vector<1x16xf32>,
      %get3A_577 = vector.shape_cast %get3A_576 : vector<1x16xf32> to vector<16xf32>
      %get3A_578 = arith.index_cast %add3A_522 : i32 to index
      %get3A_579 = arith.constant 48 : index
      %get3A_580 = tpu.vector_load %arg11[%get3A_578, %get3A_579] {strides = array<i32>} : memref<80x128xf32, #tpu.memory_space<vmem>>, vector<1x16xf32>,
      %get3A_581 = vector.shape_cast %get3A_580 : vector<1x16xf32> to vector<16xf32>
      %add3A_582 = arith.addf %get3A_577, %get3A_581 : vector<16xf32>
      %max3A_583 = arith.constant 0.000000e+00 : f32
      %max3A_584 = vector.broadcast %max3A_583 : f32 to vector<16xf32>
      %max3A_585 = arith.maximumf %add3A_582, %max3A_584 : vector<16xf32>
      %swap3A_586 = arith.index_cast %add3A_522 : i32 to index
      %swap3A_587 = arith.constant 48 : index
      %swap3A_588 = tpu.vector_load %arg13[%swap3A_586, %swap3A_587] {strides = array<i32>} : memref<80x128xf32, #tpu.memory_space<vmem>>, vector<1x16xf32>,
      %swap3A_589 = vector.shape_cast %swap3A_588 : vector<1x16xf32> to vector<16xf32>
      %swap3A_590 = vector.shape_cast %max3A_585 : vector<16xf32> to vector<1x16xf32>
      tpu.vector_store %arg13[%swap3A_586, %swap3A_587], %swap3A_590 {strides = array<i32>} : memref<80x128xf32, #tpu.memory_space<vmem>>, vector<1x16xf32>,
      %get3A_591 = arith.index_cast %add3A_522 : i32 to index
      %get3A_592 = arith.constant 64 : index
      %get3A_593 = tpu.vector_load %arg13[%get3A_591, %get3A_592] {strides = array<i32>} : memref<80x128xf32, #tpu.memory_space<vmem>>, vector<1x16xf32>,
      %get3A_594 = vector.shape_cast %get3A_593 : vector<1x16xf32> to vector<16xf32>
      %get3A_595 = arith.index_cast %add3A_522 : i32 to index
      %get3A_596 = arith.constant 64 : index
      %get3A_597 = tpu.vector_load %arg11[%get3A_595, %get3A_596] {strides = array<i32>} : memref<80x128xf32, #tpu.memory_space<vmem>>, vector<1x16xf32>,
      %get3A_598 = vector.shape_cast %get3A_597 : vector<1x16xf32> to vector<16xf32>
      %add3A_599 = arith.addf %get3A_594, %get3A_598 : vector<16xf32>
      %max3A_600 = arith.constant 0.000000e+00 : f32
      %max3A_601 = vector.broadcast %max3A_600 : f32 to vector<16xf32>
      %max3A_602 = arith.maximumf %add3A_599, %max3A_601 : vector<16xf32>
      %swap3A_603 = arith.index_cast %add3A_522 : i32 to index
      %swap3A_604 = arith.constant 64 : index
      %swap3A_605 = tpu.vector_load %arg13[%swap3A_603, %swap3A_604] {strides = array<i32>} : memref<80x128xf32, #tpu.memory_space<vmem>>, vector<1x16xf32>,
      %swap3A_606 = vector.shape_cast %swap3A_605 : vector<1x16xf32> to vector<16xf32>
      %swap3A_607 = vector.shape_cast %max3A_602 : vector<16xf32> to vector<1x16xf32>
      tpu.vector_store %arg13[%swap3A_603, %swap3A_604], %swap3A_607 {strides = array<i32>} : memref<80x128xf32, #tpu.memory_space<vmem>>, vector<1x16xf32>,
      %get3A_608 = arith.index_cast %add3A_522 : i32 to index
      %get3A_609 = arith.constant 80 : index
      %get3A_610 = tpu.vector_load %arg13[%get3A_608, %get3A_609] {strides = array<i32>} : memref<80x128xf32, #tpu.memory_space<vmem>>, vector<1x16xf32>,
      %get3A_611 = vector.shape_cast %get3A_610 : vector<1x16xf32> to vector<16xf32>
      %get3A_612 = arith.index_cast %add3A_522 : i32 to index
      %get3A_613 = arith.constant 80 : index
      %get3A_614 = tpu.vector_load %arg11[%get3A_612, %get3A_613] {strides = array<i32>} : memref<80x128xf32, #tpu.memory_space<vmem>>, vector<1x16xf32>,
      %get3A_615 = vector.shape_cast %get3A_614 : vector<1x16xf32> to vector<16xf32>
      %add3A_616 = arith.addf %get3A_611, %get3A_615 : vector<16xf32>
      %max3A_617 = arith.constant 0.000000e+00 : f32
      %max3A_618 = vector.broadcast %max3A_617 : f32 to vector<16xf32>
      %max3A_619 = arith.maximumf %add3A_616, %max3A_618 : vector<16xf32>
      %swap3A_620 = arith.index_cast %add3A_522 : i32 to index
      %swap3A_621 = arith.constant 80 : index
      %swap3A_622 = tpu.vector_load %arg13[%swap3A_620, %swap3A_621] {strides = array<i32>} : memref<80x128xf32, #tpu.memory_space<vmem>>, vector<1x16xf32>,
      %swap3A_623 = vector.shape_cast %swap3A_622 : vector<1x16xf32> to vector<16xf32>
      %swap3A_624 = vector.shape_cast %max3A_619 : vector<16xf32> to vector<1x16xf32>
      tpu.vector_store %arg13[%swap3A_620, %swap3A_621], %swap3A_624 {strides = array<i32>} : memref<80x128xf32, #tpu.memory_space<vmem>>, vector<1x16xf32>,
      %get3A_625 = arith.index_cast %add3A_522 : i32 to index
      %get3A_626 = arith.constant 96 : index
      %get3A_627 = tpu.vector_load %arg13[%get3A_625, %get3A_626] {strides = array<i32>} : memref<80x128xf32, #tpu.memory_space<vmem>>, vector<1x16xf32>,
      %get3A_628 = vector.shape_cast %get3A_627 : vector<1x16xf32> to vector<16xf32>
      %get3A_629 = arith.index_cast %add3A_522 : i32 to index
      %get3A_630 = arith.constant 96 : index
      %get3A_631 = tpu.vector_load %arg11[%get3A_629, %get3A_630] {strides = array<i32>} : memref<80x128xf32, #tpu.memory_space<vmem>>, vector<1x16xf32>,
      %get3A_632 = vector.shape_cast %get3A_631 : vector<1x16xf32> to vector<16xf32>
      %add3A_633 = arith.addf %get3A_628, %get3A_632 : vector<16xf32>
      %max3A_634 = arith.constant 0.000000e+00 : f32
      %max3A_635 = vector.broadcast %max3A_634 : f32 to vector<16xf32>
      %max3A_636 = arith.maximumf %add3A_633, %max3A_635 : vector<16xf32>
      %swap3A_637 = arith.index_cast %add3A_522 : i32 to index
      %swap3A_638 = arith.constant 96 : index
      %swap3A_639 = tpu.vector_load %arg13[%swap3A_637, %swap3A_638] {strides = array<i32>} : memref<80x128xf32, #tpu.memory_space<vmem>>, vector<1x16xf32>,
      %swap3A_640 = vector.shape_cast %swap3A_639 : vector<1x16xf32> to vector<16xf32>
      %swap3A_641 = vector.shape_cast %max3A_636 : vector<16xf32> to vector<1x16xf32>
      tpu.vector_store %arg13[%swap3A_637, %swap3A_638], %swap3A_641 {strides = array<i32>} : memref<80x128xf32, #tpu.memory_space<vmem>>, vector<1x16xf32>,
      %get3A_642 = arith.index_cast %add3A_522 : i32 to index
      %get3A_643 = arith.constant 112 : index
      %get3A_644 = tpu.vector_load %arg13[%get3A_642, %get3A_643] {strides = array<i32>} : memref<80x128xf32, #tpu.memory_space<vmem>>, vector<1x16xf32>,
      %get3A_645 = vector.shape_cast %get3A_644 : vector<1x16xf32> to vector<16xf32>
      %get3A_646 = arith.index_cast %add3A_522 : i32 to index
      %get3A_647 = arith.constant 112 : index
      %get3A_648 = tpu.vector_load %arg11[%get3A_646, %get3A_647] {strides = array<i32>} : memref<80x128xf32, #tpu.memory_space<vmem>>, vector<1x16xf32>,
      %get3A_649 = vector.shape_cast %get3A_648 : vector<1x16xf32> to vector<16xf32>
      %add3A_650 = arith.addf %get3A_645, %get3A_649 : vector<16xf32>
      %max3A_651 = arith.constant 0.000000e+00 : f32
      %max3A_652 = vector.broadcast %max3A_651 : f32 to vector<16xf32>
      %max3A_653 = arith.maximumf %add3A_650, %max3A_652 : vector<16xf32>
      %swap3A_654 = arith.index_cast %add3A_522 : i32 to index
      %swap3A_655 = arith.constant 112 : index
      %swap3A_656 = tpu.vector_load %arg13[%swap3A_654, %swap3A_655] {strides = array<i32>} : memref<80x128xf32, #tpu.memory_space<vmem>>, vector<1x16xf32>,
      %swap3A_657 = vector.shape_cast %swap3A_656 : vector<1x16xf32> to vector<16xf32>
      %swap3A_658 = vector.shape_cast %max3A_653 : vector<16xf32> to vector<1x16xf32>
      tpu.vector_store %arg13[%swap3A_654, %swap3A_655], %swap3A_658 {strides = array<i32>} : memref<80x128xf32, #tpu.memory_space<vmem>>, vector<1x16xf32>,
    }
    %scan3A_67 = arith.constant 20 : i32
    %mul3A_68 = arith.constant 10000 : i32
    %mul3A_69 = arith.muli %add3A, %mul3A_68 : i32
    %add3A_70 = arith.constant 80 : i32
    %add3A_71 = arith.addi %mul3A_69, %add3A_70 : i32
    %dma_wait3A_72 = tpu.memref_slice %arg3[%add3A_71] : memref<320000xi32, #tpu.memory_space<hbm>> -> memref<80xi32, #tpu.memory_space<hbm>>
    %dma_wait3A_73 = tpu.memref_slice %arg3[%add3A_71] : memref<320000xi32, #tpu.memory_space<hbm>> -> memref<80xi32, #tpu.memory_space<hbm>>
    tpu.wait_dma2 semaphore(%arg17 : memref<!tpu.dma_semaphore, #tpu.memory_space<semaphore_mem>>) src(%dma_wait3A_73 : memref<80xi32, #tpu.memory_space<hbm>>) dst(%arg8 : memref<80xi32, #tpu.memory_space<vmem>>)
    %dma_wait3A_74 = tpu.memref_slice %arg4[%add3A_71] : memref<320000xi32, #tpu.memory_space<hbm>> -> memref<80xi32, #tpu.memory_space<hbm>>
    %dma_wait3A_75 = tpu.memref_slice %arg4[%add3A_71] : memref<320000xi32, #tpu.memory_space<hbm>> -> memref<80xi32, #tpu.memory_space<hbm>>
    tpu.wait_dma2 semaphore(%arg19 : memref<!tpu.dma_semaphore, #tpu.memory_space<semaphore_mem>>) src(%dma_wait3A_75 : memref<80xi32, #tpu.memory_space<hbm>>) dst(%arg10 : memref<80xi32, #tpu.memory_space<vmem>>)
    %dma_wait3A_76 = arith.constant 0 : i32
    %dma_wait3A_77 = tpu.memref_slice %arg5[%add3A_71, %dma_wait3A_76] : memref<320000x128xf32, #tpu.memory_space<hbm>> -> memref<80x128xf32, #tpu.memory_space<hbm>>
    %dma_wait3A_78 = arith.constant 0 : i32
    %dma_wait3A_79 = tpu.memref_slice %arg5[%add3A_71, %dma_wait3A_78] : memref<320000x128xf32, #tpu.memory_space<hbm>> -> memref<80x128xf32, #tpu.memory_space<hbm>>
    tpu.wait_dma2 semaphore(%arg21 : memref<!tpu.dma_semaphore, #tpu.memory_space<semaphore_mem>>) src(%dma_wait3A_79 : memref<80x128xf32, #tpu.memory_space<hbm>>) dst(%arg12 : memref<80x128xf32, #tpu.memory_space<vmem>>)
    %dma_start3A_80 = arith.constant 0 : i32
    %dma_start3A_81 = arith.constant 0 : i32
    %dma_start3A_82 = tpu.memref_slice %arg2[%dma_start3A_80, %dma_start3A_81] : memref<10000x128xf32, #tpu.memory_space<hbm>> -> memref<10000x128xf32, #tpu.memory_space<hbm>>
    tpu.enqueue_indirect_dma source(%dma_start3A_82 : memref<10000x128xf32, #tpu.memory_space<hbm>>) target(%arg14 : memref<80x128xf32, #tpu.memory_space<vmem>>) offsets(%arg8 : memref<80xi32, #tpu.memory_space<vmem>>) semaphore(%arg23 : memref<!tpu.dma_semaphore, #tpu.memory_space<semaphore_mem>>)
    %dma_start3A_83 = arith.constant 0 : i32
    %dma_start3A_84 = arith.constant 0 : i32
    %dma_start3A_85 = tpu.memref_slice %arg15[%dma_start3A_83, %dma_start3A_84] : memref<10000x128xf32, #tpu.memory_space<vmem_shared>> -> memref<10000x128xf32, #tpu.memory_space<vmem_shared>>
    tpu.enqueue_indirect_dma source(%arg13 : memref<80x128xf32, #tpu.memory_space<vmem>>) target(%dma_start3A_85 : memref<10000x128xf32, #tpu.memory_space<vmem_shared>>) offsets(%arg9 : memref<80xi32, #tpu.memory_space<vmem>>) semaphore(%arg24 : memref<!tpu.dma_semaphore, #tpu.memory_space<semaphore_mem>>) {add = true}
    %scan3A_86 = arith.constant 0 : i32
    %scan3A_87 = arith.constant 62 : i32
    %scan3A_88 = arith.addi %scan3A_86, %scan3A_87 : i32
    %scan3A_89 = arith.constant 1 : i32
    scf.for %scan3A_101 = %scan3A_86 to %scan3A_88 step %scan3A_89  : i32 {
      %mul3A_102 = arith.constant 2 : i32
      %mul3A_103 = arith.muli %mul3A_102, %scan3A_101 : i32
      %add3A_104 = arith.constant 1 : i32
      %add3A_105 = arith.addi %mul3A_103, %add3A_104 : i32
      %dma_wait3A_106 = arith.constant 0 : i32
      %dma_wait3A_107 = arith.constant 0 : i32
      %dma_wait3A_108 = tpu.memref_slice %arg15[%dma_wait3A_106, %dma_wait3A_107] : memref<10000x128xf32, #tpu.memory_space<vmem_shared>> -> memref<10000x128xf32, #tpu.memory_space<vmem_shared>>
      tpu.wait_indirect_dma semaphore(%arg24 : memref<!tpu.dma_semaphore, #tpu.memory_space<semaphore_mem>>) src(%arg13 : memref<80x128xf32, #tpu.memory_space<vmem>>) dst(%dma_wait3A_108 : memref<10000x128xf32, #tpu.memory_space<vmem_shared>>)
      %lt3A = arith.constant 124 : i32
      %lt3A_109 = arith.cmpi slt, %add3A_105, %lt3A : i32
      %convert_element_type3A_110 = arith.extui %lt3A_109 : i1 to i32
      %cond3A_111 = arith.constant 0 : i32
      %cond3A_112 = arith.cmpi ne, %convert_element_type3A_110, %cond3A_111 : i32
      scf.if %cond3A_112 {
        %add3A_157 = arith.constant 1 : i32
        %add3A_158 = arith.addi %add3A_105, %add3A_157 : i32
        %mul3A_159 = arith.constant 10000 : i32
        %mul3A_160 = arith.muli %add3A, %mul3A_159 : i32
        %mul3A_161 = arith.constant 80 : i32
        %mul3A_162 = arith.muli %add3A_158, %mul3A_161 : i32
        %add3A_163 = arith.addi %mul3A_160, %mul3A_162 : i32
        %dma_start3A_164 = tpu.memref_slice %arg3[%add3A_163] : memref<320000xi32, #tpu.memory_space<hbm>> -> memref<80xi32, #tpu.memory_space<hbm>>
        %dma_start3A_165 = tpu.memref_slice %arg3[%add3A_163] : memref<320000xi32, #tpu.memory_space<hbm>> -> memref<80xi32, #tpu.memory_space<hbm>>
        tpu.enqueue_dma source(%dma_start3A_165 : memref<80xi32, #tpu.memory_space<hbm>>) target(%arg7 : memref<80xi32, #tpu.memory_space<vmem>>) target_semaphore(%arg16 : memref<!tpu.dma_semaphore, #tpu.memory_space<semaphore_mem>>)
        %dma_start3A_166 = tpu.memref_slice %arg4[%add3A_163] : memref<320000xi32, #tpu.memory_space<hbm>> -> memref<80xi32, #tpu.memory_space<hbm>>
        %dma_start3A_167 = tpu.memref_slice %arg4[%add3A_163] : memref<320000xi32, #tpu.memory_space<hbm>> -> memref<80xi32, #tpu.memory_space<hbm>>
        tpu.enqueue_dma source(%dma_start3A_167 : memref<80xi32, #tpu.memory_space<hbm>>) target(%arg9 : memref<80xi32, #tpu.memory_space<vmem>>) target_semaphore(%arg18 : memref<!tpu.dma_semaphore, #tpu.memory_space<semaphore_mem>>)
        %dma_start3A_168 = arith.constant 0 : i32
        %dma_start3A_169 = tpu.memref_slice %arg5[%add3A_163, %dma_start3A_168] : memref<320000x128xf32, #tpu.memory_space<hbm>> -> memref<80x128xf32, #tpu.memory_space<hbm>>
        %dma_start3A_170 = arith.constant 0 : i32
        %dma_start3A_171 = tpu.memref_slice %arg5[%add3A_163, %dma_start3A_170] : memref<320000x128xf32, #tpu.memory_space<hbm>> -> memref<80x128xf32, #tpu.memory_space<hbm>>
        tpu.enqueue_dma source(%dma_start3A_171 : memref<80x128xf32, #tpu.memory_space<hbm>>) target(%arg11 : memref<80x128xf32, #tpu.memory_space<vmem>>) target_semaphore(%arg20 : memref<!tpu.dma_semaphore, #tpu.memory_space<semaphore_mem>>)
      } else {
      }
      %dma_wait3A_113 = arith.constant 0 : i32
      %dma_wait3A_114 = arith.constant 0 : i32
      %dma_wait3A_115 = tpu.memref_slice %arg2[%dma_wait3A_113, %dma_wait3A_114] : memref<10000x128xf32, #tpu.memory_space<hbm>> -> memref<10000x128xf32, #tpu.memory_space<hbm>>
      tpu.wait_indirect_dma semaphore(%arg23 : memref<!tpu.dma_semaphore, #tpu.memory_space<semaphore_mem>>) src(%dma_wait3A_115 : memref<10000x128xf32, #tpu.memory_space<hbm>>) dst(%arg14 : memref<80x128xf32, #tpu.memory_space<vmem>>)
      %scan3A_116 = arith.constant 0 : i32
      %scan3A_117 = arith.constant 20 : i32
      %scan3A_118 = arith.addi %scan3A_116, %scan3A_117 : i32
      %scan3A_119 = arith.constant 1 : i32
      scf.for %scan3A_157 = %scan3A_116 to %scan3A_118 step %scan3A_119  : i32 {
        %mul3A_158 = arith.constant 4 : i32
        %mul3A_159 = arith.muli %mul3A_158, %scan3A_157 : i32
        %add3A_160 = arith.constant 0 : i32
        %add3A_161 = arith.addi %mul3A_159, %add3A_160 : i32
        %get3A = arith.index_cast %add3A_161 : i32 to index
        %get3A_162 = arith.constant 0 : index
        %get3A_163 = tpu.vector_load %arg14[%get3A, %get3A_162] {strides = array<i32>} : memref<80x128xf32, #tpu.memory_space<vmem>>, vector<1x16xf32>,
        %get3A_164 = vector.shape_cast %get3A_163 : vector<1x16xf32> to vector<16xf32>
        %get3A_165 = arith.index_cast %add3A_161 : i32 to index
        %get3A_166 = arith.constant 0 : index
        %get3A_167 = tpu.vector_load %arg12[%get3A_165, %get3A_166] {strides = array<i32>} : memref<80x128xf32, #tpu.memory_space<vmem>>, vector<1x16xf32>,
        %get3A_168 = vector.shape_cast %get3A_167 : vector<1x16xf32> to vector<16xf32>
        %add3A_169 = arith.addf %get3A_164, %get3A_168 : vector<16xf32>
        %max3A = arith.constant 0.000000e+00 : f32
        %max3A_170 = vector.broadcast %max3A : f32 to vector<16xf32>
        %max3A_171 = arith.maximumf %add3A_169, %max3A_170 : vector<16xf32>
        %swap3A = arith.index_cast %add3A_161 : i32 to index
        %swap3A_172 = arith.constant 0 : index
        %swap3A_173 = tpu.vector_load %arg14[%swap3A, %swap3A_172] {strides = array<i32>} : memref<80x128xf32, #tpu.memory_space<vmem>>, vector<1x16xf32>,
        %swap3A_174 = vector.shape_cast %swap3A_173 : vector<1x16xf32> to vector<16xf32>
        %swap3A_175 = vector.shape_cast %max3A_171 : vector<16xf32> to vector<1x16xf32>
        tpu.vector_store %arg14[%swap3A, %swap3A_172], %swap3A_175 {strides = array<i32>} : memref<80x128xf32, #tpu.memory_space<vmem>>, vector<1x16xf32>,
        %get3A_176 = arith.index_cast %add3A_161 : i32 to index
        %get3A_177 = arith.constant 16 : index
        %get3A_178 = tpu.vector_load %arg14[%get3A_176, %get3A_177] {strides = array<i32>} : memref<80x128xf32, #tpu.memory_space<vmem>>, vector<1x16xf32>,
        %get3A_179 = vector.shape_cast %get3A_178 : vector<1x16xf32> to vector<16xf32>
        %get3A_180 = arith.index_cast %add3A_161 : i32 to index
        %get3A_181 = arith.constant 16 : index
        %get3A_182 = tpu.vector_load %arg12[%get3A_180, %get3A_181] {strides = array<i32>} : memref<80x128xf32, #tpu.memory_space<vmem>>, vector<1x16xf32>,
        %get3A_183 = vector.shape_cast %get3A_182 : vector<1x16xf32> to vector<16xf32>
        %add3A_184 = arith.addf %get3A_179, %get3A_183 : vector<16xf32>
        %max3A_185 = arith.constant 0.000000e+00 : f32
        %max3A_186 = vector.broadcast %max3A_185 : f32 to vector<16xf32>
        %max3A_187 = arith.maximumf %add3A_184, %max3A_186 : vector<16xf32>
        %swap3A_188 = arith.index_cast %add3A_161 : i32 to index
        %swap3A_189 = arith.constant 16 : index
        %swap3A_190 = tpu.vector_load %arg14[%swap3A_188, %swap3A_189] {strides = array<i32>} : memref<80x128xf32, #tpu.memory_space<vmem>>, vector<1x16xf32>,
        %swap3A_191 = vector.shape_cast %swap3A_190 : vector<1x16xf32> to vector<16xf32>
        %swap3A_192 = vector.shape_cast %max3A_187 : vector<16xf32> to vector<1x16xf32>
        tpu.vector_store %arg14[%swap3A_188, %swap3A_189], %swap3A_192 {strides = array<i32>} : memref<80x128xf32, #tpu.memory_space<vmem>>, vector<1x16xf32>,
        %get3A_193 = arith.index_cast %add3A_161 : i32 to index
        %get3A_194 = arith.constant 32 : index
        %get3A_195 = tpu.vector_load %arg14[%get3A_193, %get3A_194] {strides = array<i32>} : memref<80x128xf32, #tpu.memory_space<vmem>>, vector<1x16xf32>,
        %get3A_196 = vector.shape_cast %get3A_195 : vector<1x16xf32> to vector<16xf32>
        %get3A_197 = arith.index_cast %add3A_161 : i32 to index
        %get3A_198 = arith.constant 32 : index
        %get3A_199 = tpu.vector_load %arg12[%get3A_197, %get3A_198] {strides = array<i32>} : memref<80x128xf32, #tpu.memory_space<vmem>>, vector<1x16xf32>,
        %get3A_200 = vector.shape_cast %get3A_199 : vector<1x16xf32> to vector<16xf32>
        %add3A_201 = arith.addf %get3A_196, %get3A_200 : vector<16xf32>
        %max3A_202 = arith.constant 0.000000e+00 : f32
        %max3A_203 = vector.broadcast %max3A_202 : f32 to vector<16xf32>
        %max3A_204 = arith.maximumf %add3A_201, %max3A_203 : vector<16xf32>
        %swap3A_205 = arith.index_cast %add3A_161 : i32 to index
        %swap3A_206 = arith.constant 32 : index
        %swap3A_207 = tpu.vector_load %arg14[%swap3A_205, %swap3A_206] {strides = array<i32>} : memref<80x128xf32, #tpu.memory_space<vmem>>, vector<1x16xf32>,
        %swap3A_208 = vector.shape_cast %swap3A_207 : vector<1x16xf32> to vector<16xf32>
        %swap3A_209 = vector.shape_cast %max3A_204 : vector<16xf32> to vector<1x16xf32>
        tpu.vector_store %arg14[%swap3A_205, %swap3A_206], %swap3A_209 {strides = array<i32>} : memref<80x128xf32, #tpu.memory_space<vmem>>, vector<1x16xf32>,
        %get3A_210 = arith.index_cast %add3A_161 : i32 to index
        %get3A_211 = arith.constant 48 : index
        %get3A_212 = tpu.vector_load %arg14[%get3A_210, %get3A_211] {strides = array<i32>} : memref<80x128xf32, #tpu.memory_space<vmem>>, vector<1x16xf32>,
        %get3A_213 = vector.shape_cast %get3A_212 : vector<1x16xf32> to vector<16xf32>
        %get3A_214 = arith.index_cast %add3A_161 : i32 to index
        %get3A_215 = arith.constant 48 : index
        %get3A_216 = tpu.vector_load %arg12[%get3A_214, %get3A_215] {strides = array<i32>} : memref<80x128xf32, #tpu.memory_space<vmem>>, vector<1x16xf32>,
        %get3A_217 = vector.shape_cast %get3A_216 : vector<1x16xf32> to vector<16xf32>
        %add3A_218 = arith.addf %get3A_213, %get3A_217 : vector<16xf32>
        %max3A_219 = arith.constant 0.000000e+00 : f32
        %max3A_220 = vector.broadcast %max3A_219 : f32 to vector<16xf32>
        %max3A_221 = arith.maximumf %add3A_218, %max3A_220 : vector<16xf32>
        %swap3A_222 = arith.index_cast %add3A_161 : i32 to index
        %swap3A_223 = arith.constant 48 : index
        %swap3A_224 = tpu.vector_load %arg14[%swap3A_222, %swap3A_223] {strides = array<i32>} : memref<80x128xf32, #tpu.memory_space<vmem>>, vector<1x16xf32>,
        %swap3A_225 = vector.shape_cast %swap3A_224 : vector<1x16xf32> to vector<16xf32>
        %swap3A_226 = vector.shape_cast %max3A_221 : vector<16xf32> to vector<1x16xf32>
        tpu.vector_store %arg14[%swap3A_222, %swap3A_223], %swap3A_226 {strides = array<i32>} : memref<80x128xf32, #tpu.memory_space<vmem>>, vector<1x16xf32>,
        %get3A_227 = arith.index_cast %add3A_161 : i32 to index
        %get3A_228 = arith.constant 64 : index
        %get3A_229 = tpu.vector_load %arg14[%get3A_227, %get3A_228] {strides = array<i32>} : memref<80x128xf32, #tpu.memory_space<vmem>>, vector<1x16xf32>,
        %get3A_230 = vector.shape_cast %get3A_229 : vector<1x16xf32> to vector<16xf32>
        %get3A_231 = arith.index_cast %add3A_161 : i32 to index
        %get3A_232 = arith.constant 64 : index
        %get3A_233 = tpu.vector_load %arg12[%get3A_231, %get3A_232] {strides = array<i32>} : memref<80x128xf32, #tpu.memory_space<vmem>>, vector<1x16xf32>,
        %get3A_234 = vector.shape_cast %get3A_233 : vector<1x16xf32> to vector<16xf32>
        %add3A_235 = arith.addf %get3A_230, %get3A_234 : vector<16xf32>
        %max3A_236 = arith.constant 0.000000e+00 : f32
        %max3A_237 = vector.broadcast %max3A_236 : f32 to vector<16xf32>
        %max3A_238 = arith.maximumf %add3A_235, %max3A_237 : vector<16xf32>
        %swap3A_239 = arith.index_cast %add3A_161 : i32 to index
        %swap3A_240 = arith.constant 64 : index
        %swap3A_241 = tpu.vector_load %arg14[%swap3A_239, %swap3A_240] {strides = array<i32>} : memref<80x128xf32, #tpu.memory_space<vmem>>, vector<1x16xf32>,
        %swap3A_242 = vector.shape_cast %swap3A_241 : vector<1x16xf32> to vector<16xf32>
        %swap3A_243 = vector.shape_cast %max3A_238 : vector<16xf32> to vector<1x16xf32>
        tpu.vector_store %arg14[%swap3A_239, %swap3A_240], %swap3A_243 {strides = array<i32>} : memref<80x128xf32, #tpu.memory_space<vmem>>, vector<1x16xf32>,
        %get3A_244 = arith.index_cast %add3A_161 : i32 to index
        %get3A_245 = arith.constant 80 : index
        %get3A_246 = tpu.vector_load %arg14[%get3A_244, %get3A_245] {strides = array<i32>} : memref<80x128xf32, #tpu.memory_space<vmem>>, vector<1x16xf32>,
        %get3A_247 = vector.shape_cast %get3A_246 : vector<1x16xf32> to vector<16xf32>
        %get3A_248 = arith.index_cast %add3A_161 : i32 to index
        %get3A_249 = arith.constant 80 : index
        %get3A_250 = tpu.vector_load %arg12[%get3A_248, %get3A_249] {strides = array<i32>} : memref<80x128xf32, #tpu.memory_space<vmem>>, vector<1x16xf32>,
        %get3A_251 = vector.shape_cast %get3A_250 : vector<1x16xf32> to vector<16xf32>
        %add3A_252 = arith.addf %get3A_247, %get3A_251 : vector<16xf32>
        %max3A_253 = arith.constant 0.000000e+00 : f32
        %max3A_254 = vector.broadcast %max3A_253 : f32 to vector<16xf32>
        %max3A_255 = arith.maximumf %add3A_252, %max3A_254 : vector<16xf32>
        %swap3A_256 = arith.index_cast %add3A_161 : i32 to index
        %swap3A_257 = arith.constant 80 : index
        %swap3A_258 = tpu.vector_load %arg14[%swap3A_256, %swap3A_257] {strides = array<i32>} : memref<80x128xf32, #tpu.memory_space<vmem>>, vector<1x16xf32>,
        %swap3A_259 = vector.shape_cast %swap3A_258 : vector<1x16xf32> to vector<16xf32>
        %swap3A_260 = vector.shape_cast %max3A_255 : vector<16xf32> to vector<1x16xf32>
        tpu.vector_store %arg14[%swap3A_256, %swap3A_257], %swap3A_260 {strides = array<i32>} : memref<80x128xf32, #tpu.memory_space<vmem>>, vector<1x16xf32>,
        %get3A_261 = arith.index_cast %add3A_161 : i32 to index
        %get3A_262 = arith.constant 96 : index
        %get3A_263 = tpu.vector_load %arg14[%get3A_261, %get3A_262] {strides = array<i32>} : memref<80x128xf32, #tpu.memory_space<vmem>>, vector<1x16xf32>,
        %get3A_264 = vector.shape_cast %get3A_263 : vector<1x16xf32> to vector<16xf32>
        %get3A_265 = arith.index_cast %add3A_161 : i32 to index
        %get3A_266 = arith.constant 96 : index
        %get3A_267 = tpu.vector_load %arg12[%get3A_265, %get3A_266] {strides = array<i32>} : memref<80x128xf32, #tpu.memory_space<vmem>>, vector<1x16xf32>,
        %get3A_268 = vector.shape_cast %get3A_267 : vector<1x16xf32> to vector<16xf32>
        %add3A_269 = arith.addf %get3A_264, %get3A_268 : vector<16xf32>
        %max3A_270 = arith.constant 0.000000e+00 : f32
        %max3A_271 = vector.broadcast %max3A_270 : f32 to vector<16xf32>
        %max3A_272 = arith.maximumf %add3A_269, %max3A_271 : vector<16xf32>
        %swap3A_273 = arith.index_cast %add3A_161 : i32 to index
        %swap3A_274 = arith.constant 96 : index
        %swap3A_275 = tpu.vector_load %arg14[%swap3A_273, %swap3A_274] {strides = array<i32>} : memref<80x128xf32, #tpu.memory_space<vmem>>, vector<1x16xf32>,
        %swap3A_276 = vector.shape_cast %swap3A_275 : vector<1x16xf32> to vector<16xf32>
        %swap3A_277 = vector.shape_cast %max3A_272 : vector<16xf32> to vector<1x16xf32>
        tpu.vector_store %arg14[%swap3A_273, %swap3A_274], %swap3A_277 {strides = array<i32>} : memref<80x128xf32, #tpu.memory_space<vmem>>, vector<1x16xf32>,
        %get3A_278 = arith.index_cast %add3A_161 : i32 to index
        %get3A_279 = arith.constant 112 : index
        %get3A_280 = tpu.vector_load %arg14[%get3A_278, %get3A_279] {strides = array<i32>} : memref<80x128xf32, #tpu.memory_space<vmem>>, vector<1x16xf32>,
        %get3A_281 = vector.shape_cast %get3A_280 : vector<1x16xf32> to vector<16xf32>
        %get3A_282 = arith.index_cast %add3A_161 : i32 to index
        %get3A_283 = arith.constant 112 : index
        %get3A_284 = tpu.vector_load %arg12[%get3A_282, %get3A_283] {strides = array<i32>} : memref<80x128xf32, #tpu.memory_space<vmem>>, vector<1x16xf32>,
        %get3A_285 = vector.shape_cast %get3A_284 : vector<1x16xf32> to vector<16xf32>
        %add3A_286 = arith.addf %get3A_281, %get3A_285 : vector<16xf32>
        %max3A_287 = arith.constant 0.000000e+00 : f32
        %max3A_288 = vector.broadcast %max3A_287 : f32 to vector<16xf32>
        %max3A_289 = arith.maximumf %add3A_286, %max3A_288 : vector<16xf32>
        %swap3A_290 = arith.index_cast %add3A_161 : i32 to index
        %swap3A_291 = arith.constant 112 : index
        %swap3A_292 = tpu.vector_load %arg14[%swap3A_290, %swap3A_291] {strides = array<i32>} : memref<80x128xf32, #tpu.memory_space<vmem>>, vector<1x16xf32>,
        %swap3A_293 = vector.shape_cast %swap3A_292 : vector<1x16xf32> to vector<16xf32>
        %swap3A_294 = vector.shape_cast %max3A_289 : vector<16xf32> to vector<1x16xf32>
        tpu.vector_store %arg14[%swap3A_290, %swap3A_291], %swap3A_294 {strides = array<i32>} : memref<80x128xf32, #tpu.memory_space<vmem>>, vector<1x16xf32>,
        %mul3A_295 = arith.constant 4 : i32
        %mul3A_296 = arith.muli %mul3A_295, %scan3A_157 : i32
        %add3A_297 = arith.constant 1 : i32
        %add3A_298 = arith.addi %mul3A_296, %add3A_297 : i32
        %get3A_299 = arith.index_cast %add3A_298 : i32 to index
        %get3A_300 = arith.constant 0 : index
        %get3A_301 = tpu.vector_load %arg14[%get3A_299, %get3A_300] {strides = array<i32>} : memref<80x128xf32, #tpu.memory_space<vmem>>, vector<1x16xf32>,
        %get3A_302 = vector.shape_cast %get3A_301 : vector<1x16xf32> to vector<16xf32>
        %get3A_303 = arith.index_cast %add3A_298 : i32 to index
        %get3A_304 = arith.constant 0 : index
        %get3A_305 = tpu.vector_load %arg12[%get3A_303, %get3A_304] {strides = array<i32>} : memref<80x128xf32, #tpu.memory_space<vmem>>, vector<1x16xf32>,
        %get3A_306 = vector.shape_cast %get3A_305 : vector<1x16xf32> to vector<16xf32>
        %add3A_307 = arith.addf %get3A_302, %get3A_306 : vector<16xf32>
        %max3A_308 = arith.constant 0.000000e+00 : f32
        %max3A_309 = vector.broadcast %max3A_308 : f32 to vector<16xf32>
        %max3A_310 = arith.maximumf %add3A_307, %max3A_309 : vector<16xf32>
        %swap3A_311 = arith.index_cast %add3A_298 : i32 to index
        %swap3A_312 = arith.constant 0 : index
        %swap3A_313 = tpu.vector_load %arg14[%swap3A_311, %swap3A_312] {strides = array<i32>} : memref<80x128xf32, #tpu.memory_space<vmem>>, vector<1x16xf32>,
        %swap3A_314 = vector.shape_cast %swap3A_313 : vector<1x16xf32> to vector<16xf32>
        %swap3A_315 = vector.shape_cast %max3A_310 : vector<16xf32> to vector<1x16xf32>
        tpu.vector_store %arg14[%swap3A_311, %swap3A_312], %swap3A_315 {strides = array<i32>} : memref<80x128xf32, #tpu.memory_space<vmem>>, vector<1x16xf32>,
        %get3A_316 = arith.index_cast %add3A_298 : i32 to index
        %get3A_317 = arith.constant 16 : index
        %get3A_318 = tpu.vector_load %arg14[%get3A_316, %get3A_317] {strides = array<i32>} : memref<80x128xf32, #tpu.memory_space<vmem>>, vector<1x16xf32>,
        %get3A_319 = vector.shape_cast %get3A_318 : vector<1x16xf32> to vector<16xf32>
        %get3A_320 = arith.index_cast %add3A_298 : i32 to index
        %get3A_321 = arith.constant 16 : index
        %get3A_322 = tpu.vector_load %arg12[%get3A_320, %get3A_321] {strides = array<i32>} : memref<80x128xf32, #tpu.memory_space<vmem>>, vector<1x16xf32>,
        %get3A_323 = vector.shape_cast %get3A_322 : vector<1x16xf32> to vector<16xf32>
        %add3A_324 = arith.addf %get3A_319, %get3A_323 : vector<16xf32>
        %max3A_325 = arith.constant 0.000000e+00 : f32
        %max3A_326 = vector.broadcast %max3A_325 : f32 to vector<16xf32>
        %max3A_327 = arith.maximumf %add3A_324, %max3A_326 : vector<16xf32>
        %swap3A_328 = arith.index_cast %add3A_298 : i32 to index
        %swap3A_329 = arith.constant 16 : index
        %swap3A_330 = tpu.vector_load %arg14[%swap3A_328, %swap3A_329] {strides = array<i32>} : memref<80x128xf32, #tpu.memory_space<vmem>>, vector<1x16xf32>,
        %swap3A_331 = vector.shape_cast %swap3A_330 : vector<1x16xf32> to vector<16xf32>
        %swap3A_332 = vector.shape_cast %max3A_327 : vector<16xf32> to vector<1x16xf32>
        tpu.vector_store %arg14[%swap3A_328, %swap3A_329], %swap3A_332 {strides = array<i32>} : memref<80x128xf32, #tpu.memory_space<vmem>>, vector<1x16xf32>,
        %get3A_333 = arith.index_cast %add3A_298 : i32 to index
        %get3A_334 = arith.constant 32 : index
        %get3A_335 = tpu.vector_load %arg14[%get3A_333, %get3A_334] {strides = array<i32>} : memref<80x128xf32, #tpu.memory_space<vmem>>, vector<1x16xf32>,
        %get3A_336 = vector.shape_cast %get3A_335 : vector<1x16xf32> to vector<16xf32>
        %get3A_337 = arith.index_cast %add3A_298 : i32 to index
        %get3A_338 = arith.constant 32 : index
        %get3A_339 = tpu.vector_load %arg12[%get3A_337, %get3A_338] {strides = array<i32>} : memref<80x128xf32, #tpu.memory_space<vmem>>, vector<1x16xf32>,
        %get3A_340 = vector.shape_cast %get3A_339 : vector<1x16xf32> to vector<16xf32>
        %add3A_341 = arith.addf %get3A_336, %get3A_340 : vector<16xf32>
        %max3A_342 = arith.constant 0.000000e+00 : f32
        %max3A_343 = vector.broadcast %max3A_342 : f32 to vector<16xf32>
        %max3A_344 = arith.maximumf %add3A_341, %max3A_343 : vector<16xf32>
        %swap3A_345 = arith.index_cast %add3A_298 : i32 to index
        %swap3A_346 = arith.constant 32 : index
        %swap3A_347 = tpu.vector_load %arg14[%swap3A_345, %swap3A_346] {strides = array<i32>} : memref<80x128xf32, #tpu.memory_space<vmem>>, vector<1x16xf32>,
        %swap3A_348 = vector.shape_cast %swap3A_347 : vector<1x16xf32> to vector<16xf32>
        %swap3A_349 = vector.shape_cast %max3A_344 : vector<16xf32> to vector<1x16xf32>
        tpu.vector_store %arg14[%swap3A_345, %swap3A_346], %swap3A_349 {strides = array<i32>} : memref<80x128xf32, #tpu.memory_space<vmem>>, vector<1x16xf32>,
        %get3A_350 = arith.index_cast %add3A_298 : i32 to index
        %get3A_351 = arith.constant 48 : index
        %get3A_352 = tpu.vector_load %arg14[%get3A_350, %get3A_351] {strides = array<i32>} : memref<80x128xf32, #tpu.memory_space<vmem>>, vector<1x16xf32>,
        %get3A_353 = vector.shape_cast %get3A_352 : vector<1x16xf32> to vector<16xf32>
        %get3A_354 = arith.index_cast %add3A_298 : i32 to index
        %get3A_355 = arith.constant 48 : index
        %get3A_356 = tpu.vector_load %arg12[%get3A_354, %get3A_355] {strides = array<i32>} : memref<80x128xf32, #tpu.memory_space<vmem>>, vector<1x16xf32>,
        %get3A_357 = vector.shape_cast %get3A_356 : vector<1x16xf32> to vector<16xf32>
        %add3A_358 = arith.addf %get3A_353, %get3A_357 : vector<16xf32>
        %max3A_359 = arith.constant 0.000000e+00 : f32
        %max3A_360 = vector.broadcast %max3A_359 : f32 to vector<16xf32>
        %max3A_361 = arith.maximumf %add3A_358, %max3A_360 : vector<16xf32>
        %swap3A_362 = arith.index_cast %add3A_298 : i32 to index
        %swap3A_363 = arith.constant 48 : index
        %swap3A_364 = tpu.vector_load %arg14[%swap3A_362, %swap3A_363] {strides = array<i32>} : memref<80x128xf32, #tpu.memory_space<vmem>>, vector<1x16xf32>,
        %swap3A_365 = vector.shape_cast %swap3A_364 : vector<1x16xf32> to vector<16xf32>
        %swap3A_366 = vector.shape_cast %max3A_361 : vector<16xf32> to vector<1x16xf32>
        tpu.vector_store %arg14[%swap3A_362, %swap3A_363], %swap3A_366 {strides = array<i32>} : memref<80x128xf32, #tpu.memory_space<vmem>>, vector<1x16xf32>,
        %get3A_367 = arith.index_cast %add3A_298 : i32 to index
        %get3A_368 = arith.constant 64 : index
        %get3A_369 = tpu.vector_load %arg14[%get3A_367, %get3A_368] {strides = array<i32>} : memref<80x128xf32, #tpu.memory_space<vmem>>, vector<1x16xf32>,
        %get3A_370 = vector.shape_cast %get3A_369 : vector<1x16xf32> to vector<16xf32>
        %get3A_371 = arith.index_cast %add3A_298 : i32 to index
        %get3A_372 = arith.constant 64 : index
        %get3A_373 = tpu.vector_load %arg12[%get3A_371, %get3A_372] {strides = array<i32>} : memref<80x128xf32, #tpu.memory_space<vmem>>, vector<1x16xf32>,
        %get3A_374 = vector.shape_cast %get3A_373 : vector<1x16xf32> to vector<16xf32>
        %add3A_375 = arith.addf %get3A_370, %get3A_374 : vector<16xf32>
        %max3A_376 = arith.constant 0.000000e+00 : f32
        %max3A_377 = vector.broadcast %max3A_376 : f32 to vector<16xf32>
        %max3A_378 = arith.maximumf %add3A_375, %max3A_377 : vector<16xf32>
        %swap3A_379 = arith.index_cast %add3A_298 : i32 to index
        %swap3A_380 = arith.constant 64 : index
        %swap3A_381 = tpu.vector_load %arg14[%swap3A_379, %swap3A_380] {strides = array<i32>} : memref<80x128xf32, #tpu.memory_space<vmem>>, vector<1x16xf32>,
        %swap3A_382 = vector.shape_cast %swap3A_381 : vector<1x16xf32> to vector<16xf32>
        %swap3A_383 = vector.shape_cast %max3A_378 : vector<16xf32> to vector<1x16xf32>
        tpu.vector_store %arg14[%swap3A_379, %swap3A_380], %swap3A_383 {strides = array<i32>} : memref<80x128xf32, #tpu.memory_space<vmem>>, vector<1x16xf32>,
        %get3A_384 = arith.index_cast %add3A_298 : i32 to index
        %get3A_385 = arith.constant 80 : index
        %get3A_386 = tpu.vector_load %arg14[%get3A_384, %get3A_385] {strides = array<i32>} : memref<80x128xf32, #tpu.memory_space<vmem>>, vector<1x16xf32>,
        %get3A_387 = vector.shape_cast %get3A_386 : vector<1x16xf32> to vector<16xf32>
        %get3A_388 = arith.index_cast %add3A_298 : i32 to index
        %get3A_389 = arith.constant 80 : index
        %get3A_390 = tpu.vector_load %arg12[%get3A_388, %get3A_389] {strides = array<i32>} : memref<80x128xf32, #tpu.memory_space<vmem>>, vector<1x16xf32>,
        %get3A_391 = vector.shape_cast %get3A_390 : vector<1x16xf32> to vector<16xf32>
        %add3A_392 = arith.addf %get3A_387, %get3A_391 : vector<16xf32>
        %max3A_393 = arith.constant 0.000000e+00 : f32
        %max3A_394 = vector.broadcast %max3A_393 : f32 to vector<16xf32>
        %max3A_395 = arith.maximumf %add3A_392, %max3A_394 : vector<16xf32>
        %swap3A_396 = arith.index_cast %add3A_298 : i32 to index
        %swap3A_397 = arith.constant 80 : index
        %swap3A_398 = tpu.vector_load %arg14[%swap3A_396, %swap3A_397] {strides = array<i32>} : memref<80x128xf32, #tpu.memory_space<vmem>>, vector<1x16xf32>,
        %swap3A_399 = vector.shape_cast %swap3A_398 : vector<1x16xf32> to vector<16xf32>
        %swap3A_400 = vector.shape_cast %max3A_395 : vector<16xf32> to vector<1x16xf32>
        tpu.vector_store %arg14[%swap3A_396, %swap3A_397], %swap3A_400 {strides = array<i32>} : memref<80x128xf32, #tpu.memory_space<vmem>>, vector<1x16xf32>,
        %get3A_401 = arith.index_cast %add3A_298 : i32 to index
        %get3A_402 = arith.constant 96 : index
        %get3A_403 = tpu.vector_load %arg14[%get3A_401, %get3A_402] {strides = array<i32>} : memref<80x128xf32, #tpu.memory_space<vmem>>, vector<1x16xf32>,
        %get3A_404 = vector.shape_cast %get3A_403 : vector<1x16xf32> to vector<16xf32>
        %get3A_405 = arith.index_cast %add3A_298 : i32 to index
        %get3A_406 = arith.constant 96 : index
        %get3A_407 = tpu.vector_load %arg12[%get3A_405, %get3A_406] {strides = array<i32>} : memref<80x128xf32, #tpu.memory_space<vmem>>, vector<1x16xf32>,
        %get3A_408 = vector.shape_cast %get3A_407 : vector<1x16xf32> to vector<16xf32>
        %add3A_409 = arith.addf %get3A_404, %get3A_408 : vector<16xf32>
        %max3A_410 = arith.constant 0.000000e+00 : f32
        %max3A_411 = vector.broadcast %max3A_410 : f32 to vector<16xf32>
        %max3A_412 = arith.maximumf %add3A_409, %max3A_411 : vector<16xf32>
        %swap3A_413 = arith.index_cast %add3A_298 : i32 to index
        %swap3A_414 = arith.constant 96 : index
        %swap3A_415 = tpu.vector_load %arg14[%swap3A_413, %swap3A_414] {strides = array<i32>} : memref<80x128xf32, #tpu.memory_space<vmem>>, vector<1x16xf32>,
        %swap3A_416 = vector.shape_cast %swap3A_415 : vector<1x16xf32> to vector<16xf32>
        %swap3A_417 = vector.shape_cast %max3A_412 : vector<16xf32> to vector<1x16xf32>
        tpu.vector_store %arg14[%swap3A_413, %swap3A_414], %swap3A_417 {strides = array<i32>} : memref<80x128xf32, #tpu.memory_space<vmem>>, vector<1x16xf32>,
        %get3A_418 = arith.index_cast %add3A_298 : i32 to index
        %get3A_419 = arith.constant 112 : index
        %get3A_420 = tpu.vector_load %arg14[%get3A_418, %get3A_419] {strides = array<i32>} : memref<80x128xf32, #tpu.memory_space<vmem>>, vector<1x16xf32>,
        %get3A_421 = vector.shape_cast %get3A_420 : vector<1x16xf32> to vector<16xf32>
        %get3A_422 = arith.index_cast %add3A_298 : i32 to index
        %get3A_423 = arith.constant 112 : index
        %get3A_424 = tpu.vector_load %arg12[%get3A_422, %get3A_423] {strides = array<i32>} : memref<80x128xf32, #tpu.memory_space<vmem>>, vector<1x16xf32>,
        %get3A_425 = vector.shape_cast %get3A_424 : vector<1x16xf32> to vector<16xf32>
        %add3A_426 = arith.addf %get3A_421, %get3A_425 : vector<16xf32>
        %max3A_427 = arith.constant 0.000000e+00 : f32
        %max3A_428 = vector.broadcast %max3A_427 : f32 to vector<16xf32>
        %max3A_429 = arith.maximumf %add3A_426, %max3A_428 : vector<16xf32>
        %swap3A_430 = arith.index_cast %add3A_298 : i32 to index
        %swap3A_431 = arith.constant 112 : index
        %swap3A_432 = tpu.vector_load %arg14[%swap3A_430, %swap3A_431] {strides = array<i32>} : memref<80x128xf32, #tpu.memory_space<vmem>>, vector<1x16xf32>,
        %swap3A_433 = vector.shape_cast %swap3A_432 : vector<1x16xf32> to vector<16xf32>
        %swap3A_434 = vector.shape_cast %max3A_429 : vector<16xf32> to vector<1x16xf32>
        tpu.vector_store %arg14[%swap3A_430, %swap3A_431], %swap3A_434 {strides = array<i32>} : memref<80x128xf32, #tpu.memory_space<vmem>>, vector<1x16xf32>,
        %mul3A_435 = arith.constant 4 : i32
        %mul3A_436 = arith.muli %mul3A_435, %scan3A_157 : i32
        %add3A_437 = arith.constant 2 : i32
        %add3A_438 = arith.addi %mul3A_436, %add3A_437 : i32
        %get3A_439 = arith.index_cast %add3A_438 : i32 to index
        %get3A_440 = arith.constant 0 : index
        %get3A_441 = tpu.vector_load %arg14[%get3A_439, %get3A_440] {strides = array<i32>} : memref<80x128xf32, #tpu.memory_space<vmem>>, vector<1x16xf32>,
        %get3A_442 = vector.shape_cast %get3A_441 : vector<1x16xf32> to vector<16xf32>
        %get3A_443 = arith.index_cast %add3A_438 : i32 to index
        %get3A_444 = arith.constant 0 : index
        %get3A_445 = tpu.vector_load %arg12[%get3A_443, %get3A_444] {strides = array<i32>} : memref<80x128xf32, #tpu.memory_space<vmem>>, vector<1x16xf32>,
        %get3A_446 = vector.shape_cast %get3A_445 : vector<1x16xf32> to vector<16xf32>
        %add3A_447 = arith.addf %get3A_442, %get3A_446 : vector<16xf32>
        %max3A_448 = arith.constant 0.000000e+00 : f32
        %max3A_449 = vector.broadcast %max3A_448 : f32 to vector<16xf32>
        %max3A_450 = arith.maximumf %add3A_447, %max3A_449 : vector<16xf32>
        %swap3A_451 = arith.index_cast %add3A_438 : i32 to index
        %swap3A_452 = arith.constant 0 : index
        %swap3A_453 = tpu.vector_load %arg14[%swap3A_451, %swap3A_452] {strides = array<i32>} : memref<80x128xf32, #tpu.memory_space<vmem>>, vector<1x16xf32>,
        %swap3A_454 = vector.shape_cast %swap3A_453 : vector<1x16xf32> to vector<16xf32>
        %swap3A_455 = vector.shape_cast %max3A_450 : vector<16xf32> to vector<1x16xf32>
        tpu.vector_store %arg14[%swap3A_451, %swap3A_452], %swap3A_455 {strides = array<i32>} : memref<80x128xf32, #tpu.memory_space<vmem>>, vector<1x16xf32>,
        %get3A_456 = arith.index_cast %add3A_438 : i32 to index
        %get3A_457 = arith.constant 16 : index
        %get3A_458 = tpu.vector_load %arg14[%get3A_456, %get3A_457] {strides = array<i32>} : memref<80x128xf32, #tpu.memory_space<vmem>>, vector<1x16xf32>,
        %get3A_459 = vector.shape_cast %get3A_458 : vector<1x16xf32> to vector<16xf32>
        %get3A_460 = arith.index_cast %add3A_438 : i32 to index
        %get3A_461 = arith.constant 16 : index
        %get3A_462 = tpu.vector_load %arg12[%get3A_460, %get3A_461] {strides = array<i32>} : memref<80x128xf32, #tpu.memory_space<vmem>>, vector<1x16xf32>,
        %get3A_463 = vector.shape_cast %get3A_462 : vector<1x16xf32> to vector<16xf32>
        %add3A_464 = arith.addf %get3A_459, %get3A_463 : vector<16xf32>
        %max3A_465 = arith.constant 0.000000e+00 : f32
        %max3A_466 = vector.broadcast %max3A_465 : f32 to vector<16xf32>
        %max3A_467 = arith.maximumf %add3A_464, %max3A_466 : vector<16xf32>
        %swap3A_468 = arith.index_cast %add3A_438 : i32 to index
        %swap3A_469 = arith.constant 16 : index
        %swap3A_470 = tpu.vector_load %arg14[%swap3A_468, %swap3A_469] {strides = array<i32>} : memref<80x128xf32, #tpu.memory_space<vmem>>, vector<1x16xf32>,
        %swap3A_471 = vector.shape_cast %swap3A_470 : vector<1x16xf32> to vector<16xf32>
        %swap3A_472 = vector.shape_cast %max3A_467 : vector<16xf32> to vector<1x16xf32>
        tpu.vector_store %arg14[%swap3A_468, %swap3A_469], %swap3A_472 {strides = array<i32>} : memref<80x128xf32, #tpu.memory_space<vmem>>, vector<1x16xf32>,
        %get3A_473 = arith.index_cast %add3A_438 : i32 to index
        %get3A_474 = arith.constant 32 : index
        %get3A_475 = tpu.vector_load %arg14[%get3A_473, %get3A_474] {strides = array<i32>} : memref<80x128xf32, #tpu.memory_space<vmem>>, vector<1x16xf32>,
        %get3A_476 = vector.shape_cast %get3A_475 : vector<1x16xf32> to vector<16xf32>
        %get3A_477 = arith.index_cast %add3A_438 : i32 to index
        %get3A_478 = arith.constant 32 : index
        %get3A_479 = tpu.vector_load %arg12[%get3A_477, %get3A_478] {strides = array<i32>} : memref<80x128xf32, #tpu.memory_space<vmem>>, vector<1x16xf32>,
        %get3A_480 = vector.shape_cast %get3A_479 : vector<1x16xf32> to vector<16xf32>
        %add3A_481 = arith.addf %get3A_476, %get3A_480 : vector<16xf32>
        %max3A_482 = arith.constant 0.000000e+00 : f32
        %max3A_483 = vector.broadcast %max3A_482 : f32 to vector<16xf32>
        %max3A_484 = arith.maximumf %add3A_481, %max3A_483 : vector<16xf32>
        %swap3A_485 = arith.index_cast %add3A_438 : i32 to index
        %swap3A_486 = arith.constant 32 : index
        %swap3A_487 = tpu.vector_load %arg14[%swap3A_485, %swap3A_486] {strides = array<i32>} : memref<80x128xf32, #tpu.memory_space<vmem>>, vector<1x16xf32>,
        %swap3A_488 = vector.shape_cast %swap3A_487 : vector<1x16xf32> to vector<16xf32>
        %swap3A_489 = vector.shape_cast %max3A_484 : vector<16xf32> to vector<1x16xf32>
        tpu.vector_store %arg14[%swap3A_485, %swap3A_486], %swap3A_489 {strides = array<i32>} : memref<80x128xf32, #tpu.memory_space<vmem>>, vector<1x16xf32>,
        %get3A_490 = arith.index_cast %add3A_438 : i32 to index
        %get3A_491 = arith.constant 48 : index
        %get3A_492 = tpu.vector_load %arg14[%get3A_490, %get3A_491] {strides = array<i32>} : memref<80x128xf32, #tpu.memory_space<vmem>>, vector<1x16xf32>,
        %get3A_493 = vector.shape_cast %get3A_492 : vector<1x16xf32> to vector<16xf32>
        %get3A_494 = arith.index_cast %add3A_438 : i32 to index
        %get3A_495 = arith.constant 48 : index
        %get3A_496 = tpu.vector_load %arg12[%get3A_494, %get3A_495] {strides = array<i32>} : memref<80x128xf32, #tpu.memory_space<vmem>>, vector<1x16xf32>,
        %get3A_497 = vector.shape_cast %get3A_496 : vector<1x16xf32> to vector<16xf32>
        %add3A_498 = arith.addf %get3A_493, %get3A_497 : vector<16xf32>
        %max3A_499 = arith.constant 0.000000e+00 : f32
        %max3A_500 = vector.broadcast %max3A_499 : f32 to vector<16xf32>
        %max3A_501 = arith.maximumf %add3A_498, %max3A_500 : vector<16xf32>
        %swap3A_502 = arith.index_cast %add3A_438 : i32 to index
        %swap3A_503 = arith.constant 48 : index
        %swap3A_504 = tpu.vector_load %arg14[%swap3A_502, %swap3A_503] {strides = array<i32>} : memref<80x128xf32, #tpu.memory_space<vmem>>, vector<1x16xf32>,
        %swap3A_505 = vector.shape_cast %swap3A_504 : vector<1x16xf32> to vector<16xf32>
        %swap3A_506 = vector.shape_cast %max3A_501 : vector<16xf32> to vector<1x16xf32>
        tpu.vector_store %arg14[%swap3A_502, %swap3A_503], %swap3A_506 {strides = array<i32>} : memref<80x128xf32, #tpu.memory_space<vmem>>, vector<1x16xf32>,
        %get3A_507 = arith.index_cast %add3A_438 : i32 to index
        %get3A_508 = arith.constant 64 : index
        %get3A_509 = tpu.vector_load %arg14[%get3A_507, %get3A_508] {strides = array<i32>} : memref<80x128xf32, #tpu.memory_space<vmem>>, vector<1x16xf32>,
        %get3A_510 = vector.shape_cast %get3A_509 : vector<1x16xf32> to vector<16xf32>
        %get3A_511 = arith.index_cast %add3A_438 : i32 to index
        %get3A_512 = arith.constant 64 : index
        %get3A_513 = tpu.vector_load %arg12[%get3A_511, %get3A_512] {strides = array<i32>} : memref<80x128xf32, #tpu.memory_space<vmem>>, vector<1x16xf32>,
        %get3A_514 = vector.shape_cast %get3A_513 : vector<1x16xf32> to vector<16xf32>
        %add3A_515 = arith.addf %get3A_510, %get3A_514 : vector<16xf32>
        %max3A_516 = arith.constant 0.000000e+00 : f32
        %max3A_517 = vector.broadcast %max3A_516 : f32 to vector<16xf32>
        %max3A_518 = arith.maximumf %add3A_515, %max3A_517 : vector<16xf32>
        %swap3A_519 = arith.index_cast %add3A_438 : i32 to index
        %swap3A_520 = arith.constant 64 : index
        %swap3A_521 = tpu.vector_load %arg14[%swap3A_519, %swap3A_520] {strides = array<i32>} : memref<80x128xf32, #tpu.memory_space<vmem>>, vector<1x16xf32>,
        %swap3A_522 = vector.shape_cast %swap3A_521 : vector<1x16xf32> to vector<16xf32>
        %swap3A_523 = vector.shape_cast %max3A_518 : vector<16xf32> to vector<1x16xf32>
        tpu.vector_store %arg14[%swap3A_519, %swap3A_520], %swap3A_523 {strides = array<i32>} : memref<80x128xf32, #tpu.memory_space<vmem>>, vector<1x16xf32>,
        %get3A_524 = arith.index_cast %add3A_438 : i32 to index
        %get3A_525 = arith.constant 80 : index
        %get3A_526 = tpu.vector_load %arg14[%get3A_524, %get3A_525] {strides = array<i32>} : memref<80x128xf32, #tpu.memory_space<vmem>>, vector<1x16xf32>,
        %get3A_527 = vector.shape_cast %get3A_526 : vector<1x16xf32> to vector<16xf32>
        %get3A_528 = arith.index_cast %add3A_438 : i32 to index
        %get3A_529 = arith.constant 80 : index
        %get3A_530 = tpu.vector_load %arg12[%get3A_528, %get3A_529] {strides = array<i32>} : memref<80x128xf32, #tpu.memory_space<vmem>>, vector<1x16xf32>,
        %get3A_531 = vector.shape_cast %get3A_530 : vector<1x16xf32> to vector<16xf32>
        %add3A_532 = arith.addf %get3A_527, %get3A_531 : vector<16xf32>
        %max3A_533 = arith.constant 0.000000e+00 : f32
        %max3A_534 = vector.broadcast %max3A_533 : f32 to vector<16xf32>
        %max3A_535 = arith.maximumf %add3A_532, %max3A_534 : vector<16xf32>
        %swap3A_536 = arith.index_cast %add3A_438 : i32 to index
        %swap3A_537 = arith.constant 80 : index
        %swap3A_538 = tpu.vector_load %arg14[%swap3A_536, %swap3A_537] {strides = array<i32>} : memref<80x128xf32, #tpu.memory_space<vmem>>, vector<1x16xf32>,
        %swap3A_539 = vector.shape_cast %swap3A_538 : vector<1x16xf32> to vector<16xf32>
        %swap3A_540 = vector.shape_cast %max3A_535 : vector<16xf32> to vector<1x16xf32>
        tpu.vector_store %arg14[%swap3A_536, %swap3A_537], %swap3A_540 {strides = array<i32>} : memref<80x128xf32, #tpu.memory_space<vmem>>, vector<1x16xf32>,
        %get3A_541 = arith.index_cast %add3A_438 : i32 to index
        %get3A_542 = arith.constant 96 : index
        %get3A_543 = tpu.vector_load %arg14[%get3A_541, %get3A_542] {strides = array<i32>} : memref<80x128xf32, #tpu.memory_space<vmem>>, vector<1x16xf32>,
        %get3A_544 = vector.shape_cast %get3A_543 : vector<1x16xf32> to vector<16xf32>
        %get3A_545 = arith.index_cast %add3A_438 : i32 to index
        %get3A_546 = arith.constant 96 : index
        %get3A_547 = tpu.vector_load %arg12[%get3A_545, %get3A_546] {strides = array<i32>} : memref<80x128xf32, #tpu.memory_space<vmem>>, vector<1x16xf32>,
        %get3A_548 = vector.shape_cast %get3A_547 : vector<1x16xf32> to vector<16xf32>
        %add3A_549 = arith.addf %get3A_544, %get3A_548 : vector<16xf32>
        %max3A_550 = arith.constant 0.000000e+00 : f32
        %max3A_551 = vector.broadcast %max3A_550 : f32 to vector<16xf32>
        %max3A_552 = arith.maximumf %add3A_549, %max3A_551 : vector<16xf32>
        %swap3A_553 = arith.index_cast %add3A_438 : i32 to index
        %swap3A_554 = arith.constant 96 : index
        %swap3A_555 = tpu.vector_load %arg14[%swap3A_553, %swap3A_554] {strides = array<i32>} : memref<80x128xf32, #tpu.memory_space<vmem>>, vector<1x16xf32>,
        %swap3A_556 = vector.shape_cast %swap3A_555 : vector<1x16xf32> to vector<16xf32>
        %swap3A_557 = vector.shape_cast %max3A_552 : vector<16xf32> to vector<1x16xf32>
        tpu.vector_store %arg14[%swap3A_553, %swap3A_554], %swap3A_557 {strides = array<i32>} : memref<80x128xf32, #tpu.memory_space<vmem>>, vector<1x16xf32>,
        %get3A_558 = arith.index_cast %add3A_438 : i32 to index
        %get3A_559 = arith.constant 112 : index
        %get3A_560 = tpu.vector_load %arg14[%get3A_558, %get3A_559] {strides = array<i32>} : memref<80x128xf32, #tpu.memory_space<vmem>>, vector<1x16xf32>,
        %get3A_561 = vector.shape_cast %get3A_560 : vector<1x16xf32> to vector<16xf32>
        %get3A_562 = arith.index_cast %add3A_438 : i32 to index
        %get3A_563 = arith.constant 112 : index
        %get3A_564 = tpu.vector_load %arg12[%get3A_562, %get3A_563] {strides = array<i32>} : memref<80x128xf32, #tpu.memory_space<vmem>>, vector<1x16xf32>,
        %get3A_565 = vector.shape_cast %get3A_564 : vector<1x16xf32> to vector<16xf32>
        %add3A_566 = arith.addf %get3A_561, %get3A_565 : vector<16xf32>
        %max3A_567 = arith.constant 0.000000e+00 : f32
        %max3A_568 = vector.broadcast %max3A_567 : f32 to vector<16xf32>
        %max3A_569 = arith.maximumf %add3A_566, %max3A_568 : vector<16xf32>
        %swap3A_570 = arith.index_cast %add3A_438 : i32 to index
        %swap3A_571 = arith.constant 112 : index
        %swap3A_572 = tpu.vector_load %arg14[%swap3A_570, %swap3A_571] {strides = array<i32>} : memref<80x128xf32, #tpu.memory_space<vmem>>, vector<1x16xf32>,
        %swap3A_573 = vector.shape_cast %swap3A_572 : vector<1x16xf32> to vector<16xf32>
        %swap3A_574 = vector.shape_cast %max3A_569 : vector<16xf32> to vector<1x16xf32>
        tpu.vector_store %arg14[%swap3A_570, %swap3A_571], %swap3A_574 {strides = array<i32>} : memref<80x128xf32, #tpu.memory_space<vmem>>, vector<1x16xf32>,
        %mul3A_575 = arith.constant 4 : i32
        %mul3A_576 = arith.muli %mul3A_575, %scan3A_157 : i32
        %add3A_577 = arith.constant 3 : i32
        %add3A_578 = arith.addi %mul3A_576, %add3A_577 : i32
        %get3A_579 = arith.index_cast %add3A_578 : i32 to index
        %get3A_580 = arith.constant 0 : index
        %get3A_581 = tpu.vector_load %arg14[%get3A_579, %get3A_580] {strides = array<i32>} : memref<80x128xf32, #tpu.memory_space<vmem>>, vector<1x16xf32>,
        %get3A_582 = vector.shape_cast %get3A_581 : vector<1x16xf32> to vector<16xf32>
        %get3A_583 = arith.index_cast %add3A_578 : i32 to index
        %get3A_584 = arith.constant 0 : index
        %get3A_585 = tpu.vector_load %arg12[%get3A_583, %get3A_584] {strides = array<i32>} : memref<80x128xf32, #tpu.memory_space<vmem>>, vector<1x16xf32>,
        %get3A_586 = vector.shape_cast %get3A_585 : vector<1x16xf32> to vector<16xf32>
        %add3A_587 = arith.addf %get3A_582, %get3A_586 : vector<16xf32>
        %max3A_588 = arith.constant 0.000000e+00 : f32
        %max3A_589 = vector.broadcast %max3A_588 : f32 to vector<16xf32>
        %max3A_590 = arith.maximumf %add3A_587, %max3A_589 : vector<16xf32>
        %swap3A_591 = arith.index_cast %add3A_578 : i32 to index
        %swap3A_592 = arith.constant 0 : index
        %swap3A_593 = tpu.vector_load %arg14[%swap3A_591, %swap3A_592] {strides = array<i32>} : memref<80x128xf32, #tpu.memory_space<vmem>>, vector<1x16xf32>,
        %swap3A_594 = vector.shape_cast %swap3A_593 : vector<1x16xf32> to vector<16xf32>
        %swap3A_595 = vector.shape_cast %max3A_590 : vector<16xf32> to vector<1x16xf32>
        tpu.vector_store %arg14[%swap3A_591, %swap3A_592], %swap3A_595 {strides = array<i32>} : memref<80x128xf32, #tpu.memory_space<vmem>>, vector<1x16xf32>,
        %get3A_596 = arith.index_cast %add3A_578 : i32 to index
        %get3A_597 = arith.constant 16 : index
        %get3A_598 = tpu.vector_load %arg14[%get3A_596, %get3A_597] {strides = array<i32>} : memref<80x128xf32, #tpu.memory_space<vmem>>, vector<1x16xf32>,
        %get3A_599 = vector.shape_cast %get3A_598 : vector<1x16xf32> to vector<16xf32>
        %get3A_600 = arith.index_cast %add3A_578 : i32 to index
        %get3A_601 = arith.constant 16 : index
        %get3A_602 = tpu.vector_load %arg12[%get3A_600, %get3A_601] {strides = array<i32>} : memref<80x128xf32, #tpu.memory_space<vmem>>, vector<1x16xf32>,
        %get3A_603 = vector.shape_cast %get3A_602 : vector<1x16xf32> to vector<16xf32>
        %add3A_604 = arith.addf %get3A_599, %get3A_603 : vector<16xf32>
        %max3A_605 = arith.constant 0.000000e+00 : f32
        %max3A_606 = vector.broadcast %max3A_605 : f32 to vector<16xf32>
        %max3A_607 = arith.maximumf %add3A_604, %max3A_606 : vector<16xf32>
        %swap3A_608 = arith.index_cast %add3A_578 : i32 to index
        %swap3A_609 = arith.constant 16 : index
        %swap3A_610 = tpu.vector_load %arg14[%swap3A_608, %swap3A_609] {strides = array<i32>} : memref<80x128xf32, #tpu.memory_space<vmem>>, vector<1x16xf32>,
        %swap3A_611 = vector.shape_cast %swap3A_610 : vector<1x16xf32> to vector<16xf32>
        %swap3A_612 = vector.shape_cast %max3A_607 : vector<16xf32> to vector<1x16xf32>
        tpu.vector_store %arg14[%swap3A_608, %swap3A_609], %swap3A_612 {strides = array<i32>} : memref<80x128xf32, #tpu.memory_space<vmem>>, vector<1x16xf32>,
        %get3A_613 = arith.index_cast %add3A_578 : i32 to index
        %get3A_614 = arith.constant 32 : index
        %get3A_615 = tpu.vector_load %arg14[%get3A_613, %get3A_614] {strides = array<i32>} : memref<80x128xf32, #tpu.memory_space<vmem>>, vector<1x16xf32>,
        %get3A_616 = vector.shape_cast %get3A_615 : vector<1x16xf32> to vector<16xf32>
        %get3A_617 = arith.index_cast %add3A_578 : i32 to index
        %get3A_618 = arith.constant 32 : index
        %get3A_619 = tpu.vector_load %arg12[%get3A_617, %get3A_618] {strides = array<i32>} : memref<80x128xf32, #tpu.memory_space<vmem>>, vector<1x16xf32>,
        %get3A_620 = vector.shape_cast %get3A_619 : vector<1x16xf32> to vector<16xf32>
        %add3A_621 = arith.addf %get3A_616, %get3A_620 : vector<16xf32>
        %max3A_622 = arith.constant 0.000000e+00 : f32
        %max3A_623 = vector.broadcast %max3A_622 : f32 to vector<16xf32>
        %max3A_624 = arith.maximumf %add3A_621, %max3A_623 : vector<16xf32>
        %swap3A_625 = arith.index_cast %add3A_578 : i32 to index
        %swap3A_626 = arith.constant 32 : index
        %swap3A_627 = tpu.vector_load %arg14[%swap3A_625, %swap3A_626] {strides = array<i32>} : memref<80x128xf32, #tpu.memory_space<vmem>>, vector<1x16xf32>,
        %swap3A_628 = vector.shape_cast %swap3A_627 : vector<1x16xf32> to vector<16xf32>
        %swap3A_629 = vector.shape_cast %max3A_624 : vector<16xf32> to vector<1x16xf32>
        tpu.vector_store %arg14[%swap3A_625, %swap3A_626], %swap3A_629 {strides = array<i32>} : memref<80x128xf32, #tpu.memory_space<vmem>>, vector<1x16xf32>,
        %get3A_630 = arith.index_cast %add3A_578 : i32 to index
        %get3A_631 = arith.constant 48 : index
        %get3A_632 = tpu.vector_load %arg14[%get3A_630, %get3A_631] {strides = array<i32>} : memref<80x128xf32, #tpu.memory_space<vmem>>, vector<1x16xf32>,
        %get3A_633 = vector.shape_cast %get3A_632 : vector<1x16xf32> to vector<16xf32>
        %get3A_634 = arith.index_cast %add3A_578 : i32 to index
        %get3A_635 = arith.constant 48 : index
        %get3A_636 = tpu.vector_load %arg12[%get3A_634, %get3A_635] {strides = array<i32>} : memref<80x128xf32, #tpu.memory_space<vmem>>, vector<1x16xf32>,
        %get3A_637 = vector.shape_cast %get3A_636 : vector<1x16xf32> to vector<16xf32>
        %add3A_638 = arith.addf %get3A_633, %get3A_637 : vector<16xf32>
        %max3A_639 = arith.constant 0.000000e+00 : f32
        %max3A_640 = vector.broadcast %max3A_639 : f32 to vector<16xf32>
        %max3A_641 = arith.maximumf %add3A_638, %max3A_640 : vector<16xf32>
        %swap3A_642 = arith.index_cast %add3A_578 : i32 to index
        %swap3A_643 = arith.constant 48 : index
        %swap3A_644 = tpu.vector_load %arg14[%swap3A_642, %swap3A_643] {strides = array<i32>} : memref<80x128xf32, #tpu.memory_space<vmem>>, vector<1x16xf32>,
        %swap3A_645 = vector.shape_cast %swap3A_644 : vector<1x16xf32> to vector<16xf32>
        %swap3A_646 = vector.shape_cast %max3A_641 : vector<16xf32> to vector<1x16xf32>
        tpu.vector_store %arg14[%swap3A_642, %swap3A_643], %swap3A_646 {strides = array<i32>} : memref<80x128xf32, #tpu.memory_space<vmem>>, vector<1x16xf32>,
        %get3A_647 = arith.index_cast %add3A_578 : i32 to index
        %get3A_648 = arith.constant 64 : index
        %get3A_649 = tpu.vector_load %arg14[%get3A_647, %get3A_648] {strides = array<i32>} : memref<80x128xf32, #tpu.memory_space<vmem>>, vector<1x16xf32>,
        %get3A_650 = vector.shape_cast %get3A_649 : vector<1x16xf32> to vector<16xf32>
        %get3A_651 = arith.index_cast %add3A_578 : i32 to index
        %get3A_652 = arith.constant 64 : index
        %get3A_653 = tpu.vector_load %arg12[%get3A_651, %get3A_652] {strides = array<i32>} : memref<80x128xf32, #tpu.memory_space<vmem>>, vector<1x16xf32>,
        %get3A_654 = vector.shape_cast %get3A_653 : vector<1x16xf32> to vector<16xf32>
        %add3A_655 = arith.addf %get3A_650, %get3A_654 : vector<16xf32>
        %max3A_656 = arith.constant 0.000000e+00 : f32
        %max3A_657 = vector.broadcast %max3A_656 : f32 to vector<16xf32>
        %max3A_658 = arith.maximumf %add3A_655, %max3A_657 : vector<16xf32>
        %swap3A_659 = arith.index_cast %add3A_578 : i32 to index
        %swap3A_660 = arith.constant 64 : index
        %swap3A_661 = tpu.vector_load %arg14[%swap3A_659, %swap3A_660] {strides = array<i32>} : memref<80x128xf32, #tpu.memory_space<vmem>>, vector<1x16xf32>,
        %swap3A_662 = vector.shape_cast %swap3A_661 : vector<1x16xf32> to vector<16xf32>
        %swap3A_663 = vector.shape_cast %max3A_658 : vector<16xf32> to vector<1x16xf32>
        tpu.vector_store %arg14[%swap3A_659, %swap3A_660], %swap3A_663 {strides = array<i32>} : memref<80x128xf32, #tpu.memory_space<vmem>>, vector<1x16xf32>,
        %get3A_664 = arith.index_cast %add3A_578 : i32 to index
        %get3A_665 = arith.constant 80 : index
        %get3A_666 = tpu.vector_load %arg14[%get3A_664, %get3A_665] {strides = array<i32>} : memref<80x128xf32, #tpu.memory_space<vmem>>, vector<1x16xf32>,
        %get3A_667 = vector.shape_cast %get3A_666 : vector<1x16xf32> to vector<16xf32>
        %get3A_668 = arith.index_cast %add3A_578 : i32 to index
        %get3A_669 = arith.constant 80 : index
        %get3A_670 = tpu.vector_load %arg12[%get3A_668, %get3A_669] {strides = array<i32>} : memref<80x128xf32, #tpu.memory_space<vmem>>, vector<1x16xf32>,
        %get3A_671 = vector.shape_cast %get3A_670 : vector<1x16xf32> to vector<16xf32>
        %add3A_672 = arith.addf %get3A_667, %get3A_671 : vector<16xf32>
        %max3A_673 = arith.constant 0.000000e+00 : f32
        %max3A_674 = vector.broadcast %max3A_673 : f32 to vector<16xf32>
        %max3A_675 = arith.maximumf %add3A_672, %max3A_674 : vector<16xf32>
        %swap3A_676 = arith.index_cast %add3A_578 : i32 to index
        %swap3A_677 = arith.constant 80 : index
        %swap3A_678 = tpu.vector_load %arg14[%swap3A_676, %swap3A_677] {strides = array<i32>} : memref<80x128xf32, #tpu.memory_space<vmem>>, vector<1x16xf32>,
        %swap3A_679 = vector.shape_cast %swap3A_678 : vector<1x16xf32> to vector<16xf32>
        %swap3A_680 = vector.shape_cast %max3A_675 : vector<16xf32> to vector<1x16xf32>
        tpu.vector_store %arg14[%swap3A_676, %swap3A_677], %swap3A_680 {strides = array<i32>} : memref<80x128xf32, #tpu.memory_space<vmem>>, vector<1x16xf32>,
        %get3A_681 = arith.index_cast %add3A_578 : i32 to index
        %get3A_682 = arith.constant 96 : index
        %get3A_683 = tpu.vector_load %arg14[%get3A_681, %get3A_682] {strides = array<i32>} : memref<80x128xf32, #tpu.memory_space<vmem>>, vector<1x16xf32>,
        %get3A_684 = vector.shape_cast %get3A_683 : vector<1x16xf32> to vector<16xf32>
        %get3A_685 = arith.index_cast %add3A_578 : i32 to index
        %get3A_686 = arith.constant 96 : index
        %get3A_687 = tpu.vector_load %arg12[%get3A_685, %get3A_686] {strides = array<i32>} : memref<80x128xf32, #tpu.memory_space<vmem>>, vector<1x16xf32>,
        %get3A_688 = vector.shape_cast %get3A_687 : vector<1x16xf32> to vector<16xf32>
        %add3A_689 = arith.addf %get3A_684, %get3A_688 : vector<16xf32>
        %max3A_690 = arith.constant 0.000000e+00 : f32
        %max3A_691 = vector.broadcast %max3A_690 : f32 to vector<16xf32>
        %max3A_692 = arith.maximumf %add3A_689, %max3A_691 : vector<16xf32>
        %swap3A_693 = arith.index_cast %add3A_578 : i32 to index
        %swap3A_694 = arith.constant 96 : index
        %swap3A_695 = tpu.vector_load %arg14[%swap3A_693, %swap3A_694] {strides = array<i32>} : memref<80x128xf32, #tpu.memory_space<vmem>>, vector<1x16xf32>,
        %swap3A_696 = vector.shape_cast %swap3A_695 : vector<1x16xf32> to vector<16xf32>
        %swap3A_697 = vector.shape_cast %max3A_692 : vector<16xf32> to vector<1x16xf32>
        tpu.vector_store %arg14[%swap3A_693, %swap3A_694], %swap3A_697 {strides = array<i32>} : memref<80x128xf32, #tpu.memory_space<vmem>>, vector<1x16xf32>,
        %get3A_698 = arith.index_cast %add3A_578 : i32 to index
        %get3A_699 = arith.constant 112 : index
        %get3A_700 = tpu.vector_load %arg14[%get3A_698, %get3A_699] {strides = array<i32>} : memref<80x128xf32, #tpu.memory_space<vmem>>, vector<1x16xf32>,
        %get3A_701 = vector.shape_cast %get3A_700 : vector<1x16xf32> to vector<16xf32>
        %get3A_702 = arith.index_cast %add3A_578 : i32 to index
        %get3A_703 = arith.constant 112 : index
        %get3A_704 = tpu.vector_load %arg12[%get3A_702, %get3A_703] {strides = array<i32>} : memref<80x128xf32, #tpu.memory_space<vmem>>, vector<1x16xf32>,
        %get3A_705 = vector.shape_cast %get3A_704 : vector<1x16xf32> to vector<16xf32>
        %add3A_706 = arith.addf %get3A_701, %get3A_705 : vector<16xf32>
        %max3A_707 = arith.constant 0.000000e+00 : f32
        %max3A_708 = vector.broadcast %max3A_707 : f32 to vector<16xf32>
        %max3A_709 = arith.maximumf %add3A_706, %max3A_708 : vector<16xf32>
        %swap3A_710 = arith.index_cast %add3A_578 : i32 to index
        %swap3A_711 = arith.constant 112 : index
        %swap3A_712 = tpu.vector_load %arg14[%swap3A_710, %swap3A_711] {strides = array<i32>} : memref<80x128xf32, #tpu.memory_space<vmem>>, vector<1x16xf32>,
        %swap3A_713 = vector.shape_cast %swap3A_712 : vector<1x16xf32> to vector<16xf32>
        %swap3A_714 = vector.shape_cast %max3A_709 : vector<16xf32> to vector<1x16xf32>
        tpu.vector_store %arg14[%swap3A_710, %swap3A_711], %swap3A_714 {strides = array<i32>} : memref<80x128xf32, #tpu.memory_space<vmem>>, vector<1x16xf32>,
      }
      %scan3A_120 = arith.constant 20 : i32
      %lt3A_121 = arith.constant 124 : i32
      %lt3A_122 = arith.cmpi slt, %add3A_105, %lt3A_121 : i32
      %convert_element_type3A_123 = arith.extui %lt3A_122 : i1 to i32
      %cond3A_124 = arith.constant 0 : i32
      %cond3A_125 = arith.cmpi ne, %convert_element_type3A_123, %cond3A_124 : i32
      scf.if %cond3A_125 {
        %add3A_157 = arith.constant 1 : i32
        %add3A_158 = arith.addi %add3A_105, %add3A_157 : i32
        %mul3A_159 = arith.constant 10000 : i32
        %mul3A_160 = arith.muli %add3A, %mul3A_159 : i32
        %mul3A_161 = arith.constant 80 : i32
        %mul3A_162 = arith.muli %add3A_158, %mul3A_161 : i32
        %add3A_163 = arith.addi %mul3A_160, %mul3A_162 : i32
        %dma_wait3A_164 = tpu.memref_slice %arg3[%add3A_163] : memref<320000xi32, #tpu.memory_space<hbm>> -> memref<80xi32, #tpu.memory_space<hbm>>
        %dma_wait3A_165 = tpu.memref_slice %arg3[%add3A_163] : memref<320000xi32, #tpu.memory_space<hbm>> -> memref<80xi32, #tpu.memory_space<hbm>>
        tpu.wait_dma2 semaphore(%arg16 : memref<!tpu.dma_semaphore, #tpu.memory_space<semaphore_mem>>) src(%dma_wait3A_165 : memref<80xi32, #tpu.memory_space<hbm>>) dst(%arg7 : memref<80xi32, #tpu.memory_space<vmem>>)
        %dma_wait3A_166 = tpu.memref_slice %arg4[%add3A_163] : memref<320000xi32, #tpu.memory_space<hbm>> -> memref<80xi32, #tpu.memory_space<hbm>>
        %dma_wait3A_167 = tpu.memref_slice %arg4[%add3A_163] : memref<320000xi32, #tpu.memory_space<hbm>> -> memref<80xi32, #tpu.memory_space<hbm>>
        tpu.wait_dma2 semaphore(%arg18 : memref<!tpu.dma_semaphore, #tpu.memory_space<semaphore_mem>>) src(%dma_wait3A_167 : memref<80xi32, #tpu.memory_space<hbm>>) dst(%arg9 : memref<80xi32, #tpu.memory_space<vmem>>)
        %dma_wait3A_168 = arith.constant 0 : i32
        %dma_wait3A_169 = tpu.memref_slice %arg5[%add3A_163, %dma_wait3A_168] : memref<320000x128xf32, #tpu.memory_space<hbm>> -> memref<80x128xf32, #tpu.memory_space<hbm>>
        %dma_wait3A_170 = arith.constant 0 : i32
        %dma_wait3A_171 = tpu.memref_slice %arg5[%add3A_163, %dma_wait3A_170] : memref<320000x128xf32, #tpu.memory_space<hbm>> -> memref<80x128xf32, #tpu.memory_space<hbm>>
        tpu.wait_dma2 semaphore(%arg20 : memref<!tpu.dma_semaphore, #tpu.memory_space<semaphore_mem>>) src(%dma_wait3A_171 : memref<80x128xf32, #tpu.memory_space<hbm>>) dst(%arg11 : memref<80x128xf32, #tpu.memory_space<vmem>>)
        %dma_start3A_172 = arith.constant 0 : i32
        %dma_start3A_173 = arith.constant 0 : i32
        %dma_start3A_174 = tpu.memref_slice %arg2[%dma_start3A_172, %dma_start3A_173] : memref<10000x128xf32, #tpu.memory_space<hbm>> -> memref<10000x128xf32, #tpu.memory_space<hbm>>
        tpu.enqueue_indirect_dma source(%dma_start3A_174 : memref<10000x128xf32, #tpu.memory_space<hbm>>) target(%arg13 : memref<80x128xf32, #tpu.memory_space<vmem>>) offsets(%arg7 : memref<80xi32, #tpu.memory_space<vmem>>) semaphore(%arg22 : memref<!tpu.dma_semaphore, #tpu.memory_space<semaphore_mem>>)
      } else {
      }
      %dma_start3A_126 = arith.constant 0 : i32
      %dma_start3A_127 = arith.constant 0 : i32
      %dma_start3A_128 = tpu.memref_slice %arg15[%dma_start3A_126, %dma_start3A_127] : memref<10000x128xf32, #tpu.memory_space<vmem_shared>> -> memref<10000x128xf32, #tpu.memory_space<vmem_shared>>
      tpu.enqueue_indirect_dma source(%arg14 : memref<80x128xf32, #tpu.memory_space<vmem>>) target(%dma_start3A_128 : memref<10000x128xf32, #tpu.memory_space<vmem_shared>>) offsets(%arg10 : memref<80xi32, #tpu.memory_space<vmem>>) semaphore(%arg25 : memref<!tpu.dma_semaphore, #tpu.memory_space<semaphore_mem>>) {add = true}
      %mul3A_129 = arith.constant 2 : i32
      %mul3A_130 = arith.muli %mul3A_129, %scan3A_101 : i32
      %add3A_131 = arith.constant 2 : i32
      %add3A_132 = arith.addi %mul3A_130, %add3A_131 : i32
      %dma_wait3A_133 = arith.constant 0 : i32
      %dma_wait3A_134 = arith.constant 0 : i32
      %dma_wait3A_135 = tpu.memref_slice %arg15[%dma_wait3A_133, %dma_wait3A_134] : memref<10000x128xf32, #tpu.memory_space<vmem_shared>> -> memref<10000x128xf32, #tpu.memory_space<vmem_shared>>
      tpu.wait_indirect_dma semaphore(%arg25 : memref<!tpu.dma_semaphore, #tpu.memory_space<semaphore_mem>>) src(%arg14 : memref<80x128xf32, #tpu.memory_space<vmem>>) dst(%dma_wait3A_135 : memref<10000x128xf32, #tpu.memory_space<vmem_shared>>)
      %lt3A_136 = arith.constant 124 : i32
      %lt3A_137 = arith.cmpi slt, %add3A_132, %lt3A_136 : i32
      %convert_element_type3A_138 = arith.extui %lt3A_137 : i1 to i32
      %cond3A_139 = arith.constant 0 : i32
      %cond3A_140 = arith.cmpi ne, %convert_element_type3A_138, %cond3A_139 : i32
      scf.if %cond3A_140 {
        %add3A_157 = arith.constant 1 : i32
        %add3A_158 = arith.addi %add3A_132, %add3A_157 : i32
        %mul3A_159 = arith.constant 10000 : i32
        %mul3A_160 = arith.muli %add3A, %mul3A_159 : i32
        %mul3A_161 = arith.constant 80 : i32
        %mul3A_162 = arith.muli %add3A_158, %mul3A_161 : i32
        %add3A_163 = arith.addi %mul3A_160, %mul3A_162 : i32
        %dma_start3A_164 = tpu.memref_slice %arg3[%add3A_163] : memref<320000xi32, #tpu.memory_space<hbm>> -> memref<80xi32, #tpu.memory_space<hbm>>
        %dma_start3A_165 = tpu.memref_slice %arg3[%add3A_163] : memref<320000xi32, #tpu.memory_space<hbm>> -> memref<80xi32, #tpu.memory_space<hbm>>
        tpu.enqueue_dma source(%dma_start3A_165 : memref<80xi32, #tpu.memory_space<hbm>>) target(%arg8 : memref<80xi32, #tpu.memory_space<vmem>>) target_semaphore(%arg17 : memref<!tpu.dma_semaphore, #tpu.memory_space<semaphore_mem>>)
        %dma_start3A_166 = tpu.memref_slice %arg4[%add3A_163] : memref<320000xi32, #tpu.memory_space<hbm>> -> memref<80xi32, #tpu.memory_space<hbm>>
        %dma_start3A_167 = tpu.memref_slice %arg4[%add3A_163] : memref<320000xi32, #tpu.memory_space<hbm>> -> memref<80xi32, #tpu.memory_space<hbm>>
        tpu.enqueue_dma source(%dma_start3A_167 : memref<80xi32, #tpu.memory_space<hbm>>) target(%arg10 : memref<80xi32, #tpu.memory_space<vmem>>) target_semaphore(%arg19 : memref<!tpu.dma_semaphore, #tpu.memory_space<semaphore_mem>>)
        %dma_start3A_168 = arith.constant 0 : i32
        %dma_start3A_169 = tpu.memref_slice %arg5[%add3A_163, %dma_start3A_168] : memref<320000x128xf32, #tpu.memory_space<hbm>> -> memref<80x128xf32, #tpu.memory_space<hbm>>
        %dma_start3A_170 = arith.constant 0 : i32
        %dma_start3A_171 = tpu.memref_slice %arg5[%add3A_163, %dma_start3A_170] : memref<320000x128xf32, #tpu.memory_space<hbm>> -> memref<80x128xf32, #tpu.memory_space<hbm>>
        tpu.enqueue_dma source(%dma_start3A_171 : memref<80x128xf32, #tpu.memory_space<hbm>>) target(%arg12 : memref<80x128xf32, #tpu.memory_space<vmem>>) target_semaphore(%arg21 : memref<!tpu.dma_semaphore, #tpu.memory_space<semaphore_mem>>)
      } else {
      }
      %dma_wait3A_141 = arith.constant 0 : i32
      %dma_wait3A_142 = arith.constant 0 : i32
      %dma_wait3A_143 = tpu.memref_slice %arg2[%dma_wait3A_141, %dma_wait3A_142] : memref<10000x128xf32, #tpu.memory_space<hbm>> -> memref<10000x128xf32, #tpu.memory_space<hbm>>
      tpu.wait_indirect_dma semaphore(%arg22 : memref<!tpu.dma_semaphore, #tpu.memory_space<semaphore_mem>>) src(%dma_wait3A_143 : memref<10000x128xf32, #tpu.memory_space<hbm>>) dst(%arg13 : memref<80x128xf32, #tpu.memory_space<vmem>>)
      %scan3A_144 = arith.constant 0 : i32
      %scan3A_145 = arith.constant 20 : i32
      %scan3A_146 = arith.addi %scan3A_144, %scan3A_145 : i32
      %scan3A_147 = arith.constant 1 : i32
      scf.for %scan3A_157 = %scan3A_144 to %scan3A_146 step %scan3A_147  : i32 {
        %mul3A_158 = arith.constant 4 : i32
        %mul3A_159 = arith.muli %mul3A_158, %scan3A_157 : i32
        %add3A_160 = arith.constant 0 : i32
        %add3A_161 = arith.addi %mul3A_159, %add3A_160 : i32
        %get3A = arith.index_cast %add3A_161 : i32 to index
        %get3A_162 = arith.constant 0 : index
        %get3A_163 = tpu.vector_load %arg13[%get3A, %get3A_162] {strides = array<i32>} : memref<80x128xf32, #tpu.memory_space<vmem>>, vector<1x16xf32>,
        %get3A_164 = vector.shape_cast %get3A_163 : vector<1x16xf32> to vector<16xf32>
        %get3A_165 = arith.index_cast %add3A_161 : i32 to index
        %get3A_166 = arith.constant 0 : index
        %get3A_167 = tpu.vector_load %arg11[%get3A_165, %get3A_166] {strides = array<i32>} : memref<80x128xf32, #tpu.memory_space<vmem>>, vector<1x16xf32>,
        %get3A_168 = vector.shape_cast %get3A_167 : vector<1x16xf32> to vector<16xf32>
        %add3A_169 = arith.addf %get3A_164, %get3A_168 : vector<16xf32>
        %max3A = arith.constant 0.000000e+00 : f32
        %max3A_170 = vector.broadcast %max3A : f32 to vector<16xf32>
        %max3A_171 = arith.maximumf %add3A_169, %max3A_170 : vector<16xf32>
        %swap3A = arith.index_cast %add3A_161 : i32 to index
        %swap3A_172 = arith.constant 0 : index
        %swap3A_173 = tpu.vector_load %arg13[%swap3A, %swap3A_172] {strides = array<i32>} : memref<80x128xf32, #tpu.memory_space<vmem>>, vector<1x16xf32>,
        %swap3A_174 = vector.shape_cast %swap3A_173 : vector<1x16xf32> to vector<16xf32>
        %swap3A_175 = vector.shape_cast %max3A_171 : vector<16xf32> to vector<1x16xf32>
        tpu.vector_store %arg13[%swap3A, %swap3A_172], %swap3A_175 {strides = array<i32>} : memref<80x128xf32, #tpu.memory_space<vmem>>, vector<1x16xf32>,
        %get3A_176 = arith.index_cast %add3A_161 : i32 to index
        %get3A_177 = arith.constant 16 : index
        %get3A_178 = tpu.vector_load %arg13[%get3A_176, %get3A_177] {strides = array<i32>} : memref<80x128xf32, #tpu.memory_space<vmem>>, vector<1x16xf32>,
        %get3A_179 = vector.shape_cast %get3A_178 : vector<1x16xf32> to vector<16xf32>
        %get3A_180 = arith.index_cast %add3A_161 : i32 to index
        %get3A_181 = arith.constant 16 : index
        %get3A_182 = tpu.vector_load %arg11[%get3A_180, %get3A_181] {strides = array<i32>} : memref<80x128xf32, #tpu.memory_space<vmem>>, vector<1x16xf32>,
        %get3A_183 = vector.shape_cast %get3A_182 : vector<1x16xf32> to vector<16xf32>
        %add3A_184 = arith.addf %get3A_179, %get3A_183 : vector<16xf32>
        %max3A_185 = arith.constant 0.000000e+00 : f32
        %max3A_186 = vector.broadcast %max3A_185 : f32 to vector<16xf32>
        %max3A_187 = arith.maximumf %add3A_184, %max3A_186 : vector<16xf32>
        %swap3A_188 = arith.index_cast %add3A_161 : i32 to index
        %swap3A_189 = arith.constant 16 : index
        %swap3A_190 = tpu.vector_load %arg13[%swap3A_188, %swap3A_189] {strides = array<i32>} : memref<80x128xf32, #tpu.memory_space<vmem>>, vector<1x16xf32>,
        %swap3A_191 = vector.shape_cast %swap3A_190 : vector<1x16xf32> to vector<16xf32>
        %swap3A_192 = vector.shape_cast %max3A_187 : vector<16xf32> to vector<1x16xf32>
        tpu.vector_store %arg13[%swap3A_188, %swap3A_189], %swap3A_192 {strides = array<i32>} : memref<80x128xf32, #tpu.memory_space<vmem>>, vector<1x16xf32>,
        %get3A_193 = arith.index_cast %add3A_161 : i32 to index
        %get3A_194 = arith.constant 32 : index
        %get3A_195 = tpu.vector_load %arg13[%get3A_193, %get3A_194] {strides = array<i32>} : memref<80x128xf32, #tpu.memory_space<vmem>>, vector<1x16xf32>,
        %get3A_196 = vector.shape_cast %get3A_195 : vector<1x16xf32> to vector<16xf32>
        %get3A_197 = arith.index_cast %add3A_161 : i32 to index
        %get3A_198 = arith.constant 32 : index
        %get3A_199 = tpu.vector_load %arg11[%get3A_197, %get3A_198] {strides = array<i32>} : memref<80x128xf32, #tpu.memory_space<vmem>>, vector<1x16xf32>,
        %get3A_200 = vector.shape_cast %get3A_199 : vector<1x16xf32> to vector<16xf32>
        %add3A_201 = arith.addf %get3A_196, %get3A_200 : vector<16xf32>
        %max3A_202 = arith.constant 0.000000e+00 : f32
        %max3A_203 = vector.broadcast %max3A_202 : f32 to vector<16xf32>
        %max3A_204 = arith.maximumf %add3A_201, %max3A_203 : vector<16xf32>
        %swap3A_205 = arith.index_cast %add3A_161 : i32 to index
        %swap3A_206 = arith.constant 32 : index
        %swap3A_207 = tpu.vector_load %arg13[%swap3A_205, %swap3A_206] {strides = array<i32>} : memref<80x128xf32, #tpu.memory_space<vmem>>, vector<1x16xf32>,
        %swap3A_208 = vector.shape_cast %swap3A_207 : vector<1x16xf32> to vector<16xf32>
        %swap3A_209 = vector.shape_cast %max3A_204 : vector<16xf32> to vector<1x16xf32>
        tpu.vector_store %arg13[%swap3A_205, %swap3A_206], %swap3A_209 {strides = array<i32>} : memref<80x128xf32, #tpu.memory_space<vmem>>, vector<1x16xf32>,
        %get3A_210 = arith.index_cast %add3A_161 : i32 to index
        %get3A_211 = arith.constant 48 : index
        %get3A_212 = tpu.vector_load %arg13[%get3A_210, %get3A_211] {strides = array<i32>} : memref<80x128xf32, #tpu.memory_space<vmem>>, vector<1x16xf32>,
        %get3A_213 = vector.shape_cast %get3A_212 : vector<1x16xf32> to vector<16xf32>
        %get3A_214 = arith.index_cast %add3A_161 : i32 to index
        %get3A_215 = arith.constant 48 : index
        %get3A_216 = tpu.vector_load %arg11[%get3A_214, %get3A_215] {strides = array<i32>} : memref<80x128xf32, #tpu.memory_space<vmem>>, vector<1x16xf32>,
        %get3A_217 = vector.shape_cast %get3A_216 : vector<1x16xf32> to vector<16xf32>
        %add3A_218 = arith.addf %get3A_213, %get3A_217 : vector<16xf32>
        %max3A_219 = arith.constant 0.000000e+00 : f32
        %max3A_220 = vector.broadcast %max3A_219 : f32 to vector<16xf32>
        %max3A_221 = arith.maximumf %add3A_218, %max3A_220 : vector<16xf32>
        %swap3A_222 = arith.index_cast %add3A_161 : i32 to index
        %swap3A_223 = arith.constant 48 : index
        %swap3A_224 = tpu.vector_load %arg13[%swap3A_222, %swap3A_223] {strides = array<i32>} : memref<80x128xf32, #tpu.memory_space<vmem>>, vector<1x16xf32>,
        %swap3A_225 = vector.shape_cast %swap3A_224 : vector<1x16xf32> to vector<16xf32>
        %swap3A_226 = vector.shape_cast %max3A_221 : vector<16xf32> to vector<1x16xf32>
        tpu.vector_store %arg13[%swap3A_222, %swap3A_223], %swap3A_226 {strides = array<i32>} : memref<80x128xf32, #tpu.memory_space<vmem>>, vector<1x16xf32>,
        %get3A_227 = arith.index_cast %add3A_161 : i32 to index
        %get3A_228 = arith.constant 64 : index
        %get3A_229 = tpu.vector_load %arg13[%get3A_227, %get3A_228] {strides = array<i32>} : memref<80x128xf32, #tpu.memory_space<vmem>>, vector<1x16xf32>,
        %get3A_230 = vector.shape_cast %get3A_229 : vector<1x16xf32> to vector<16xf32>
        %get3A_231 = arith.index_cast %add3A_161 : i32 to index
        %get3A_232 = arith.constant 64 : index
        %get3A_233 = tpu.vector_load %arg11[%get3A_231, %get3A_232] {strides = array<i32>} : memref<80x128xf32, #tpu.memory_space<vmem>>, vector<1x16xf32>,
        %get3A_234 = vector.shape_cast %get3A_233 : vector<1x16xf32> to vector<16xf32>
        %add3A_235 = arith.addf %get3A_230, %get3A_234 : vector<16xf32>
        %max3A_236 = arith.constant 0.000000e+00 : f32
        %max3A_237 = vector.broadcast %max3A_236 : f32 to vector<16xf32>
        %max3A_238 = arith.maximumf %add3A_235, %max3A_237 : vector<16xf32>
        %swap3A_239 = arith.index_cast %add3A_161 : i32 to index
        %swap3A_240 = arith.constant 64 : index
        %swap3A_241 = tpu.vector_load %arg13[%swap3A_239, %swap3A_240] {strides = array<i32>} : memref<80x128xf32, #tpu.memory_space<vmem>>, vector<1x16xf32>,
        %swap3A_242 = vector.shape_cast %swap3A_241 : vector<1x16xf32> to vector<16xf32>
        %swap3A_243 = vector.shape_cast %max3A_238 : vector<16xf32> to vector<1x16xf32>
        tpu.vector_store %arg13[%swap3A_239, %swap3A_240], %swap3A_243 {strides = array<i32>} : memref<80x128xf32, #tpu.memory_space<vmem>>, vector<1x16xf32>,
        %get3A_244 = arith.index_cast %add3A_161 : i32 to index
        %get3A_245 = arith.constant 80 : index
        %get3A_246 = tpu.vector_load %arg13[%get3A_244, %get3A_245] {strides = array<i32>} : memref<80x128xf32, #tpu.memory_space<vmem>>, vector<1x16xf32>,
        %get3A_247 = vector.shape_cast %get3A_246 : vector<1x16xf32> to vector<16xf32>
        %get3A_248 = arith.index_cast %add3A_161 : i32 to index
        %get3A_249 = arith.constant 80 : index
        %get3A_250 = tpu.vector_load %arg11[%get3A_248, %get3A_249] {strides = array<i32>} : memref<80x128xf32, #tpu.memory_space<vmem>>, vector<1x16xf32>,
        %get3A_251 = vector.shape_cast %get3A_250 : vector<1x16xf32> to vector<16xf32>
        %add3A_252 = arith.addf %get3A_247, %get3A_251 : vector<16xf32>
        %max3A_253 = arith.constant 0.000000e+00 : f32
        %max3A_254 = vector.broadcast %max3A_253 : f32 to vector<16xf32>
        %max3A_255 = arith.maximumf %add3A_252, %max3A_254 : vector<16xf32>
        %swap3A_256 = arith.index_cast %add3A_161 : i32 to index
        %swap3A_257 = arith.constant 80 : index
        %swap3A_258 = tpu.vector_load %arg13[%swap3A_256, %swap3A_257] {strides = array<i32>} : memref<80x128xf32, #tpu.memory_space<vmem>>, vector<1x16xf32>,
        %swap3A_259 = vector.shape_cast %swap3A_258 : vector<1x16xf32> to vector<16xf32>
        %swap3A_260 = vector.shape_cast %max3A_255 : vector<16xf32> to vector<1x16xf32>
        tpu.vector_store %arg13[%swap3A_256, %swap3A_257], %swap3A_260 {strides = array<i32>} : memref<80x128xf32, #tpu.memory_space<vmem>>, vector<1x16xf32>,
        %get3A_261 = arith.index_cast %add3A_161 : i32 to index
        %get3A_262 = arith.constant 96 : index
        %get3A_263 = tpu.vector_load %arg13[%get3A_261, %get3A_262] {strides = array<i32>} : memref<80x128xf32, #tpu.memory_space<vmem>>, vector<1x16xf32>,
        %get3A_264 = vector.shape_cast %get3A_263 : vector<1x16xf32> to vector<16xf32>
        %get3A_265 = arith.index_cast %add3A_161 : i32 to index
        %get3A_266 = arith.constant 96 : index
        %get3A_267 = tpu.vector_load %arg11[%get3A_265, %get3A_266] {strides = array<i32>} : memref<80x128xf32, #tpu.memory_space<vmem>>, vector<1x16xf32>,
        %get3A_268 = vector.shape_cast %get3A_267 : vector<1x16xf32> to vector<16xf32>
        %add3A_269 = arith.addf %get3A_264, %get3A_268 : vector<16xf32>
        %max3A_270 = arith.constant 0.000000e+00 : f32
        %max3A_271 = vector.broadcast %max3A_270 : f32 to vector<16xf32>
        %max3A_272 = arith.maximumf %add3A_269, %max3A_271 : vector<16xf32>
        %swap3A_273 = arith.index_cast %add3A_161 : i32 to index
        %swap3A_274 = arith.constant 96 : index
        %swap3A_275 = tpu.vector_load %arg13[%swap3A_273, %swap3A_274] {strides = array<i32>} : memref<80x128xf32, #tpu.memory_space<vmem>>, vector<1x16xf32>,
        %swap3A_276 = vector.shape_cast %swap3A_275 : vector<1x16xf32> to vector<16xf32>
        %swap3A_277 = vector.shape_cast %max3A_272 : vector<16xf32> to vector<1x16xf32>
        tpu.vector_store %arg13[%swap3A_273, %swap3A_274], %swap3A_277 {strides = array<i32>} : memref<80x128xf32, #tpu.memory_space<vmem>>, vector<1x16xf32>,
        %get3A_278 = arith.index_cast %add3A_161 : i32 to index
        %get3A_279 = arith.constant 112 : index
        %get3A_280 = tpu.vector_load %arg13[%get3A_278, %get3A_279] {strides = array<i32>} : memref<80x128xf32, #tpu.memory_space<vmem>>, vector<1x16xf32>,
        %get3A_281 = vector.shape_cast %get3A_280 : vector<1x16xf32> to vector<16xf32>
        %get3A_282 = arith.index_cast %add3A_161 : i32 to index
        %get3A_283 = arith.constant 112 : index
        %get3A_284 = tpu.vector_load %arg11[%get3A_282, %get3A_283] {strides = array<i32>} : memref<80x128xf32, #tpu.memory_space<vmem>>, vector<1x16xf32>,
        %get3A_285 = vector.shape_cast %get3A_284 : vector<1x16xf32> to vector<16xf32>
        %add3A_286 = arith.addf %get3A_281, %get3A_285 : vector<16xf32>
        %max3A_287 = arith.constant 0.000000e+00 : f32
        %max3A_288 = vector.broadcast %max3A_287 : f32 to vector<16xf32>
        %max3A_289 = arith.maximumf %add3A_286, %max3A_288 : vector<16xf32>
        %swap3A_290 = arith.index_cast %add3A_161 : i32 to index
        %swap3A_291 = arith.constant 112 : index
        %swap3A_292 = tpu.vector_load %arg13[%swap3A_290, %swap3A_291] {strides = array<i32>} : memref<80x128xf32, #tpu.memory_space<vmem>>, vector<1x16xf32>,
        %swap3A_293 = vector.shape_cast %swap3A_292 : vector<1x16xf32> to vector<16xf32>
        %swap3A_294 = vector.shape_cast %max3A_289 : vector<16xf32> to vector<1x16xf32>
        tpu.vector_store %arg13[%swap3A_290, %swap3A_291], %swap3A_294 {strides = array<i32>} : memref<80x128xf32, #tpu.memory_space<vmem>>, vector<1x16xf32>,
        %mul3A_295 = arith.constant 4 : i32
        %mul3A_296 = arith.muli %mul3A_295, %scan3A_157 : i32
        %add3A_297 = arith.constant 1 : i32
        %add3A_298 = arith.addi %mul3A_296, %add3A_297 : i32
        %get3A_299 = arith.index_cast %add3A_298 : i32 to index
        %get3A_300 = arith.constant 0 : index
        %get3A_301 = tpu.vector_load %arg13[%get3A_299, %get3A_300] {strides = array<i32>} : memref<80x128xf32, #tpu.memory_space<vmem>>, vector<1x16xf32>,
        %get3A_302 = vector.shape_cast %get3A_301 : vector<1x16xf32> to vector<16xf32>
        %get3A_303 = arith.index_cast %add3A_298 : i32 to index
        %get3A_304 = arith.constant 0 : index
        %get3A_305 = tpu.vector_load %arg11[%get3A_303, %get3A_304] {strides = array<i32>} : memref<80x128xf32, #tpu.memory_space<vmem>>, vector<1x16xf32>,
        %get3A_306 = vector.shape_cast %get3A_305 : vector<1x16xf32> to vector<16xf32>
        %add3A_307 = arith.addf %get3A_302, %get3A_306 : vector<16xf32>
        %max3A_308 = arith.constant 0.000000e+00 : f32
        %max3A_309 = vector.broadcast %max3A_308 : f32 to vector<16xf32>
        %max3A_310 = arith.maximumf %add3A_307, %max3A_309 : vector<16xf32>
        %swap3A_311 = arith.index_cast %add3A_298 : i32 to index
        %swap3A_312 = arith.constant 0 : index
        %swap3A_313 = tpu.vector_load %arg13[%swap3A_311, %swap3A_312] {strides = array<i32>} : memref<80x128xf32, #tpu.memory_space<vmem>>, vector<1x16xf32>,
        %swap3A_314 = vector.shape_cast %swap3A_313 : vector<1x16xf32> to vector<16xf32>
        %swap3A_315 = vector.shape_cast %max3A_310 : vector<16xf32> to vector<1x16xf32>
        tpu.vector_store %arg13[%swap3A_311, %swap3A_312], %swap3A_315 {strides = array<i32>} : memref<80x128xf32, #tpu.memory_space<vmem>>, vector<1x16xf32>,
        %get3A_316 = arith.index_cast %add3A_298 : i32 to index
        %get3A_317 = arith.constant 16 : index
        %get3A_318 = tpu.vector_load %arg13[%get3A_316, %get3A_317] {strides = array<i32>} : memref<80x128xf32, #tpu.memory_space<vmem>>, vector<1x16xf32>,
        %get3A_319 = vector.shape_cast %get3A_318 : vector<1x16xf32> to vector<16xf32>
        %get3A_320 = arith.index_cast %add3A_298 : i32 to index
        %get3A_321 = arith.constant 16 : index
        %get3A_322 = tpu.vector_load %arg11[%get3A_320, %get3A_321] {strides = array<i32>} : memref<80x128xf32, #tpu.memory_space<vmem>>, vector<1x16xf32>,
        %get3A_323 = vector.shape_cast %get3A_322 : vector<1x16xf32> to vector<16xf32>
        %add3A_324 = arith.addf %get3A_319, %get3A_323 : vector<16xf32>
        %max3A_325 = arith.constant 0.000000e+00 : f32
        %max3A_326 = vector.broadcast %max3A_325 : f32 to vector<16xf32>
        %max3A_327 = arith.maximumf %add3A_324, %max3A_326 : vector<16xf32>
        %swap3A_328 = arith.index_cast %add3A_298 : i32 to index
        %swap3A_329 = arith.constant 16 : index
        %swap3A_330 = tpu.vector_load %arg13[%swap3A_328, %swap3A_329] {strides = array<i32>} : memref<80x128xf32, #tpu.memory_space<vmem>>, vector<1x16xf32>,
        %swap3A_331 = vector.shape_cast %swap3A_330 : vector<1x16xf32> to vector<16xf32>
        %swap3A_332 = vector.shape_cast %max3A_327 : vector<16xf32> to vector<1x16xf32>
        tpu.vector_store %arg13[%swap3A_328, %swap3A_329], %swap3A_332 {strides = array<i32>} : memref<80x128xf32, #tpu.memory_space<vmem>>, vector<1x16xf32>,
        %get3A_333 = arith.index_cast %add3A_298 : i32 to index
        %get3A_334 = arith.constant 32 : index
        %get3A_335 = tpu.vector_load %arg13[%get3A_333, %get3A_334] {strides = array<i32>} : memref<80x128xf32, #tpu.memory_space<vmem>>, vector<1x16xf32>,
        %get3A_336 = vector.shape_cast %get3A_335 : vector<1x16xf32> to vector<16xf32>
        %get3A_337 = arith.index_cast %add3A_298 : i32 to index
        %get3A_338 = arith.constant 32 : index
        %get3A_339 = tpu.vector_load %arg11[%get3A_337, %get3A_338] {strides = array<i32>} : memref<80x128xf32, #tpu.memory_space<vmem>>, vector<1x16xf32>,
        %get3A_340 = vector.shape_cast %get3A_339 : vector<1x16xf32> to vector<16xf32>
        %add3A_341 = arith.addf %get3A_336, %get3A_340 : vector<16xf32>
        %max3A_342 = arith.constant 0.000000e+00 : f32
        %max3A_343 = vector.broadcast %max3A_342 : f32 to vector<16xf32>
        %max3A_344 = arith.maximumf %add3A_341, %max3A_343 : vector<16xf32>
        %swap3A_345 = arith.index_cast %add3A_298 : i32 to index
        %swap3A_346 = arith.constant 32 : index
        %swap3A_347 = tpu.vector_load %arg13[%swap3A_345, %swap3A_346] {strides = array<i32>} : memref<80x128xf32, #tpu.memory_space<vmem>>, vector<1x16xf32>,
        %swap3A_348 = vector.shape_cast %swap3A_347 : vector<1x16xf32> to vector<16xf32>
        %swap3A_349 = vector.shape_cast %max3A_344 : vector<16xf32> to vector<1x16xf32>
        tpu.vector_store %arg13[%swap3A_345, %swap3A_346], %swap3A_349 {strides = array<i32>} : memref<80x128xf32, #tpu.memory_space<vmem>>, vector<1x16xf32>,
        %get3A_350 = arith.index_cast %add3A_298 : i32 to index
        %get3A_351 = arith.constant 48 : index
        %get3A_352 = tpu.vector_load %arg13[%get3A_350, %get3A_351] {strides = array<i32>} : memref<80x128xf32, #tpu.memory_space<vmem>>, vector<1x16xf32>,
        %get3A_353 = vector.shape_cast %get3A_352 : vector<1x16xf32> to vector<16xf32>
        %get3A_354 = arith.index_cast %add3A_298 : i32 to index
        %get3A_355 = arith.constant 48 : index
        %get3A_356 = tpu.vector_load %arg11[%get3A_354, %get3A_355] {strides = array<i32>} : memref<80x128xf32, #tpu.memory_space<vmem>>, vector<1x16xf32>,
        %get3A_357 = vector.shape_cast %get3A_356 : vector<1x16xf32> to vector<16xf32>
        %add3A_358 = arith.addf %get3A_353, %get3A_357 : vector<16xf32>
        %max3A_359 = arith.constant 0.000000e+00 : f32
        %max3A_360 = vector.broadcast %max3A_359 : f32 to vector<16xf32>
        %max3A_361 = arith.maximumf %add3A_358, %max3A_360 : vector<16xf32>
        %swap3A_362 = arith.index_cast %add3A_298 : i32 to index
        %swap3A_363 = arith.constant 48 : index
        %swap3A_364 = tpu.vector_load %arg13[%swap3A_362, %swap3A_363] {strides = array<i32>} : memref<80x128xf32, #tpu.memory_space<vmem>>, vector<1x16xf32>,
        %swap3A_365 = vector.shape_cast %swap3A_364 : vector<1x16xf32> to vector<16xf32>
        %swap3A_366 = vector.shape_cast %max3A_361 : vector<16xf32> to vector<1x16xf32>
        tpu.vector_store %arg13[%swap3A_362, %swap3A_363], %swap3A_366 {strides = array<i32>} : memref<80x128xf32, #tpu.memory_space<vmem>>, vector<1x16xf32>,
        %get3A_367 = arith.index_cast %add3A_298 : i32 to index
        %get3A_368 = arith.constant 64 : index
        %get3A_369 = tpu.vector_load %arg13[%get3A_367, %get3A_368] {strides = array<i32>} : memref<80x128xf32, #tpu.memory_space<vmem>>, vector<1x16xf32>,
        %get3A_370 = vector.shape_cast %get3A_369 : vector<1x16xf32> to vector<16xf32>
        %get3A_371 = arith.index_cast %add3A_298 : i32 to index
        %get3A_372 = arith.constant 64 : index
        %get3A_373 = tpu.vector_load %arg11[%get3A_371, %get3A_372] {strides = array<i32>} : memref<80x128xf32, #tpu.memory_space<vmem>>, vector<1x16xf32>,
        %get3A_374 = vector.shape_cast %get3A_373 : vector<1x16xf32> to vector<16xf32>
        %add3A_375 = arith.addf %get3A_370, %get3A_374 : vector<16xf32>
        %max3A_376 = arith.constant 0.000000e+00 : f32
        %max3A_377 = vector.broadcast %max3A_376 : f32 to vector<16xf32>
        %max3A_378 = arith.maximumf %add3A_375, %max3A_377 : vector<16xf32>
        %swap3A_379 = arith.index_cast %add3A_298 : i32 to index
        %swap3A_380 = arith.constant 64 : index
        %swap3A_381 = tpu.vector_load %arg13[%swap3A_379, %swap3A_380] {strides = array<i32>} : memref<80x128xf32, #tpu.memory_space<vmem>>, vector<1x16xf32>,
        %swap3A_382 = vector.shape_cast %swap3A_381 : vector<1x16xf32> to vector<16xf32>
        %swap3A_383 = vector.shape_cast %max3A_378 : vector<16xf32> to vector<1x16xf32>
        tpu.vector_store %arg13[%swap3A_379, %swap3A_380], %swap3A_383 {strides = array<i32>} : memref<80x128xf32, #tpu.memory_space<vmem>>, vector<1x16xf32>,
        %get3A_384 = arith.index_cast %add3A_298 : i32 to index
        %get3A_385 = arith.constant 80 : index
        %get3A_386 = tpu.vector_load %arg13[%get3A_384, %get3A_385] {strides = array<i32>} : memref<80x128xf32, #tpu.memory_space<vmem>>, vector<1x16xf32>,
        %get3A_387 = vector.shape_cast %get3A_386 : vector<1x16xf32> to vector<16xf32>
        %get3A_388 = arith.index_cast %add3A_298 : i32 to index
        %get3A_389 = arith.constant 80 : index
        %get3A_390 = tpu.vector_load %arg11[%get3A_388, %get3A_389] {strides = array<i32>} : memref<80x128xf32, #tpu.memory_space<vmem>>, vector<1x16xf32>,
        %get3A_391 = vector.shape_cast %get3A_390 : vector<1x16xf32> to vector<16xf32>
        %add3A_392 = arith.addf %get3A_387, %get3A_391 : vector<16xf32>
        %max3A_393 = arith.constant 0.000000e+00 : f32
        %max3A_394 = vector.broadcast %max3A_393 : f32 to vector<16xf32>
        %max3A_395 = arith.maximumf %add3A_392, %max3A_394 : vector<16xf32>
        %swap3A_396 = arith.index_cast %add3A_298 : i32 to index
        %swap3A_397 = arith.constant 80 : index
        %swap3A_398 = tpu.vector_load %arg13[%swap3A_396, %swap3A_397] {strides = array<i32>} : memref<80x128xf32, #tpu.memory_space<vmem>>, vector<1x16xf32>,
        %swap3A_399 = vector.shape_cast %swap3A_398 : vector<1x16xf32> to vector<16xf32>
        %swap3A_400 = vector.shape_cast %max3A_395 : vector<16xf32> to vector<1x16xf32>
        tpu.vector_store %arg13[%swap3A_396, %swap3A_397], %swap3A_400 {strides = array<i32>} : memref<80x128xf32, #tpu.memory_space<vmem>>, vector<1x16xf32>,
        %get3A_401 = arith.index_cast %add3A_298 : i32 to index
        %get3A_402 = arith.constant 96 : index
        %get3A_403 = tpu.vector_load %arg13[%get3A_401, %get3A_402] {strides = array<i32>} : memref<80x128xf32, #tpu.memory_space<vmem>>, vector<1x16xf32>,
        %get3A_404 = vector.shape_cast %get3A_403 : vector<1x16xf32> to vector<16xf32>
        %get3A_405 = arith.index_cast %add3A_298 : i32 to index
        %get3A_406 = arith.constant 96 : index
        %get3A_407 = tpu.vector_load %arg11[%get3A_405, %get3A_406] {strides = array<i32>} : memref<80x128xf32, #tpu.memory_space<vmem>>, vector<1x16xf32>,
        %get3A_408 = vector.shape_cast %get3A_407 : vector<1x16xf32> to vector<16xf32>
        %add3A_409 = arith.addf %get3A_404, %get3A_408 : vector<16xf32>
        %max3A_410 = arith.constant 0.000000e+00 : f32
        %max3A_411 = vector.broadcast %max3A_410 : f32 to vector<16xf32>
        %max3A_412 = arith.maximumf %add3A_409, %max3A_411 : vector<16xf32>
        %swap3A_413 = arith.index_cast %add3A_298 : i32 to index
        %swap3A_414 = arith.constant 96 : index
        %swap3A_415 = tpu.vector_load %arg13[%swap3A_413, %swap3A_414] {strides = array<i32>} : memref<80x128xf32, #tpu.memory_space<vmem>>, vector<1x16xf32>,
        %swap3A_416 = vector.shape_cast %swap3A_415 : vector<1x16xf32> to vector<16xf32>
        %swap3A_417 = vector.shape_cast %max3A_412 : vector<16xf32> to vector<1x16xf32>
        tpu.vector_store %arg13[%swap3A_413, %swap3A_414], %swap3A_417 {strides = array<i32>} : memref<80x128xf32, #tpu.memory_space<vmem>>, vector<1x16xf32>,
        %get3A_418 = arith.index_cast %add3A_298 : i32 to index
        %get3A_419 = arith.constant 112 : index
        %get3A_420 = tpu.vector_load %arg13[%get3A_418, %get3A_419] {strides = array<i32>} : memref<80x128xf32, #tpu.memory_space<vmem>>, vector<1x16xf32>,
        %get3A_421 = vector.shape_cast %get3A_420 : vector<1x16xf32> to vector<16xf32>
        %get3A_422 = arith.index_cast %add3A_298 : i32 to index
        %get3A_423 = arith.constant 112 : index
        %get3A_424 = tpu.vector_load %arg11[%get3A_422, %get3A_423] {strides = array<i32>} : memref<80x128xf32, #tpu.memory_space<vmem>>, vector<1x16xf32>,
        %get3A_425 = vector.shape_cast %get3A_424 : vector<1x16xf32> to vector<16xf32>
        %add3A_426 = arith.addf %get3A_421, %get3A_425 : vector<16xf32>
        %max3A_427 = arith.constant 0.000000e+00 : f32
        %max3A_428 = vector.broadcast %max3A_427 : f32 to vector<16xf32>
        %max3A_429 = arith.maximumf %add3A_426, %max3A_428 : vector<16xf32>
        %swap3A_430 = arith.index_cast %add3A_298 : i32 to index
        %swap3A_431 = arith.constant 112 : index
        %swap3A_432 = tpu.vector_load %arg13[%swap3A_430, %swap3A_431] {strides = array<i32>} : memref<80x128xf32, #tpu.memory_space<vmem>>, vector<1x16xf32>,
        %swap3A_433 = vector.shape_cast %swap3A_432 : vector<1x16xf32> to vector<16xf32>
        %swap3A_434 = vector.shape_cast %max3A_429 : vector<16xf32> to vector<1x16xf32>
        tpu.vector_store %arg13[%swap3A_430, %swap3A_431], %swap3A_434 {strides = array<i32>} : memref<80x128xf32, #tpu.memory_space<vmem>>, vector<1x16xf32>,
        %mul3A_435 = arith.constant 4 : i32
        %mul3A_436 = arith.muli %mul3A_435, %scan3A_157 : i32
        %add3A_437 = arith.constant 2 : i32
        %add3A_438 = arith.addi %mul3A_436, %add3A_437 : i32
        %get3A_439 = arith.index_cast %add3A_438 : i32 to index
        %get3A_440 = arith.constant 0 : index
        %get3A_441 = tpu.vector_load %arg13[%get3A_439, %get3A_440] {strides = array<i32>} : memref<80x128xf32, #tpu.memory_space<vmem>>, vector<1x16xf32>,
        %get3A_442 = vector.shape_cast %get3A_441 : vector<1x16xf32> to vector<16xf32>
        %get3A_443 = arith.index_cast %add3A_438 : i32 to index
        %get3A_444 = arith.constant 0 : index
        %get3A_445 = tpu.vector_load %arg11[%get3A_443, %get3A_444] {strides = array<i32>} : memref<80x128xf32, #tpu.memory_space<vmem>>, vector<1x16xf32>,
        %get3A_446 = vector.shape_cast %get3A_445 : vector<1x16xf32> to vector<16xf32>
        %add3A_447 = arith.addf %get3A_442, %get3A_446 : vector<16xf32>
        %max3A_448 = arith.constant 0.000000e+00 : f32
        %max3A_449 = vector.broadcast %max3A_448 : f32 to vector<16xf32>
        %max3A_450 = arith.maximumf %add3A_447, %max3A_449 : vector<16xf32>
        %swap3A_451 = arith.index_cast %add3A_438 : i32 to index
        %swap3A_452 = arith.constant 0 : index
        %swap3A_453 = tpu.vector_load %arg13[%swap3A_451, %swap3A_452] {strides = array<i32>} : memref<80x128xf32, #tpu.memory_space<vmem>>, vector<1x16xf32>,
        %swap3A_454 = vector.shape_cast %swap3A_453 : vector<1x16xf32> to vector<16xf32>
        %swap3A_455 = vector.shape_cast %max3A_450 : vector<16xf32> to vector<1x16xf32>
        tpu.vector_store %arg13[%swap3A_451, %swap3A_452], %swap3A_455 {strides = array<i32>} : memref<80x128xf32, #tpu.memory_space<vmem>>, vector<1x16xf32>,
        %get3A_456 = arith.index_cast %add3A_438 : i32 to index
        %get3A_457 = arith.constant 16 : index
        %get3A_458 = tpu.vector_load %arg13[%get3A_456, %get3A_457] {strides = array<i32>} : memref<80x128xf32, #tpu.memory_space<vmem>>, vector<1x16xf32>,
        %get3A_459 = vector.shape_cast %get3A_458 : vector<1x16xf32> to vector<16xf32>
        %get3A_460 = arith.index_cast %add3A_438 : i32 to index
        %get3A_461 = arith.constant 16 : index
        %get3A_462 = tpu.vector_load %arg11[%get3A_460, %get3A_461] {strides = array<i32>} : memref<80x128xf32, #tpu.memory_space<vmem>>, vector<1x16xf32>,
        %get3A_463 = vector.shape_cast %get3A_462 : vector<1x16xf32> to vector<16xf32>
        %add3A_464 = arith.addf %get3A_459, %get3A_463 : vector<16xf32>
        %max3A_465 = arith.constant 0.000000e+00 : f32
        %max3A_466 = vector.broadcast %max3A_465 : f32 to vector<16xf32>
        %max3A_467 = arith.maximumf %add3A_464, %max3A_466 : vector<16xf32>
        %swap3A_468 = arith.index_cast %add3A_438 : i32 to index
        %swap3A_469 = arith.constant 16 : index
        %swap3A_470 = tpu.vector_load %arg13[%swap3A_468, %swap3A_469] {strides = array<i32>} : memref<80x128xf32, #tpu.memory_space<vmem>>, vector<1x16xf32>,
        %swap3A_471 = vector.shape_cast %swap3A_470 : vector<1x16xf32> to vector<16xf32>
        %swap3A_472 = vector.shape_cast %max3A_467 : vector<16xf32> to vector<1x16xf32>
        tpu.vector_store %arg13[%swap3A_468, %swap3A_469], %swap3A_472 {strides = array<i32>} : memref<80x128xf32, #tpu.memory_space<vmem>>, vector<1x16xf32>,
        %get3A_473 = arith.index_cast %add3A_438 : i32 to index
        %get3A_474 = arith.constant 32 : index
        %get3A_475 = tpu.vector_load %arg13[%get3A_473, %get3A_474] {strides = array<i32>} : memref<80x128xf32, #tpu.memory_space<vmem>>, vector<1x16xf32>,
        %get3A_476 = vector.shape_cast %get3A_475 : vector<1x16xf32> to vector<16xf32>
        %get3A_477 = arith.index_cast %add3A_438 : i32 to index
        %get3A_478 = arith.constant 32 : index
        %get3A_479 = tpu.vector_load %arg11[%get3A_477, %get3A_478] {strides = array<i32>} : memref<80x128xf32, #tpu.memory_space<vmem>>, vector<1x16xf32>,
        %get3A_480 = vector.shape_cast %get3A_479 : vector<1x16xf32> to vector<16xf32>
        %add3A_481 = arith.addf %get3A_476, %get3A_480 : vector<16xf32>
        %max3A_482 = arith.constant 0.000000e+00 : f32
        %max3A_483 = vector.broadcast %max3A_482 : f32 to vector<16xf32>
        %max3A_484 = arith.maximumf %add3A_481, %max3A_483 : vector<16xf32>
        %swap3A_485 = arith.index_cast %add3A_438 : i32 to index
        %swap3A_486 = arith.constant 32 : index
        %swap3A_487 = tpu.vector_load %arg13[%swap3A_485, %swap3A_486] {strides = array<i32>} : memref<80x128xf32, #tpu.memory_space<vmem>>, vector<1x16xf32>,
        %swap3A_488 = vector.shape_cast %swap3A_487 : vector<1x16xf32> to vector<16xf32>
        %swap3A_489 = vector.shape_cast %max3A_484 : vector<16xf32> to vector<1x16xf32>
        tpu.vector_store %arg13[%swap3A_485, %swap3A_486], %swap3A_489 {strides = array<i32>} : memref<80x128xf32, #tpu.memory_space<vmem>>, vector<1x16xf32>,
        %get3A_490 = arith.index_cast %add3A_438 : i32 to index
        %get3A_491 = arith.constant 48 : index
        %get3A_492 = tpu.vector_load %arg13[%get3A_490, %get3A_491] {strides = array<i32>} : memref<80x128xf32, #tpu.memory_space<vmem>>, vector<1x16xf32>,
        %get3A_493 = vector.shape_cast %get3A_492 : vector<1x16xf32> to vector<16xf32>
        %get3A_494 = arith.index_cast %add3A_438 : i32 to index
        %get3A_495 = arith.constant 48 : index
        %get3A_496 = tpu.vector_load %arg11[%get3A_494, %get3A_495] {strides = array<i32>} : memref<80x128xf32, #tpu.memory_space<vmem>>, vector<1x16xf32>,
        %get3A_497 = vector.shape_cast %get3A_496 : vector<1x16xf32> to vector<16xf32>
        %add3A_498 = arith.addf %get3A_493, %get3A_497 : vector<16xf32>
        %max3A_499 = arith.constant 0.000000e+00 : f32
        %max3A_500 = vector.broadcast %max3A_499 : f32 to vector<16xf32>
        %max3A_501 = arith.maximumf %add3A_498, %max3A_500 : vector<16xf32>
        %swap3A_502 = arith.index_cast %add3A_438 : i32 to index
        %swap3A_503 = arith.constant 48 : index
        %swap3A_504 = tpu.vector_load %arg13[%swap3A_502, %swap3A_503] {strides = array<i32>} : memref<80x128xf32, #tpu.memory_space<vmem>>, vector<1x16xf32>,
        %swap3A_505 = vector.shape_cast %swap3A_504 : vector<1x16xf32> to vector<16xf32>
        %swap3A_506 = vector.shape_cast %max3A_501 : vector<16xf32> to vector<1x16xf32>
        tpu.vector_store %arg13[%swap3A_502, %swap3A_503], %swap3A_506 {strides = array<i32>} : memref<80x128xf32, #tpu.memory_space<vmem>>, vector<1x16xf32>,
        %get3A_507 = arith.index_cast %add3A_438 : i32 to index
        %get3A_508 = arith.constant 64 : index
        %get3A_509 = tpu.vector_load %arg13[%get3A_507, %get3A_508] {strides = array<i32>} : memref<80x128xf32, #tpu.memory_space<vmem>>, vector<1x16xf32>,
        %get3A_510 = vector.shape_cast %get3A_509 : vector<1x16xf32> to vector<16xf32>
        %get3A_511 = arith.index_cast %add3A_438 : i32 to index
        %get3A_512 = arith.constant 64 : index
        %get3A_513 = tpu.vector_load %arg11[%get3A_511, %get3A_512] {strides = array<i32>} : memref<80x128xf32, #tpu.memory_space<vmem>>, vector<1x16xf32>,
        %get3A_514 = vector.shape_cast %get3A_513 : vector<1x16xf32> to vector<16xf32>
        %add3A_515 = arith.addf %get3A_510, %get3A_514 : vector<16xf32>
        %max3A_516 = arith.constant 0.000000e+00 : f32
        %max3A_517 = vector.broadcast %max3A_516 : f32 to vector<16xf32>
        %max3A_518 = arith.maximumf %add3A_515, %max3A_517 : vector<16xf32>
        %swap3A_519 = arith.index_cast %add3A_438 : i32 to index
        %swap3A_520 = arith.constant 64 : index
        %swap3A_521 = tpu.vector_load %arg13[%swap3A_519, %swap3A_520] {strides = array<i32>} : memref<80x128xf32, #tpu.memory_space<vmem>>, vector<1x16xf32>,
        %swap3A_522 = vector.shape_cast %swap3A_521 : vector<1x16xf32> to vector<16xf32>
        %swap3A_523 = vector.shape_cast %max3A_518 : vector<16xf32> to vector<1x16xf32>
        tpu.vector_store %arg13[%swap3A_519, %swap3A_520], %swap3A_523 {strides = array<i32>} : memref<80x128xf32, #tpu.memory_space<vmem>>, vector<1x16xf32>,
        %get3A_524 = arith.index_cast %add3A_438 : i32 to index
        %get3A_525 = arith.constant 80 : index
        %get3A_526 = tpu.vector_load %arg13[%get3A_524, %get3A_525] {strides = array<i32>} : memref<80x128xf32, #tpu.memory_space<vmem>>, vector<1x16xf32>,
        %get3A_527 = vector.shape_cast %get3A_526 : vector<1x16xf32> to vector<16xf32>
        %get3A_528 = arith.index_cast %add3A_438 : i32 to index
        %get3A_529 = arith.constant 80 : index
        %get3A_530 = tpu.vector_load %arg11[%get3A_528, %get3A_529] {strides = array<i32>} : memref<80x128xf32, #tpu.memory_space<vmem>>, vector<1x16xf32>,
        %get3A_531 = vector.shape_cast %get3A_530 : vector<1x16xf32> to vector<16xf32>
        %add3A_532 = arith.addf %get3A_527, %get3A_531 : vector<16xf32>
        %max3A_533 = arith.constant 0.000000e+00 : f32
        %max3A_534 = vector.broadcast %max3A_533 : f32 to vector<16xf32>
        %max3A_535 = arith.maximumf %add3A_532, %max3A_534 : vector<16xf32>
        %swap3A_536 = arith.index_cast %add3A_438 : i32 to index
        %swap3A_537 = arith.constant 80 : index
        %swap3A_538 = tpu.vector_load %arg13[%swap3A_536, %swap3A_537] {strides = array<i32>} : memref<80x128xf32, #tpu.memory_space<vmem>>, vector<1x16xf32>,
        %swap3A_539 = vector.shape_cast %swap3A_538 : vector<1x16xf32> to vector<16xf32>
        %swap3A_540 = vector.shape_cast %max3A_535 : vector<16xf32> to vector<1x16xf32>
        tpu.vector_store %arg13[%swap3A_536, %swap3A_537], %swap3A_540 {strides = array<i32>} : memref<80x128xf32, #tpu.memory_space<vmem>>, vector<1x16xf32>,
        %get3A_541 = arith.index_cast %add3A_438 : i32 to index
        %get3A_542 = arith.constant 96 : index
        %get3A_543 = tpu.vector_load %arg13[%get3A_541, %get3A_542] {strides = array<i32>} : memref<80x128xf32, #tpu.memory_space<vmem>>, vector<1x16xf32>,
        %get3A_544 = vector.shape_cast %get3A_543 : vector<1x16xf32> to vector<16xf32>
        %get3A_545 = arith.index_cast %add3A_438 : i32 to index
        %get3A_546 = arith.constant 96 : index
        %get3A_547 = tpu.vector_load %arg11[%get3A_545, %get3A_546] {strides = array<i32>} : memref<80x128xf32, #tpu.memory_space<vmem>>, vector<1x16xf32>,
        %get3A_548 = vector.shape_cast %get3A_547 : vector<1x16xf32> to vector<16xf32>
        %add3A_549 = arith.addf %get3A_544, %get3A_548 : vector<16xf32>
        %max3A_550 = arith.constant 0.000000e+00 : f32
        %max3A_551 = vector.broadcast %max3A_550 : f32 to vector<16xf32>
        %max3A_552 = arith.maximumf %add3A_549, %max3A_551 : vector<16xf32>
        %swap3A_553 = arith.index_cast %add3A_438 : i32 to index
        %swap3A_554 = arith.constant 96 : index
        %swap3A_555 = tpu.vector_load %arg13[%swap3A_553, %swap3A_554] {strides = array<i32>} : memref<80x128xf32, #tpu.memory_space<vmem>>, vector<1x16xf32>,
        %swap3A_556 = vector.shape_cast %swap3A_555 : vector<1x16xf32> to vector<16xf32>
        %swap3A_557 = vector.shape_cast %max3A_552 : vector<16xf32> to vector<1x16xf32>
        tpu.vector_store %arg13[%swap3A_553, %swap3A_554], %swap3A_557 {strides = array<i32>} : memref<80x128xf32, #tpu.memory_space<vmem>>, vector<1x16xf32>,
        %get3A_558 = arith.index_cast %add3A_438 : i32 to index
        %get3A_559 = arith.constant 112 : index
        %get3A_560 = tpu.vector_load %arg13[%get3A_558, %get3A_559] {strides = array<i32>} : memref<80x128xf32, #tpu.memory_space<vmem>>, vector<1x16xf32>,
        %get3A_561 = vector.shape_cast %get3A_560 : vector<1x16xf32> to vector<16xf32>
        %get3A_562 = arith.index_cast %add3A_438 : i32 to index
        %get3A_563 = arith.constant 112 : index
        %get3A_564 = tpu.vector_load %arg11[%get3A_562, %get3A_563] {strides = array<i32>} : memref<80x128xf32, #tpu.memory_space<vmem>>, vector<1x16xf32>,
        %get3A_565 = vector.shape_cast %get3A_564 : vector<1x16xf32> to vector<16xf32>
        %add3A_566 = arith.addf %get3A_561, %get3A_565 : vector<16xf32>
        %max3A_567 = arith.constant 0.000000e+00 : f32
        %max3A_568 = vector.broadcast %max3A_567 : f32 to vector<16xf32>
        %max3A_569 = arith.maximumf %add3A_566, %max3A_568 : vector<16xf32>
        %swap3A_570 = arith.index_cast %add3A_438 : i32 to index
        %swap3A_571 = arith.constant 112 : index
        %swap3A_572 = tpu.vector_load %arg13[%swap3A_570, %swap3A_571] {strides = array<i32>} : memref<80x128xf32, #tpu.memory_space<vmem>>, vector<1x16xf32>,
        %swap3A_573 = vector.shape_cast %swap3A_572 : vector<1x16xf32> to vector<16xf32>
        %swap3A_574 = vector.shape_cast %max3A_569 : vector<16xf32> to vector<1x16xf32>
        tpu.vector_store %arg13[%swap3A_570, %swap3A_571], %swap3A_574 {strides = array<i32>} : memref<80x128xf32, #tpu.memory_space<vmem>>, vector<1x16xf32>,
        %mul3A_575 = arith.constant 4 : i32
        %mul3A_576 = arith.muli %mul3A_575, %scan3A_157 : i32
        %add3A_577 = arith.constant 3 : i32
        %add3A_578 = arith.addi %mul3A_576, %add3A_577 : i32
        %get3A_579 = arith.index_cast %add3A_578 : i32 to index
        %get3A_580 = arith.constant 0 : index
        %get3A_581 = tpu.vector_load %arg13[%get3A_579, %get3A_580] {strides = array<i32>} : memref<80x128xf32, #tpu.memory_space<vmem>>, vector<1x16xf32>,
        %get3A_582 = vector.shape_cast %get3A_581 : vector<1x16xf32> to vector<16xf32>
        %get3A_583 = arith.index_cast %add3A_578 : i32 to index
        %get3A_584 = arith.constant 0 : index
        %get3A_585 = tpu.vector_load %arg11[%get3A_583, %get3A_584] {strides = array<i32>} : memref<80x128xf32, #tpu.memory_space<vmem>>, vector<1x16xf32>,
        %get3A_586 = vector.shape_cast %get3A_585 : vector<1x16xf32> to vector<16xf32>
        %add3A_587 = arith.addf %get3A_582, %get3A_586 : vector<16xf32>
        %max3A_588 = arith.constant 0.000000e+00 : f32
        %max3A_589 = vector.broadcast %max3A_588 : f32 to vector<16xf32>
        %max3A_590 = arith.maximumf %add3A_587, %max3A_589 : vector<16xf32>
        %swap3A_591 = arith.index_cast %add3A_578 : i32 to index
        %swap3A_592 = arith.constant 0 : index
        %swap3A_593 = tpu.vector_load %arg13[%swap3A_591, %swap3A_592] {strides = array<i32>} : memref<80x128xf32, #tpu.memory_space<vmem>>, vector<1x16xf32>,
        %swap3A_594 = vector.shape_cast %swap3A_593 : vector<1x16xf32> to vector<16xf32>
        %swap3A_595 = vector.shape_cast %max3A_590 : vector<16xf32> to vector<1x16xf32>
        tpu.vector_store %arg13[%swap3A_591, %swap3A_592], %swap3A_595 {strides = array<i32>} : memref<80x128xf32, #tpu.memory_space<vmem>>, vector<1x16xf32>,
        %get3A_596 = arith.index_cast %add3A_578 : i32 to index
        %get3A_597 = arith.constant 16 : index
        %get3A_598 = tpu.vector_load %arg13[%get3A_596, %get3A_597] {strides = array<i32>} : memref<80x128xf32, #tpu.memory_space<vmem>>, vector<1x16xf32>,
        %get3A_599 = vector.shape_cast %get3A_598 : vector<1x16xf32> to vector<16xf32>
        %get3A_600 = arith.index_cast %add3A_578 : i32 to index
        %get3A_601 = arith.constant 16 : index
        %get3A_602 = tpu.vector_load %arg11[%get3A_600, %get3A_601] {strides = array<i32>} : memref<80x128xf32, #tpu.memory_space<vmem>>, vector<1x16xf32>,
        %get3A_603 = vector.shape_cast %get3A_602 : vector<1x16xf32> to vector<16xf32>
        %add3A_604 = arith.addf %get3A_599, %get3A_603 : vector<16xf32>
        %max3A_605 = arith.constant 0.000000e+00 : f32
        %max3A_606 = vector.broadcast %max3A_605 : f32 to vector<16xf32>
        %max3A_607 = arith.maximumf %add3A_604, %max3A_606 : vector<16xf32>
        %swap3A_608 = arith.index_cast %add3A_578 : i32 to index
        %swap3A_609 = arith.constant 16 : index
        %swap3A_610 = tpu.vector_load %arg13[%swap3A_608, %swap3A_609] {strides = array<i32>} : memref<80x128xf32, #tpu.memory_space<vmem>>, vector<1x16xf32>,
        %swap3A_611 = vector.shape_cast %swap3A_610 : vector<1x16xf32> to vector<16xf32>
        %swap3A_612 = vector.shape_cast %max3A_607 : vector<16xf32> to vector<1x16xf32>
        tpu.vector_store %arg13[%swap3A_608, %swap3A_609], %swap3A_612 {strides = array<i32>} : memref<80x128xf32, #tpu.memory_space<vmem>>, vector<1x16xf32>,
        %get3A_613 = arith.index_cast %add3A_578 : i32 to index
        %get3A_614 = arith.constant 32 : index
        %get3A_615 = tpu.vector_load %arg13[%get3A_613, %get3A_614] {strides = array<i32>} : memref<80x128xf32, #tpu.memory_space<vmem>>, vector<1x16xf32>,
        %get3A_616 = vector.shape_cast %get3A_615 : vector<1x16xf32> to vector<16xf32>
        %get3A_617 = arith.index_cast %add3A_578 : i32 to index
        %get3A_618 = arith.constant 32 : index
        %get3A_619 = tpu.vector_load %arg11[%get3A_617, %get3A_618] {strides = array<i32>} : memref<80x128xf32, #tpu.memory_space<vmem>>, vector<1x16xf32>,
        %get3A_620 = vector.shape_cast %get3A_619 : vector<1x16xf32> to vector<16xf32>
        %add3A_621 = arith.addf %get3A_616, %get3A_620 : vector<16xf32>
        %max3A_622 = arith.constant 0.000000e+00 : f32
        %max3A_623 = vector.broadcast %max3A_622 : f32 to vector<16xf32>
        %max3A_624 = arith.maximumf %add3A_621, %max3A_623 : vector<16xf32>
        %swap3A_625 = arith.index_cast %add3A_578 : i32 to index
        %swap3A_626 = arith.constant 32 : index
        %swap3A_627 = tpu.vector_load %arg13[%swap3A_625, %swap3A_626] {strides = array<i32>} : memref<80x128xf32, #tpu.memory_space<vmem>>, vector<1x16xf32>,
        %swap3A_628 = vector.shape_cast %swap3A_627 : vector<1x16xf32> to vector<16xf32>
        %swap3A_629 = vector.shape_cast %max3A_624 : vector<16xf32> to vector<1x16xf32>
        tpu.vector_store %arg13[%swap3A_625, %swap3A_626], %swap3A_629 {strides = array<i32>} : memref<80x128xf32, #tpu.memory_space<vmem>>, vector<1x16xf32>,
        %get3A_630 = arith.index_cast %add3A_578 : i32 to index
        %get3A_631 = arith.constant 48 : index
        %get3A_632 = tpu.vector_load %arg13[%get3A_630, %get3A_631] {strides = array<i32>} : memref<80x128xf32, #tpu.memory_space<vmem>>, vector<1x16xf32>,
        %get3A_633 = vector.shape_cast %get3A_632 : vector<1x16xf32> to vector<16xf32>
        %get3A_634 = arith.index_cast %add3A_578 : i32 to index
        %get3A_635 = arith.constant 48 : index
        %get3A_636 = tpu.vector_load %arg11[%get3A_634, %get3A_635] {strides = array<i32>} : memref<80x128xf32, #tpu.memory_space<vmem>>, vector<1x16xf32>,
        %get3A_637 = vector.shape_cast %get3A_636 : vector<1x16xf32> to vector<16xf32>
        %add3A_638 = arith.addf %get3A_633, %get3A_637 : vector<16xf32>
        %max3A_639 = arith.constant 0.000000e+00 : f32
        %max3A_640 = vector.broadcast %max3A_639 : f32 to vector<16xf32>
        %max3A_641 = arith.maximumf %add3A_638, %max3A_640 : vector<16xf32>
        %swap3A_642 = arith.index_cast %add3A_578 : i32 to index
        %swap3A_643 = arith.constant 48 : index
        %swap3A_644 = tpu.vector_load %arg13[%swap3A_642, %swap3A_643] {strides = array<i32>} : memref<80x128xf32, #tpu.memory_space<vmem>>, vector<1x16xf32>,
        %swap3A_645 = vector.shape_cast %swap3A_644 : vector<1x16xf32> to vector<16xf32>
        %swap3A_646 = vector.shape_cast %max3A_641 : vector<16xf32> to vector<1x16xf32>
        tpu.vector_store %arg13[%swap3A_642, %swap3A_643], %swap3A_646 {strides = array<i32>} : memref<80x128xf32, #tpu.memory_space<vmem>>, vector<1x16xf32>,
        %get3A_647 = arith.index_cast %add3A_578 : i32 to index
        %get3A_648 = arith.constant 64 : index
        %get3A_649 = tpu.vector_load %arg13[%get3A_647, %get3A_648] {strides = array<i32>} : memref<80x128xf32, #tpu.memory_space<vmem>>, vector<1x16xf32>,
        %get3A_650 = vector.shape_cast %get3A_649 : vector<1x16xf32> to vector<16xf32>
        %get3A_651 = arith.index_cast %add3A_578 : i32 to index
        %get3A_652 = arith.constant 64 : index
        %get3A_653 = tpu.vector_load %arg11[%get3A_651, %get3A_652] {strides = array<i32>} : memref<80x128xf32, #tpu.memory_space<vmem>>, vector<1x16xf32>,
        %get3A_654 = vector.shape_cast %get3A_653 : vector<1x16xf32> to vector<16xf32>
        %add3A_655 = arith.addf %get3A_650, %get3A_654 : vector<16xf32>
        %max3A_656 = arith.constant 0.000000e+00 : f32
        %max3A_657 = vector.broadcast %max3A_656 : f32 to vector<16xf32>
        %max3A_658 = arith.maximumf %add3A_655, %max3A_657 : vector<16xf32>
        %swap3A_659 = arith.index_cast %add3A_578 : i32 to index
        %swap3A_660 = arith.constant 64 : index
        %swap3A_661 = tpu.vector_load %arg13[%swap3A_659, %swap3A_660] {strides = array<i32>} : memref<80x128xf32, #tpu.memory_space<vmem>>, vector<1x16xf32>,
        %swap3A_662 = vector.shape_cast %swap3A_661 : vector<1x16xf32> to vector<16xf32>
        %swap3A_663 = vector.shape_cast %max3A_658 : vector<16xf32> to vector<1x16xf32>
        tpu.vector_store %arg13[%swap3A_659, %swap3A_660], %swap3A_663 {strides = array<i32>} : memref<80x128xf32, #tpu.memory_space<vmem>>, vector<1x16xf32>,
        %get3A_664 = arith.index_cast %add3A_578 : i32 to index
        %get3A_665 = arith.constant 80 : index
        %get3A_666 = tpu.vector_load %arg13[%get3A_664, %get3A_665] {strides = array<i32>} : memref<80x128xf32, #tpu.memory_space<vmem>>, vector<1x16xf32>,
        %get3A_667 = vector.shape_cast %get3A_666 : vector<1x16xf32> to vector<16xf32>
        %get3A_668 = arith.index_cast %add3A_578 : i32 to index
        %get3A_669 = arith.constant 80 : index
        %get3A_670 = tpu.vector_load %arg11[%get3A_668, %get3A_669] {strides = array<i32>} : memref<80x128xf32, #tpu.memory_space<vmem>>, vector<1x16xf32>,
        %get3A_671 = vector.shape_cast %get3A_670 : vector<1x16xf32> to vector<16xf32>
        %add3A_672 = arith.addf %get3A_667, %get3A_671 : vector<16xf32>
        %max3A_673 = arith.constant 0.000000e+00 : f32
        %max3A_674 = vector.broadcast %max3A_673 : f32 to vector<16xf32>
        %max3A_675 = arith.maximumf %add3A_672, %max3A_674 : vector<16xf32>
        %swap3A_676 = arith.index_cast %add3A_578 : i32 to index
        %swap3A_677 = arith.constant 80 : index
        %swap3A_678 = tpu.vector_load %arg13[%swap3A_676, %swap3A_677] {strides = array<i32>} : memref<80x128xf32, #tpu.memory_space<vmem>>, vector<1x16xf32>,
        %swap3A_679 = vector.shape_cast %swap3A_678 : vector<1x16xf32> to vector<16xf32>
        %swap3A_680 = vector.shape_cast %max3A_675 : vector<16xf32> to vector<1x16xf32>
        tpu.vector_store %arg13[%swap3A_676, %swap3A_677], %swap3A_680 {strides = array<i32>} : memref<80x128xf32, #tpu.memory_space<vmem>>, vector<1x16xf32>,
        %get3A_681 = arith.index_cast %add3A_578 : i32 to index
        %get3A_682 = arith.constant 96 : index
        %get3A_683 = tpu.vector_load %arg13[%get3A_681, %get3A_682] {strides = array<i32>} : memref<80x128xf32, #tpu.memory_space<vmem>>, vector<1x16xf32>,
        %get3A_684 = vector.shape_cast %get3A_683 : vector<1x16xf32> to vector<16xf32>
        %get3A_685 = arith.index_cast %add3A_578 : i32 to index
        %get3A_686 = arith.constant 96 : index
        %get3A_687 = tpu.vector_load %arg11[%get3A_685, %get3A_686] {strides = array<i32>} : memref<80x128xf32, #tpu.memory_space<vmem>>, vector<1x16xf32>,
        %get3A_688 = vector.shape_cast %get3A_687 : vector<1x16xf32> to vector<16xf32>
        %add3A_689 = arith.addf %get3A_684, %get3A_688 : vector<16xf32>
        %max3A_690 = arith.constant 0.000000e+00 : f32
        %max3A_691 = vector.broadcast %max3A_690 : f32 to vector<16xf32>
        %max3A_692 = arith.maximumf %add3A_689, %max3A_691 : vector<16xf32>
        %swap3A_693 = arith.index_cast %add3A_578 : i32 to index
        %swap3A_694 = arith.constant 96 : index
        %swap3A_695 = tpu.vector_load %arg13[%swap3A_693, %swap3A_694] {strides = array<i32>} : memref<80x128xf32, #tpu.memory_space<vmem>>, vector<1x16xf32>,
        %swap3A_696 = vector.shape_cast %swap3A_695 : vector<1x16xf32> to vector<16xf32>
        %swap3A_697 = vector.shape_cast %max3A_692 : vector<16xf32> to vector<1x16xf32>
        tpu.vector_store %arg13[%swap3A_693, %swap3A_694], %swap3A_697 {strides = array<i32>} : memref<80x128xf32, #tpu.memory_space<vmem>>, vector<1x16xf32>,
        %get3A_698 = arith.index_cast %add3A_578 : i32 to index
        %get3A_699 = arith.constant 112 : index
        %get3A_700 = tpu.vector_load %arg13[%get3A_698, %get3A_699] {strides = array<i32>} : memref<80x128xf32, #tpu.memory_space<vmem>>, vector<1x16xf32>,
        %get3A_701 = vector.shape_cast %get3A_700 : vector<1x16xf32> to vector<16xf32>
        %get3A_702 = arith.index_cast %add3A_578 : i32 to index
        %get3A_703 = arith.constant 112 : index
        %get3A_704 = tpu.vector_load %arg11[%get3A_702, %get3A_703] {strides = array<i32>} : memref<80x128xf32, #tpu.memory_space<vmem>>, vector<1x16xf32>,
        %get3A_705 = vector.shape_cast %get3A_704 : vector<1x16xf32> to vector<16xf32>
        %add3A_706 = arith.addf %get3A_701, %get3A_705 : vector<16xf32>
        %max3A_707 = arith.constant 0.000000e+00 : f32
        %max3A_708 = vector.broadcast %max3A_707 : f32 to vector<16xf32>
        %max3A_709 = arith.maximumf %add3A_706, %max3A_708 : vector<16xf32>
        %swap3A_710 = arith.index_cast %add3A_578 : i32 to index
        %swap3A_711 = arith.constant 112 : index
        %swap3A_712 = tpu.vector_load %arg13[%swap3A_710, %swap3A_711] {strides = array<i32>} : memref<80x128xf32, #tpu.memory_space<vmem>>, vector<1x16xf32>,
        %swap3A_713 = vector.shape_cast %swap3A_712 : vector<1x16xf32> to vector<16xf32>
        %swap3A_714 = vector.shape_cast %max3A_709 : vector<16xf32> to vector<1x16xf32>
        tpu.vector_store %arg13[%swap3A_710, %swap3A_711], %swap3A_714 {strides = array<i32>} : memref<80x128xf32, #tpu.memory_space<vmem>>, vector<1x16xf32>,
      }
      %scan3A_148 = arith.constant 20 : i32
      %lt3A_149 = arith.constant 124 : i32
      %lt3A_150 = arith.cmpi slt, %add3A_132, %lt3A_149 : i32
      %convert_element_type3A_151 = arith.extui %lt3A_150 : i1 to i32
      %cond3A_152 = arith.constant 0 : i32
      %cond3A_153 = arith.cmpi ne, %convert_element_type3A_151, %cond3A_152 : i32
      scf.if %cond3A_153 {
        %add3A_157 = arith.constant 1 : i32
        %add3A_158 = arith.addi %add3A_132, %add3A_157 : i32
        %mul3A_159 = arith.constant 10000 : i32
        %mul3A_160 = arith.muli %add3A, %mul3A_159 : i32
        %mul3A_161 = arith.constant 80 : i32
        %mul3A_162 = arith.muli %add3A_158, %mul3A_161 : i32
        %add3A_163 = arith.addi %mul3A_160, %mul3A_162 : i32
        %dma_wait3A_164 = tpu.memref_slice %arg3[%add3A_163] : memref<320000xi32, #tpu.memory_space<hbm>> -> memref<80xi32, #tpu.memory_space<hbm>>
        %dma_wait3A_165 = tpu.memref_slice %arg3[%add3A_163] : memref<320000xi32, #tpu.memory_space<hbm>> -> memref<80xi32, #tpu.memory_space<hbm>>
        tpu.wait_dma2 semaphore(%arg17 : memref<!tpu.dma_semaphore, #tpu.memory_space<semaphore_mem>>) src(%dma_wait3A_165 : memref<80xi32, #tpu.memory_space<hbm>>) dst(%arg8 : memref<80xi32, #tpu.memory_space<vmem>>)
        %dma_wait3A_166 = tpu.memref_slice %arg4[%add3A_163] : memref<320000xi32, #tpu.memory_space<hbm>> -> memref<80xi32, #tpu.memory_space<hbm>>
        %dma_wait3A_167 = tpu.memref_slice %arg4[%add3A_163] : memref<320000xi32, #tpu.memory_space<hbm>> -> memref<80xi32, #tpu.memory_space<hbm>>
        tpu.wait_dma2 semaphore(%arg19 : memref<!tpu.dma_semaphore, #tpu.memory_space<semaphore_mem>>) src(%dma_wait3A_167 : memref<80xi32, #tpu.memory_space<hbm>>) dst(%arg10 : memref<80xi32, #tpu.memory_space<vmem>>)
        %dma_wait3A_168 = arith.constant 0 : i32
        %dma_wait3A_169 = tpu.memref_slice %arg5[%add3A_163, %dma_wait3A_168] : memref<320000x128xf32, #tpu.memory_space<hbm>> -> memref<80x128xf32, #tpu.memory_space<hbm>>
        %dma_wait3A_170 = arith.constant 0 : i32
        %dma_wait3A_171 = tpu.memref_slice %arg5[%add3A_163, %dma_wait3A_170] : memref<320000x128xf32, #tpu.memory_space<hbm>> -> memref<80x128xf32, #tpu.memory_space<hbm>>
        tpu.wait_dma2 semaphore(%arg21 : memref<!tpu.dma_semaphore, #tpu.memory_space<semaphore_mem>>) src(%dma_wait3A_171 : memref<80x128xf32, #tpu.memory_space<hbm>>) dst(%arg12 : memref<80x128xf32, #tpu.memory_space<vmem>>)
        %dma_start3A_172 = arith.constant 0 : i32
        %dma_start3A_173 = arith.constant 0 : i32
        %dma_start3A_174 = tpu.memref_slice %arg2[%dma_start3A_172, %dma_start3A_173] : memref<10000x128xf32, #tpu.memory_space<hbm>> -> memref<10000x128xf32, #tpu.memory_space<hbm>>
        tpu.enqueue_indirect_dma source(%dma_start3A_174 : memref<10000x128xf32, #tpu.memory_space<hbm>>) target(%arg14 : memref<80x128xf32, #tpu.memory_space<vmem>>) offsets(%arg8 : memref<80xi32, #tpu.memory_space<vmem>>) semaphore(%arg23 : memref<!tpu.dma_semaphore, #tpu.memory_space<semaphore_mem>>)
      } else {
      }
      %dma_start3A_154 = arith.constant 0 : i32
      %dma_start3A_155 = arith.constant 0 : i32
      %dma_start3A_156 = tpu.memref_slice %arg15[%dma_start3A_154, %dma_start3A_155] : memref<10000x128xf32, #tpu.memory_space<vmem_shared>> -> memref<10000x128xf32, #tpu.memory_space<vmem_shared>>
      tpu.enqueue_indirect_dma source(%arg13 : memref<80x128xf32, #tpu.memory_space<vmem>>) target(%dma_start3A_156 : memref<10000x128xf32, #tpu.memory_space<vmem_shared>>) offsets(%arg9 : memref<80xi32, #tpu.memory_space<vmem>>) semaphore(%arg24 : memref<!tpu.dma_semaphore, #tpu.memory_space<semaphore_mem>>) {add = true}
    }
    %scan3A_90 = arith.constant 62 : i32
    %dma_wait3A_91 = arith.constant 0 : i32
    %dma_wait3A_92 = arith.constant 0 : i32
    %dma_wait3A_93 = tpu.memref_slice %arg15[%dma_wait3A_91, %dma_wait3A_92] : memref<10000x128xf32, #tpu.memory_space<vmem_shared>> -> memref<10000x128xf32, #tpu.memory_space<vmem_shared>>
    tpu.wait_indirect_dma semaphore(%arg24 : memref<!tpu.dma_semaphore, #tpu.memory_space<semaphore_mem>>) src(%arg13 : memref<80x128xf32, #tpu.memory_space<vmem>>) dst(%dma_wait3A_93 : memref<10000x128xf32, #tpu.memory_space<vmem_shared>>)
    %barrier3A_94 = arith.constant 0 : index
    tpu.barrier barrier_id(%barrier3A_94)
    %mul3A_95 = arith.constant 624 : i32
    %mul3A_96 = arith.muli %arg1, %mul3A_95 : i32
    %mul3A_97 = arith.constant 624 : i32
    %mul3A_98 = arith.muli %arg1, %mul3A_97 : i32
    "tpu.region"() ({
      %run_scoped3A = tpu.sem_alloc : memref<!tpu.dma_semaphore, #tpu.memory_space<semaphore_mem>>
      %dma_start3A_101 = arith.constant 0 : i32
      %dma_start3A_102 = tpu.memref_slice %arg6[%arg0, %mul3A_98, %dma_start3A_101] : memref<2x10000x128xf32, #tpu.memory_space<hbm>> -> memref<1x624x128xf32, #tpu.memory_space<hbm>>
      %dma_start3A_103 = tpu.memref_squeeze %dma_start3A_102 : memref<1x624x128xf32, #tpu.memory_space<hbm>> -> memref<624x128xf32, #tpu.memory_space<hbm>>
      %dma_start3A_104 = arith.constant 0 : i32
      %dma_start3A_105 = tpu.memref_slice %arg15[%mul3A_96, %dma_start3A_104] : memref<10000x128xf32, #tpu.memory_space<vmem_shared>> -> memref<624x128xf32, #tpu.memory_space<vmem_shared>>
      tpu.enqueue_dma source(%dma_start3A_105 : memref<624x128xf32, #tpu.memory_space<vmem_shared>>) target(%dma_start3A_103 : memref<624x128xf32, #tpu.memory_space<hbm>>) target_semaphore(%run_scoped3A : memref<!tpu.dma_semaphore, #tpu.memory_space<semaphore_mem>>)
      %dma_wait3A_106 = arith.constant 0 : i32
      %dma_wait3A_107 = tpu.memref_slice %arg6[%arg0, %mul3A_98, %dma_wait3A_106] : memref<2x10000x128xf32, #tpu.memory_space<hbm>> -> memref<1x624x128xf32, #tpu.memory_space<hbm>>
      %dma_wait3A_108 = tpu.memref_squeeze %dma_wait3A_107 : memref<1x624x128xf32, #tpu.memory_space<hbm>> -> memref<624x128xf32, #tpu.memory_space<hbm>>
      %dma_wait3A_109 = arith.constant 0 : i32
      %dma_wait3A_110 = tpu.memref_slice %arg15[%mul3A_96, %dma_wait3A_109] : memref<10000x128xf32, #tpu.memory_space<vmem_shared>> -> memref<624x128xf32, #tpu.memory_space<vmem_shared>>
      tpu.wait_dma2 semaphore(%run_scoped3A : memref<!tpu.dma_semaphore, #tpu.memory_space<semaphore_mem>>) src(%dma_wait3A_110 : memref<624x128xf32, #tpu.memory_space<vmem_shared>>) dst(%dma_wait3A_108 : memref<624x128xf32, #tpu.memory_space<hbm>>)
      tpu.yield
    }) : () -> ()
    %eq3A = arith.constant 15 : i32
    %eq3A_99 = arith.cmpi eq, %arg1, %eq3A : i32
    %convert_element_type3A = arith.extui %eq3A_99 : i1 to i32
    %cond3A = arith.constant 0 : i32
    %cond3A_100 = arith.cmpi ne, %convert_element_type3A, %cond3A : i32
    scf.if %cond3A_100 {
      "tpu.region"() ({
        %run_scoped3A = tpu.sem_alloc : memref<!tpu.dma_semaphore, #tpu.memory_space<semaphore_mem>>
        %dma_start3A_101 = arith.constant 9984 : i32
        %dma_start3A_102 = arith.constant 0 : i32
        %dma_start3A_103 = tpu.memref_slice %arg6[%arg0, %dma_start3A_101, %dma_start3A_102] : memref<2x10000x128xf32, #tpu.memory_space<hbm>> -> memref<1x16x128xf32, #tpu.memory_space<hbm>>
        %dma_start3A_104 = tpu.memref_squeeze %dma_start3A_103 : memref<1x16x128xf32, #tpu.memory_space<hbm>> -> memref<16x128xf32, #tpu.memory_space<hbm>>
        %dma_start3A_105 = arith.constant 9984 : i32
        %dma_start3A_106 = arith.constant 0 : i32
        %dma_start3A_107 = tpu.memref_slice %arg15[%dma_start3A_105, %dma_start3A_106] : memref<10000x128xf32, #tpu.memory_space<vmem_shared>> -> memref<16x128xf32, #tpu.memory_space<vmem_shared>>
        tpu.enqueue_dma source(%dma_start3A_107 : memref<16x128xf32, #tpu.memory_space<vmem_shared>>) target(%dma_start3A_104 : memref<16x128xf32, #tpu.memory_space<hbm>>) target_semaphore(%run_scoped3A : memref<!tpu.dma_semaphore, #tpu.memory_space<semaphore_mem>>)
        %dma_wait3A_108 = arith.constant 9984 : i32
        %dma_wait3A_109 = arith.constant 0 : i32
        %dma_wait3A_110 = tpu.memref_slice %arg6[%arg0, %dma_wait3A_108, %dma_wait3A_109] : memref<2x10000x128xf32, #tpu.memory_space<hbm>> -> memref<1x16x128xf32, #tpu.memory_space<hbm>>
        %dma_wait3A_111 = tpu.memref_squeeze %dma_wait3A_110 : memref<1x16x128xf32, #tpu.memory_space<hbm>> -> memref<16x128xf32, #tpu.memory_space<hbm>>
        %dma_wait3A_112 = arith.constant 9984 : i32
        %dma_wait3A_113 = arith.constant 0 : i32
        %dma_wait3A_114 = tpu.memref_slice %arg15[%dma_wait3A_112, %dma_wait3A_113] : memref<10000x128xf32, #tpu.memory_space<vmem_shared>> -> memref<16x128xf32, #tpu.memory_space<vmem_shared>>
        tpu.wait_dma2 semaphore(%run_scoped3A : memref<!tpu.dma_semaphore, #tpu.memory_space<semaphore_mem>>) src(%dma_wait3A_114 : memref<16x128xf32, #tpu.memory_space<vmem_shared>>) dst(%dma_wait3A_111 : memref<16x128xf32, #tpu.memory_space<hbm>>)
        tpu.yield
      }) : () -> ()
    } else {
    }
    return
  }
}

module attributes {stable_mosaic.version = 14 : i64} {
  func.func @_node_body(%arg0: i32, %arg1: memref<2000x128xf32, #tpu.memory_space<vmem>>, %arg2: memref<128x128xf32, #tpu.memory_space<vmem>>, %arg3: memref<1x128xf32, #tpu.memory_space<vmem>>, %arg4: memref<2000x128xf32, #tpu.memory_space<vmem>>) attributes {dimension_semantics = [#tpu.dimension_semantics<arbitrary>], iteration_bounds = array<i64: 5>, scalar_prefetch = 0 : i64, scratch_operands = 0 : i64, tpu.core_type = #tpu.core_type<tc>, window_params = [{transform_indices = @transform_0, window_bounds = array<i64: 2000, 128>}, {pipeline_mode = #tpu.pipeline_mode<synchronous>, transform_indices = @transform_1, window_bounds = array<i64: 128, 128>}, {pipeline_mode = #tpu.pipeline_mode<synchronous>, transform_indices = @transform_2, window_bounds = array<i64: 1, 128>}, {transform_indices = @transform_3, window_bounds = array<i64: 2000, 128>}]} {
    %get3A = arith.constant 0 : index
    %get3A_0 = arith.constant 0 : index
    %get3A_1 = vector.load %arg1[%get3A, %get3A_0] : memref<2000x128xf32, #tpu.memory_space<vmem>>, vector<2000x128xf32>
    %get3A_2 = arith.constant 0 : index
    %get3A_3 = arith.constant 0 : index
    %get3A_4 = vector.load %arg2[%get3A_2, %get3A_3] : memref<128x128xf32, #tpu.memory_space<vmem>>, vector<128x128xf32>
    %dot_general3A = arith.constant dense<0.000000e+00> : vector<2000x128xf32>
    %dot_general3A_5 = tpu.matmul %get3A_1, %get3A_4, %dot_general3A {dimension_numbers = #tpu.dot_dimension_numbers<[1], [0], [0], [1], [0, 0, 1, 1], [], []>, transpose_lhs_hint = false} : vector<2000x128xf32>, vector<128x128xf32>, vector<2000x128xf32> -> vector<2000x128xf32>
    %get3A_6 = arith.constant 0 : index
    %get3A_7 = arith.constant 0 : index
    %get3A_8 = vector.load %arg3[%get3A_6, %get3A_7] : memref<1x128xf32, #tpu.memory_space<vmem>>, vector<1x128xf32>
    %add3A = vector.broadcast %get3A_8 : vector<1x128xf32> to vector<2000x128xf32>
    %add3A_9 = arith.addf %dot_general3A_5, %add3A : vector<2000x128xf32>
    %swap3A = arith.constant 0 : index
    %swap3A_10 = arith.constant 0 : index
    %swap3A_11 = vector.load %arg4[%swap3A, %swap3A_10] : memref<2000x128xf32, #tpu.memory_space<vmem>>, vector<2000x128xf32>
    tpu.vector_store %arg4[%swap3A, %swap3A_10], %add3A_9 {strides = array<i32>} : memref<2000x128xf32, #tpu.memory_space<vmem>>, vector<2000x128xf32>,
    return
  }
  func.func @transform_0(%arg0: i32) -> (i32, i32) {
    %c0_i32 = arith.constant 0 : i32
    %c0_i32_0 = arith.constant 0 : i32
    return %arg0, %c0_i32 : i32, i32
  }
  func.func @transform_1(%arg0: i32) -> (i32, i32) {
    %c0_i32 = arith.constant 0 : i32
    %c0_i32_0 = arith.constant 0 : i32
    %c0_i32_1 = arith.constant 0 : i32
    return %c0_i32, %c0_i32_0 : i32, i32
  }
  func.func @transform_2(%arg0: i32) -> (i32, i32) {
    %c0_i32 = arith.constant 0 : i32
    %c0_i32_0 = arith.constant 0 : i32
    %c0_i32_1 = arith.constant 0 : i32
    return %c0_i32, %c0_i32_0 : i32, i32
  }
  func.func @transform_3(%arg0: i32) -> (i32, i32) {
    %c0_i32 = arith.constant 0 : i32
    %c0_i32_0 = arith.constant 0 : i32
    return %arg0, %c0_i32 : i32, i32
  }
}

module attributes {stable_mosaic.version = 14 : i64} {
  func.func @_ei_split_body(%arg0: memref<2x320000xi32, #tpu.memory_space<vmem>>, %arg1: memref<320000xi32, #tpu.memory_space<vmem>>, %arg2: memref<320000xi32, #tpu.memory_space<vmem>>) attributes {dimension_semantics = [], scalar_prefetch = 0 : i64, scratch_operands = 0 : i64, tpu.core_type = #tpu.core_type<tc>} {
    %get3A = arith.constant 0 : index
    %get3A_0 = arith.constant 0 : index
    %get3A_1 = vector.load %arg0[%get3A, %get3A_0] : memref<2x320000xi32, #tpu.memory_space<vmem>>, vector<1x320000xi32>
    %get3A_2 = vector.shape_cast %get3A_1 : vector<1x320000xi32> to vector<320000xi32>
    %swap3A = arith.constant 0 : index
    %swap3A_3 = vector.load %arg1[%swap3A] : memref<320000xi32, #tpu.memory_space<vmem>>, vector<320000xi32>
    tpu.vector_store %arg1[%swap3A], %get3A_2 {strides = array<i32>} : memref<320000xi32, #tpu.memory_space<vmem>>, vector<320000xi32>,
    %get3A_4 = arith.constant 1 : index
    %get3A_5 = arith.constant 0 : index
    %get3A_6 = vector.load %arg0[%get3A_4, %get3A_5] : memref<2x320000xi32, #tpu.memory_space<vmem>>, vector<1x320000xi32>
    %get3A_7 = vector.shape_cast %get3A_6 : vector<1x320000xi32> to vector<320000xi32>
    %swap3A_8 = arith.constant 0 : index
    %swap3A_9 = vector.load %arg2[%swap3A_8] : memref<320000xi32, #tpu.memory_space<vmem>>, vector<320000xi32>
    tpu.vector_store %arg2[%swap3A_8], %get3A_7 {strides = array<i32>} : memref<320000xi32, #tpu.memory_space<vmem>>, vector<320000xi32>,
    return
  }
}

module attributes {stable_mosaic.version = 14 : i64} {
  func.func @_final_body(%arg0: i32, %arg1: memref<2000x128xf32, #tpu.memory_space<vmem>>, %arg2: memref<2x2000x128xf32, #tpu.memory_space<vmem>>, %arg3: memref<128x128xf32, #tpu.memory_space<vmem>>, %arg4: memref<128x128xf32, #tpu.memory_space<vmem>>, %arg5: memref<1x128xf32, #tpu.memory_space<vmem>>, %arg6: memref<2000x128xf32, #tpu.memory_space<vmem>>) attributes {dimension_semantics = [#tpu.dimension_semantics<arbitrary>], iteration_bounds = array<i64: 5>, scalar_prefetch = 0 : i64, scratch_operands = 0 : i64, tpu.core_type = #tpu.core_type<tc>, window_params = [{transform_indices = @transform_0, window_bounds = array<i64: 2000, 128>}, {transform_indices = @transform_1, window_bounds = array<i64: 2, 2000, 128>}, {pipeline_mode = #tpu.pipeline_mode<synchronous>, transform_indices = @transform_2, window_bounds = array<i64: 128, 128>}, {pipeline_mode = #tpu.pipeline_mode<synchronous>, transform_indices = @transform_3, window_bounds = array<i64: 128, 128>}, {pipeline_mode = #tpu.pipeline_mode<synchronous>, transform_indices = @transform_4, window_bounds = array<i64: 1, 128>}, {transform_indices = @transform_5, window_bounds = array<i64: 2000, 128>}]} {
    %get3A = arith.constant 0 : index
    %get3A_0 = arith.constant 0 : index
    %get3A_1 = arith.constant 0 : index
    %get3A_2 = vector.load %arg2[%get3A, %get3A_0, %get3A_1] : memref<2x2000x128xf32, #tpu.memory_space<vmem>>, vector<1x2000x128xf32>
    %get3A_3 = vector.shape_cast %get3A_2 : vector<1x2000x128xf32> to vector<2000x128xf32>
    %get3A_4 = arith.constant 1 : index
    %get3A_5 = arith.constant 0 : index
    %get3A_6 = arith.constant 0 : index
    %get3A_7 = vector.load %arg2[%get3A_4, %get3A_5, %get3A_6] : memref<2x2000x128xf32, #tpu.memory_space<vmem>>, vector<1x2000x128xf32>
    %get3A_8 = vector.shape_cast %get3A_7 : vector<1x2000x128xf32> to vector<2000x128xf32>
    %add3A = arith.addf %get3A_3, %get3A_8 : vector<2000x128xf32>
    %get3A_9 = arith.constant 0 : index
    %get3A_10 = arith.constant 0 : index
    %get3A_11 = vector.load %arg1[%get3A_9, %get3A_10] : memref<2000x128xf32, #tpu.memory_space<vmem>>, vector<2000x128xf32>
    %get3A_12 = arith.constant 0 : index
    %get3A_13 = arith.constant 0 : index
    %get3A_14 = vector.load %arg3[%get3A_12, %get3A_13] : memref<128x128xf32, #tpu.memory_space<vmem>>, vector<128x128xf32>
    %dot_general3A = arith.constant dense<0.000000e+00> : vector<2000x128xf32>
    %dot_general3A_15 = tpu.matmul %get3A_11, %get3A_14, %dot_general3A {dimension_numbers = #tpu.dot_dimension_numbers<[1], [0], [0], [1], [0, 0, 1, 1], [], []>, transpose_lhs_hint = false} : vector<2000x128xf32>, vector<128x128xf32>, vector<2000x128xf32> -> vector<2000x128xf32>
    %get3A_16 = arith.constant 0 : index
    %get3A_17 = arith.constant 0 : index
    %get3A_18 = vector.load %arg4[%get3A_16, %get3A_17] : memref<128x128xf32, #tpu.memory_space<vmem>>, vector<128x128xf32>
    %dot_general3A_19 = arith.constant dense<0.000000e+00> : vector<2000x128xf32>
    %dot_general3A_20 = tpu.matmul %add3A, %get3A_18, %dot_general3A_19 {dimension_numbers = #tpu.dot_dimension_numbers<[1], [0], [0], [1], [0, 0, 1, 1], [], []>, transpose_lhs_hint = false} : vector<2000x128xf32>, vector<128x128xf32>, vector<2000x128xf32> -> vector<2000x128xf32>
    %add3A_21 = arith.addf %dot_general3A_15, %dot_general3A_20 : vector<2000x128xf32>
    %get3A_22 = arith.constant 0 : index
    %get3A_23 = arith.constant 0 : index
    %get3A_24 = vector.load %arg5[%get3A_22, %get3A_23] : memref<1x128xf32, #tpu.memory_space<vmem>>, vector<1x128xf32>
    %add3A_25 = vector.broadcast %get3A_24 : vector<1x128xf32> to vector<2000x128xf32>
    %add3A_26 = arith.addf %add3A_21, %add3A_25 : vector<2000x128xf32>
    %max3A = arith.constant 0.000000e+00 : f32
    %max3A_27 = vector.broadcast %max3A : f32 to vector<2000x128xf32>
    %max3A_28 = arith.maximumf %add3A_26, %max3A_27 : vector<2000x128xf32>
    %swap3A = arith.constant 0 : index
    %swap3A_29 = arith.constant 0 : index
    %swap3A_30 = vector.load %arg6[%swap3A, %swap3A_29] : memref<2000x128xf32, #tpu.memory_space<vmem>>, vector<2000x128xf32>
    tpu.vector_store %arg6[%swap3A, %swap3A_29], %max3A_28 {strides = array<i32>} : memref<2000x128xf32, #tpu.memory_space<vmem>>, vector<2000x128xf32>,
    return
  }
  func.func @transform_0(%arg0: i32) -> (i32, i32) {
    %c0_i32 = arith.constant 0 : i32
    %c0_i32_0 = arith.constant 0 : i32
    return %arg0, %c0_i32 : i32, i32
  }
  func.func @transform_1(%arg0: i32) -> (i32, i32, i32) {
    %c0_i32 = arith.constant 0 : i32
    %c0_i32_0 = arith.constant 0 : i32
    %c0_i32_1 = arith.constant 0 : i32
    return %c0_i32, %arg0, %c0_i32_0 : i32, i32, i32
  }
  func.func @transform_2(%arg0: i32) -> (i32, i32) {
    %c0_i32 = arith.constant 0 : i32
    %c0_i32_0 = arith.constant 0 : i32
    %c0_i32_1 = arith.constant 0 : i32
    return %c0_i32, %c0_i32_0 : i32, i32
  }
  func.func @transform_3(%arg0: i32) -> (i32, i32) {
    %c0_i32 = arith.constant 0 : i32
    %c0_i32_0 = arith.constant 0 : i32
    %c0_i32_1 = arith.constant 0 : i32
    return %c0_i32, %c0_i32_0 : i32, i32
  }
  func.func @transform_4(%arg0: i32) -> (i32, i32) {
    %c0_i32 = arith.constant 0 : i32
    %c0_i32_0 = arith.constant 0 : i32
    %c0_i32_1 = arith.constant 0 : i32
    return %c0_i32, %c0_i32_0 : i32, i32
  }
  func.func @transform_5(%arg0: i32) -> (i32, i32) {
    %c0_i32 = arith.constant 0 : i32
    %c0_i32_0 = arith.constant 0 : i32
    return %arg0, %c0_i32 : i32, i32
  }
}

module attributes {stable_mosaic.version = 14 : i64} {
  func.func @_edge_body(%arg0: i32, %arg1: memref<16x3200xf32, #tpu.memory_space<vmem>>, %arg2: memref<16x128xf32, #tpu.memory_space<vmem>>, %arg3: memref<1x128xf32, #tpu.memory_space<vmem>>, %arg4: memref<3200x128xf32, #tpu.memory_space<vmem>>) attributes {dimension_semantics = [#tpu.dimension_semantics<arbitrary>], iteration_bounds = array<i64: 100>, scalar_prefetch = 0 : i64, scratch_operands = 0 : i64, tpu.core_type = #tpu.core_type<tc>, window_params = [{transform_indices = @transform_0, window_bounds = array<i64: 16, 3200>}, {pipeline_mode = #tpu.pipeline_mode<synchronous>, transform_indices = @transform_1, window_bounds = array<i64: 16, 128>}, {pipeline_mode = #tpu.pipeline_mode<synchronous>, transform_indices = @transform_2, window_bounds = array<i64: 1, 128>}, {transform_indices = @transform_3, window_bounds = array<i64: 3200, 128>}]} {
    %get3A = arith.constant 0 : index
    %get3A_0 = arith.constant 0 : index
    %get3A_1 = vector.load %arg1[%get3A, %get3A_0] : memref<16x3200xf32, #tpu.memory_space<vmem>>, vector<16x3200xf32>
    %convert_element_type3A = arith.truncf %get3A_1 : vector<16x3200xf32> to vector<16x3200xbf16>
    %get3A_2 = arith.constant 0 : index
    %get3A_3 = arith.constant 0 : index
    %get3A_4 = vector.load %arg2[%get3A_2, %get3A_3] : memref<16x128xf32, #tpu.memory_space<vmem>>, vector<16x128xf32>
    %convert_element_type3A_5 = arith.truncf %get3A_4 : vector<16x128xf32> to vector<16x128xbf16>
    %dot_general3A = arith.constant dense<0.000000e+00> : vector<3200x128xf32>
    %dot_general3A_6 = tpu.matmul %convert_element_type3A, %convert_element_type3A_5, %dot_general3A {dimension_numbers = #tpu.dot_dimension_numbers<[0], [0], [1], [1], [0, 1, 1, 1], [], []>, transpose_lhs_hint = false} : vector<16x3200xbf16>, vector<16x128xbf16>, vector<3200x128xf32> -> vector<3200x128xf32>
    %get3A_7 = arith.constant 0 : index
    %get3A_8 = arith.constant 0 : index
    %get3A_9 = vector.load %arg3[%get3A_7, %get3A_8] : memref<1x128xf32, #tpu.memory_space<vmem>>, vector<1x128xf32>
    %add3A = vector.broadcast %get3A_9 : vector<1x128xf32> to vector<3200x128xf32>
    %add3A_10 = arith.addf %dot_general3A_6, %add3A : vector<3200x128xf32>
    %swap3A = arith.constant 0 : index
    %swap3A_11 = arith.constant 0 : index
    %swap3A_12 = vector.load %arg4[%swap3A, %swap3A_11] : memref<3200x128xf32, #tpu.memory_space<vmem>>, vector<3200x128xf32>
    tpu.vector_store %arg4[%swap3A, %swap3A_11], %add3A_10 {strides = array<i32>} : memref<3200x128xf32, #tpu.memory_space<vmem>>, vector<3200x128xf32>,
    return
  }
  func.func @transform_0(%arg0: i32) -> (i32, i32) {
    %c0_i32 = arith.constant 0 : i32
    %c0_i32_0 = arith.constant 0 : i32
    return %c0_i32, %arg0 : i32, i32
  }
  func.func @transform_1(%arg0: i32) -> (i32, i32) {
    %c0_i32 = arith.constant 0 : i32
    %c0_i32_0 = arith.constant 0 : i32
    %c0_i32_1 = arith.constant 0 : i32
    return %c0_i32, %c0_i32_0 : i32, i32
  }
  func.func @transform_2(%arg0: i32) -> (i32, i32) {
    %c0_i32 = arith.constant 0 : i32
    %c0_i32_0 = arith.constant 0 : i32
    %c0_i32_1 = arith.constant 0 : i32
    return %c0_i32, %c0_i32_0 : i32, i32
  }
  func.func @transform_3(%arg0: i32) -> (i32, i32) {
    %c0_i32 = arith.constant 0 : i32
    %c0_i32_0 = arith.constant 0 : i32
    return %arg0, %c0_i32 : i32, i32
  }
}

</mosaic_0001>

<sc_bundles>
// kernel: kernel.7.cloned.1.call-start
scs
__scs_entry_jumppad:
0x0: {  	(pc) =	sbr.rel $0x88, $3  }
0x1: {  	(tag) =	ssettag $0x0;
	lr =	simm.s32 $0x1  }
0x2: {  	[smem:$0x3F97] =	sst lr;
	_ =	strace $0xD0000000  }
0x3: {  	_ = 	snop  }
0x4: {  	_ = 	snop  }
0x5: {  	_ = 	snop  }
0x6: {  	_ = 	snop  }
0x7: {  	_ = 	snop  }
__scs_overlays_trampoline_lowered:
0x8: {  	[smem:$0x3FA6] =	sst s0  }
0x9: {  	[smem:$0x3FA7] =	sst s1  }
0xa: {  	[smem:$0x3FA8] =	sst s2  }
0xb: {  	[smem:$0x3FA9] =	sst s3  }
0xc: {  	[smem:$0x3FAA] =	sst s4  }
0xd: {  	[smem:$0x3FAB] =	sst s5  }
0xe: {  	[smem:$0x3FAC] =	sst s6  }
0xf: {  	[smem:$0x3FAD] =	sst s7  }
0x10: {  	[smem:$0x3FAE] =	sst s8  }
0x11: {  	[smem:$0x3FAF] =	sst s9;
	s0 =	simm.s32 @!p0 $0x0  }
0x12: {  	s1 =	sld [smem:$0x3F95];
	s0 =	simm.s32 @p0 $0x1  }
0x13: {  	[smem:$0x3FB0] =	sst s0;
	s0 =	simm.s32 @!p1 $0x0  }
0x14: {  	s2 =	sld [smem:$0x3F94];
	s0 =	simm.s32 @p1 $0x1  }
0x15: {  	[smem:$0x3FB1] =	sst s0;
	s0 =	simm.s32 @!p2 $0x0  }
0x16: {  	s3 =	sld [smem:$0x3FDB];
	s0 =	simm.s32 @p2 $0x1  }
0x17: {  	s4 =	simm.s32 $0x1BF5;
	[smem:$0x3FB3] =	sst s0  }
0x18: {  	s0 =	sld [smem:$0x3F96];
	_ =	swait.ge [sflag:s4], $0x0  }
0x19: {  	s7 =	sld [smem:$0x3F97]  }
0x1a: {  	s8 =	sadd.s32 $0xFFFFE003, lr  }
0x1b: {  	s9 =	sadd.s32 $0xFFFFFEF7, lr;
	s5 =	simm.s32 $0xFFFFFFFF;
	p2 =	slt.u32 s8, $0xFFFFF086  }
0x1c: {  	p1 =	slt.u32 s9, $0xF7A;
	s5 =	simm.s32 @!p2 $0x0  }
0x1d: {  	s5 =	simm.s32 @p1 $0x1;
	p0 =	seq.s32 s7, s2  }
0x1e: {  	s7 =	smul.u32 @!p0 $0xF7A, s2;
	p2 =	seq.s32 @!p0 s5, $0x0  }
0x1f: {  	s9 =	smul.u32 $0xF7A, s1;
	s8 =	simm.s32 @!p0 $0x1BF5;
	p2 =	por !p2, p0  }
0x20: {  	[sflag:s8] =	ssyncset.s32 @!p0 $0xFFFFF086;
	s6 =	sadd.s32 @!p0 s3, s7;
	s7 =	simm.s32 @!p0 $0x108  }
0x21: {  	s3 =	sadd.s32 s3, s9;
	s6 =	sadd.s32 @!p0 $0x88, s6;
	s7 =	simm.s32 @p2 $0x1082  }
0x22: {  	[simem:s7], [sflag:s8] =	dma.local @!p0 [hbm:s6], $0xF7A  }
0x23: {  	s9 =	sor.u32 $0xD0000000, s2;
	s6 =	simm.s32 $0x108;
	_ =	swait.ge @!p0 [sflag:s8], $0x0  }
0x24: {  	s3 =	sadd.s32 $0x88, s3;
	s6 =	simm.s32 @!p1 $0x1082;
	[sflag:s4] =	ssyncset.s32 $0xFFFFF086  }
0x25: {  	[simem:s6], [sflag:s4] =	dma.local [hbm:s3], $0xF7A  }
0x26: {  	[smem:$0x3F97] =	sst s1;
	(tag) =	ssettag s2;
	_ =	strace s9  }
0x27: {  	s1 =	sld [smem:$0x3FA7]  }
0x28: {  	s2 =	sld [smem:$0x3FA8]  }
0x29: {  	s4 =	sld [smem:$0x3FAA]  }
0x2a: {  	p0 =	seq.s32 s5, $0x0;
	s5 =	sld [smem:$0x3FAB]  }
0x2b: {  	s6 =	sld [smem:$0x3FAC]  }
0x2c: {  	s7 =	sld [smem:$0x3FAD]  }
0x2d: {  	s3 =	simm.s32 $0x108;
	s8 =	sld [smem:$0x3FAE]  }
0x2e: {  	s3 =	simm.s32 @!p0 $0x1082;
	s9 =	sld [smem:$0x3FAF]  }
0x2f: {  	lr =	sadd.s32 s0, s3;
	s0 =	sld [smem:$0x3FA6]  }
0x30: {  	s3 =	sld [smem:$0x3FA9]  }
0x31: {  	[smem:$0x3FB2] =	sst s10  }
0x32: {  	s10 =	sld [smem:$0x3FB0];
	_ =	sdelay $0x3  }
0x33: {  	p0 =	seq.s32 s10, $0x1;
	s10 =	sld [smem:$0x3FB2];
	_ =	sdelay $0x3  }
0x34: {  	[smem:$0x3FB2] =	sst s10  }
0x35: {  	s10 =	sld [smem:$0x3FB1];
	_ =	sdelay $0x3  }
0x36: {  	p1 =	seq.s32 s10, $0x1;
	s10 =	sld [smem:$0x3FB2];
	_ =	sdelay $0x3  }
0x37: {  	[smem:$0x3FB2] =	sst s10  }
0x38: {  	s10 =	sld [smem:$0x3FB3]  }
0x39: {  	_ = 	snop;
	(pc) =	sbr.ind lr, $3  }
0x3a: {  	_ = 	snop  }
0x3b: {  	_ = 	snop  }
0x3c: {  	p2 =	seq.s32 s10, $0x1;
	s10 =	sld [smem:$0x3FB2]  }
0x3d: {  	_ =	shalt  }
0x3e: {  	_ =	shalt  }
0x3f: {  	_ =	shalt  }
0x40: {  	_ =	shalt  }
0x41: {  	_ =	shalt  }
0x42: {  	_ =	shalt  }
0x43: {  	_ =	shalt  }
0x44: {  	_ =	shalt  }
0x45: {  	_ =	shalt  }
0x46: {  	_ =	shalt  }
0x47: {  	_ =	shalt  }
0x48: {  	_ =	shalt  }
0x49: {  	_ =	shalt  }
0x4a: {  	_ =	shalt  }
0x4b: {  	_ =	shalt  }
0x4c: {  	_ =	shalt  }
0x4d: {  	_ =	shalt  }
0x4e: {  	_ =	shalt  }
0x4f: {  	_ =	shalt  }
0x50: {  	_ =	shalt  }
0x51: {  	_ =	shalt  }
0x52: {  	_ =	shalt  }
0x53: {  	_ =	shalt  }
0x54: {  	_ =	shalt  }
0x55: {  	_ =	shalt  }
0x56: {  	_ =	shalt  }
0x57: {  	_ =	shalt  }
0x58: {  	_ =	shalt  }
0x59: {  	_ =	shalt  }
0x5a: {  	_ =	shalt  }
0x5b: {  	_ =	shalt  }
0x5c: {  	_ =	shalt  }
0x5d: {  	_ =	shalt  }
0x5e: {  	_ =	shalt  }
0x5f: {  	_ =	shalt  }
0x60: {  	_ =	shalt  }
0x61: {  	_ =	shalt  }
0x62: {  	_ =	shalt  }
0x63: {  	_ =	shalt  }
0x64: {  	_ =	shalt  }
0x65: {  	_ =	shalt  }
0x66: {  	_ =	shalt  }
0x67: {  	_ =	shalt  }
0x68: {  	_ =	shalt  }
0x69: {  	_ =	shalt  }
0x6a: {  	_ =	shalt  }
0x6b: {  	_ =	shalt  }
0x6c: {  	_ =	shalt  }
0x6d: {  	_ =	shalt  }
0x6e: {  	_ =	shalt  }
0x6f: {  	_ =	shalt  }
0x70: {  	_ =	shalt  }
0x71: {  	_ =	shalt  }
0x72: {  	_ =	shalt  }
0x73: {  	_ =	shalt  }
0x74: {  	_ =	shalt  }
0x75: {  	_ =	shalt  }
0x76: {  	_ =	shalt  }
0x77: {  	_ =	shalt  }
0x78: {  	_ =	shalt  }
0x79: {  	_ =	shalt  }
0x7a: {  	_ =	shalt  }
0x7b: {  	_ =	shalt  }
0x7c: {  	_ =	shalt  }
0x7d: {  	_ =	shalt  }
0x7e: {  	_ =	shalt  }
0x7f: {  	_ =	shalt  }
0x80: {  	_ =	shalt  }
0x81: {  	_ =	shalt  }
0x82: {  	_ =	shalt  }
0x83: {  	_ =	shalt  }
0x84: {  	_ =	shalt  }
0x85: {  	_ =	shalt  }
0x86: {  	_ =	shalt  }
0x87: {  	_ =	shalt  }
.Lfunc_end0:
.L_simem_size_0:
called_computation_lowered:
.L_overlay_start_0:
0x88: {  	s2 =	sld [smem:$0x3FD9]  }
0x89: {  	s3 =	sld [smem:$0x3FFE];
	_ =	sdelay $0x1  }
0x8a: {  	s1 =	srdreg.scid  }
0x8b: {  	s0 =	sand.u32 $0x1, s1  }
0x8c: {  	s17 =	sshll.u32 s0, $0xA;
	s2 =	sadd.s32 s3, s2  }
0x8d: {  	s2 =	sadd.s32 s2, s17  }
0x8e: {  	[smem:$0x3FBE] =	sst s2  }
0x8f: {  	_ = 	snop  }
0x90: {  	s2 =	sld [smem:$0x3FD0];
	(tm) =	ssettm $0x1  }
0x91: {  	s18 =	sld [smem:$0x3FFB];
	_ =	sdelay $0x3  }
0x92: {  	_ =	strace s18  }
0x93: {  	s3 =	sld [smem:$0x3FFC];
	_ =	sdelay $0x3  }
0x94: {  	_ =	strace s3  }
0x95: {  	s3 =	sld [smem:$0x3FFD];
	_ =	sdelay $0x3  }
0x96: {  	_ =	strace s3  }
0x97: {  	_ =	strace $0x8FFFFFFF  }
0x98: {  	s19 =	sld [smem:$0x3FDB];
	_ =	sdelay $0x1  }
0x99: {  	s4 =	simm.s32 $_scs_section_size  }
0x9a: {  	s5 =	simm.s32 $_size__tile_overlayer_lowered;
	s6 =	simm.s32 $_tile_overlayer_lowered  }
0x9b: {  	s22 =	simm.s32 $0x1BFF;
	s21 =	sshll.u32 s6, $0x1;
	s3 =	sadd.s32 s4, s19  }
0x9c: {  	s7 =	simm.s32 $0x0;
	s20 =	sshll.u32 s5, $0x1;
	s5 =	sadd.s32 s21, s3  }
0x9d: {  	[timem:s7], [sflag:s22] =	dma.local [hbm:s5], s20  }
0x9e: {  	_ =	swait.ge [sflag:s22], s20  }
0x9f: {  	s4 =	ssub.s32 $0x0, s20;
	[sflag:s22] =	ssyncset.done $0x0  }
0xa0: {  	[sflag:s22] =	ssyncadd.s32 s4;
	_ =	sdelay $0x1  }
0xa1: {  	s23 =	simm.s32 $0x1B8B  }
0xa2: {  	_ =	swait.ge [sflag:s23], $0x1  }
0xa3: {  	[sflag:s23] =	ssyncset.done $0x0  }
0xa4: {  	s25 =	simm.s32 $0x1B8E;
	s24 =	sld [smem:$0x3FFE];
	[sflag:s23] =	ssyncadd.s32 $0xFFFFFFFF  }
0xa5: {  	s26 =	simm.s32 $execute0_lowered;
	[smem:$0x3FD2] =	sst s25  }
0xa6: {  	s5 =	sshll.u32 s26, $0x1;
	_ =	strace $0x80000046;
	[dreg:$0x1] =	wrdreg $0xFFFFFFFF  }
0xa7: {  	s28 =	simm.s32 $_size_execute0_lowered;
	s3 =	sadd.s32 s3, s5;
	[dreg:$0x0] =	wrdreg $0x0  }
0xa8: {  	s5 =	sshll.u32 s28, $0x1;
	[dreg:$0x2] =	wrdreg s3  }
0xa9: {  	[dreg:$0x3] =	wrdreg s5  }
0xaa: {  	[dreg:$0x4] =	wrdreg $0xC0  }
0xab: {  	_ =	task [dreg:s7], $0x5FFFF  }
0xac: {  	[dreg:$0x1] =	wrdreg $0xFFFFFFFF  }
0xad: {  	[dreg:$0x0] =	wrdreg $0x60  }
0xae: {  	[dreg:$0x2] =	wrdreg s2  }
0xaf: {  	[dreg:$0x3] =	wrdreg s24  }
0xb0: {  	[dreg:$0x4] =	wrdreg $0xA2000  }
0xb1: {  	[dreg:$0x5] =	wrdreg $0x9  }
0xb2: {  	_ =	task.clear_ibuf [dreg:s7], $0x6FFFF;
	_ =	strace $0x90000046  }
0xb3: {  	s29 =	simm.s32 $0x9;
	_ =	strace $0x80000048  }
0xb4: {  	_ =	swait.ge [sflag:s29], $0x1  }
0xb5: {  	[sflag:s29] =	ssyncadd.s32 $0xFFFFFFFF  }
0xb6: {  	_ =	strace $0x90000048  }
0xb7: {  	_ =	sfence  }
0xb8: {  	s30 =	sld [smem:$0x0];
	_ =	sdelay $0x2  }
0xb9: {  	s31 =	sshll.u32 s1, $0xD;
	s1 =	sshrl.u32 s1, $0x2  }
0xba: {  	s3 =	sand.u32 $0x4000, s31;
	s1 =	sadd.s32 s1, s30  }
0xbb: {  	s0 =	sor.u32 s3, s0;
	s1 =	sshll.u32 s1, $0x11  }
0xbc: {  	s0 =	sor.u32 s1, s0  }
0xbd: {  	s0 =	sadd.s32 $0x8F2B, s0  }
0xbe: {  	[sflag:s0] =	ssyncadd.remote.s32 $0x1  }
0xbf: {  	_ =	sfence.sel $0xFFFF  }
0xc0: {  	[dreg:$0x0] =	wrdreg $0xFFFFFFFF;
	(pc) =	sbr.abs _section_cstart, $3  }
0xc1: {  	[dreg:$0x1] =	wrdreg $0xFFFFFFFF  }
0xc2: {  	_ =	task.clear_ibuf [dreg:s7], $0x2FFFF;
	_ =	strace $0x9FFFFFFF  }
0xc3: {  	(tm) =	ssettm $0x7FFFFFFF  }
tec
execute0_lowered:
.L_overlay_start_1:
0x0: {  	(tag) =	ssettag $0x1  }
0x1: {  	s1 =	rddreg [dreg:$0x0]  }
0x2: {  	s0 =	rddreg [dreg:$0x1]  }
0x3: {  	s2 =	rddreg [dreg:$0x2];
	s3 =	simm.s32 $0x0  }
0x4: {  	s4 =	srdreg.scid;
	s30 =	simm.s32 $0x200;
	[smem:$0x7FF] =	sst s3  }
0x5: {  	s5 =	sadd.s32 $0x2400, s0;
	s3 =	stileid.u32;
	s6 =	sadd.s32 $0xC200, s0  }
0x6: {  	s4 =	sand.u32 $0x1, s4;
	s7 =	sadd.s32 $0x16000, s0;
	s8 =	smul.u32 $0x4E200, s3  }
0x7: {  	s9 =	sshll.u32 s4, $0x4;
	s10 =	ssub.s32 $0x2, s4;
	s4 =	smul.u32 $0x138800, s4  }
0x8: {  	s0 =	sadd.s32 $0x4F8000, s0;
	_ =	strace $0x80000047;
	s17 =	smul.u32 $0x13800, s3  }
0x9: {  	s21 =	smul.u32 $0x4E000, s3;
	p0 =	sne.s32 s3, $0xF;
	s9 =	sor.u32 s3, s9  }
0xa: {  	s11 =	sshrl.u32 s10, $0x1;
	s8 =	sshrl.u32 s8, $0x2;
	s25 =	smul.u32 $0x2710, s9  }
0xb: {  	s10 =	ssub.s32 s10, s11;
	s9 =	smul.u32 $0x27100, s9;
	s18 =	sadd.s32 s17, s4  }
0xc: {  	s4 =	sshrl.u32 s4, $0x3;
	s23 =	sshrl.u32 s21, $0x2;
	s17 =	simm.s32 $0x4  }
0xd: {  	s21 =	simm.s32 $0x7A00;
	s13 =	sadd.s32 s8, s2;
	s22 =	sshrl.u32 s18, $0x3  }
0xe: {  	s24 =	sadd.s32 s23, s2;
	s18 =	simm.s32 $0x6;
	s23 =	simm.s32 $0x8  }
0xf: {  	s26 =	sadd.s32 $0x2800, s13;
	s28 =	sadd.s32 $0x5000, s13;
	[dreg:$0x4] =	wrdreg s13  }
0x10: {  	s29 =	sadd.s32 $0x7800, s13;
	s31 =	sshrl.u32 s25, $0x3;
	[dreg:$0x5] =	wrdreg s26  }
0x11: {  	s12 =	sadd.s32 $0xA000, s13;
	s9 =	sadd.s32 s7, s9;
	[dreg:$0x6] =	wrdreg s28  }
0x12: {  	s15 =	sadd.s32 $0x50, s25;
	s19 =	sadd.s32 $0xA0, s25;
	[dreg:$0x7] =	wrdreg s29  }
0x13: {  	s20 =	sadd.s32 $0xF0, s25;
	s8 =	sadd.s32 s0, s22;
	[dreg:$0x8] =	wrdreg s12  }
0x14: {  	s0 =	sadd.s32 s0, s4;
	s25 =	smax.u32 s10, $0x1;
	[dreg:$0xb] =	wrdreg s9  }
0x15: {  	s4 =	simm.s32 $0x1;
	s10 =	simm.s32 $0x5;
	[dreg:$0xf] =	wrdreg s8  }
0x16: {  	s22 =	simm.s32 $0x9;
	s14 =	sadd.s32 s5, s31;
	[dreg:$0x11] =	wrdreg s25  }
0x17: {  	s11 =	sadd.s32 s6, s31;
	s16 =	sshrl.u32 s15, $0x3;
	[dreg:$0x9] =	wrdreg s14  }
0x18: {  	s9 =	sshll.u32 s15, $0x4;
	s0 =	sadd.s32 $0x27000, s0;
	[dreg:$0xa] =	wrdreg s11  }
0x19: {  	s26 =	sshrl.u32 s24, $0x3;
	s28 =	sadd.s32 $0xC800, s13;
	[dreg:$0x10] =	wrdreg s0  }
0x1a: {  	s29 =	sadd.s32 $0xF000, s13;
	s31 =	sadd.s32 $0x11800, s13;
	[dreg:$0x12] =	wrdreg s26  }
0x1b: {  	s12 =	simm.s32 $0x5200;
	s13 =	simm.s32 $0x80;
	[dreg:$0x14] =	wrdreg s28  }
0x1c: {  	s15 =	simm.s32 $0x7;
	s24 =	simm.s32 $0xA;
	[dreg:$0x15] =	wrdreg s29  }
0x1d: {  	s25 =	simm.s32 $0x0;
	s14 =	sadd.s32 s5, s16;
	[dreg:$0x16] =	wrdreg s31  }
.Ltmp0:
0x1e: {  	s11 =	sadd.s32 s6, s16;
	[dreg:$0xc] =	wrdreg s14;
	(pc) =	sbr.rel .LBB2_1-.Ltmp0, $4  }
0x1f: {  	s9 =	sadd.s32 s7, s9;
	s0 =	sadd.s32 $0x138000, s2;
	[dreg:$0xd] =	wrdreg s11  }
0x20: {  	s26 =	simm.s32 $0xB;
	s16 =	simm.s32 $0x2;
	[dreg:$0xe] =	wrdreg s9  }
0x21: {  	s0 =	sshrl.u32 @!p0 s0, $0x3;
	s9 =	simm.s32 $0x3;
	s11 =	simm.s32 $0x50  }
0x22: {  	v0 =	vimm.f32 $0.0e+00;
	s14 =	simm.s32 $0x180;
	[dreg:$0x13] =	wrdreg s0;
	s0 =	simm.s32 $0x100  }
.LBB2_12:
0x23: {  	[spmem:s2] =	stream.indirect.scatter.add.f32 [tilespmem:s12], [sflag:$0x9], $0x80, s0, s11, $0xb8;
	[tilespmem:$0x1DA80] =	vst v63  }
0x24: {  	_ =	swait.ge [sflag:s22], $0x2800  }
0x25: {  	[sflag:s22] =	ssyncset.done $0x0  }
0x26: {  	[sflag:s22] =	ssyncadd.s32 $0xFFFFD800  }
0x27: {  	s3 =	stileid.u32;
	[bflag:$0x0] =	sbarrier.arrive $0xFFFF  }
0x28: {  	s3 =	sshll.u32 s3, $0x6;
	s8 =	rddreg [dreg:$0xf]  }
0x29: {  	s26 =	simm.s32 $0xB;
	s3 =	sor.u32 $0x1C0B, s3;
	s25 =	rddreg [dreg:$0x12]  }
0x2a: {  	[hbm:s8], [sflag:s3] =	dma.local [spmem:s25], $0x2700  }
0x2b: {  	_ =	swait.ge [sflag:s26], $0x2700  }
0x2c: {  	[sflag:s26] =	ssyncset.done $0x0;
	s8 =	rddreg [dreg:$0x10]  }
0x2d: {  	s25 =	rddreg [dreg:$0x13];
	[sflag:s26] =	ssyncadd.s32 $0xFFFFD900  }
0x2e: {  	[hbm:s8], [sflag:s3] =	dma.local @!p0 [spmem:s25], $0x100  }
0x2f: {  	s3 =	simm.s32 @!p0 $0xB  }
0x30: {  	_ =	swait.ge @!p0 [sflag:s3], $0x100  }
0x31: {  	s29 =	rddreg [dreg:$0x17]  }
0x32: {  	s31 =	rddreg [dreg:$0x11];
	s25 =	sadd.s32 $0x1, s29  }
0x33: {  	p1 =	sne.s32 s25, s31  }
.Ltmp1:
0x34: {  	_ = 	snop;
	(pc) =	sbr.rel @!p1 .LBB2_13-.Ltmp1, $3  }
0x35: {  	_ =	sdelay $0x1  }
0x36: {  	[sflag:s3] =	ssyncset.done @!p0 $0x0  }
0x37: {  	[sflag:s3] =	ssyncadd.s32 @!p0 $0xFFFFFF00  }
.LBB2_1:
0x38: {  	[dreg:$0x17] =	wrdreg s25;
	s8 =	simm.s32 $0x0;
	s25 =	simm.s32 $0x200  }
.LBB2_2:
0x39: {  	p1 =	sne.s32 s25, $0x9E00;
	[tilespmem:s8+$0x270] =	vst v0  }
0x3a: {  	[tilespmem:s8+$0x200] =	vst v0  }
0x3b: {  	[tilespmem:s8+$0x210] =	vst v0  }
.Ltmp2:
0x3c: {  	[tilespmem:s8+$0x220] =	vst v0;
	(pc) =	sbr.rel @p1 .LBB2_2-.Ltmp2, $4  }
0x3d: {  	[tilespmem:s8+$0x230] =	vst v0  }
0x3e: {  	[tilespmem:s8+$0x240] =	vst v0  }
0x3f: {  	[tilespmem:s8+$0x250] =	vst v0  }
0x40: {  	[tilespmem:s8+$0x260] =	vst v0;
	s8 =	sshra.s32 s25, $0x2;
	s25 =	sadd.s32 $0x200, s25  }
0x41: {  	[tilespmem:s8+$0x270] =	vst v0  }
0x42: {  	[tilespmem:s8+$0x200] =	vst v0  }
0x43: {  	[tilespmem:s8+$0x210] =	vst v0  }
0x44: {  	[tilespmem:s8+$0x220] =	vst v0  }
0x45: {  	[tilespmem:s8+$0x230] =	vst v0  }
0x46: {  	[tilespmem:s8+$0x240] =	vst v0  }
0x47: {  	[tilespmem:s8+$0x250] =	vst v0  }
0x48: {  	[tilespmem:s8+$0x260] =	vst v0;
	s3 =	rddreg [dreg:$0x4]  }
0x49: {  	[spmem:s3] =	stream.linear.scatter [tilespmem:s30], [sflag:$0xB], $0x2800, $0x38;
	[tilespmem:$0x1DA80] =	vst v63  }
0x4a: {  	_ =	swait.ge [sflag:s26], $0x2800  }
0x4b: {  	[sflag:s26] =	ssyncset.done $0x0  }
0x4c: {  	s28 =	rddreg [dreg:$0x5];
	[sflag:s26] =	ssyncadd.s32 $0xFFFFD800  }
0x4d: {  	[spmem:s28] =	stream.linear.scatter [tilespmem:s30], [sflag:$0xB], $0x2800, $0x38;
	[tilespmem:$0x1DA80] =	vst v63  }
0x4e: {  	_ =	swait.ge [sflag:s26], $0x2800  }
0x4f: {  	[sflag:s26] =	ssyncset.done $0x0  }
0x50: {  	s29 =	rddreg [dreg:$0x6];
	[sflag:s26] =	ssyncadd.s32 $0xFFFFD800  }
0x51: {  	[spmem:s29] =	stream.linear.scatter [tilespmem:s30], [sflag:$0xB], $0x2800, $0x38;
	[tilespmem:$0x1DA80] =	vst v63  }
0x52: {  	_ =	swait.ge [sflag:s26], $0x2800  }
0x53: {  	[sflag:s26] =	ssyncset.done $0x0  }
0x54: {  	s31 =	rddreg [dreg:$0x7];
	[sflag:s26] =	ssyncadd.s32 $0xFFFFD800  }
0x55: {  	[spmem:s31] =	stream.linear.scatter [tilespmem:s30], [sflag:$0xB], $0x2800, $0x38;
	[tilespmem:$0x1DA80] =	vst v63  }
0x56: {  	_ =	swait.ge [sflag:s26], $0x2800  }
0x57: {  	[sflag:s26] =	ssyncset.done $0x0  }
0x58: {  	s8 =	rddreg [dreg:$0x8];
	[sflag:s26] =	ssyncadd.s32 $0xFFFFD800  }
0x59: {  	[spmem:s8] =	stream.linear.scatter [tilespmem:s30], [sflag:$0xB], $0x2800, $0x38;
	[tilespmem:$0x1DA80] =	vst v63  }
0x5a: {  	_ =	swait.ge [sflag:s26], $0x2800  }
0x5b: {  	[sflag:s26] =	ssyncset.done $0x0  }
0x5c: {  	s25 =	rddreg [dreg:$0x14];
	[sflag:s26] =	ssyncadd.s32 $0xFFFFD800  }
0x5d: {  	[spmem:s25] =	stream.linear.scatter [tilespmem:s30], [sflag:$0xB], $0x2800, $0x38;
	[tilespmem:$0x1DA80] =	vst v63  }
0x5e: {  	_ =	swait.ge [sflag:s26], $0x2800  }
0x5f: {  	[sflag:s26] =	ssyncset.done $0x0  }
0x60: {  	s28 =	rddreg [dreg:$0x15];
	[sflag:s26] =	ssyncadd.s32 $0xFFFFD800  }
0x61: {  	[spmem:s28] =	stream.linear.scatter [tilespmem:s30], [sflag:$0xB], $0x2800, $0x38;
	[tilespmem:$0x1DA80] =	vst v63  }
0x62: {  	_ =	swait.ge [sflag:s26], $0x2800  }
0x63: {  	[sflag:s26] =	ssyncset.done $0x0  }
0x64: {  	s29 =	rddreg [dreg:$0x16];
	[sflag:s26] =	ssyncadd.s32 $0xFFFFD800  }
0x65: {  	[spmem:s29] =	stream.linear.scatter [tilespmem:s30], [sflag:$0xB], $0x2080, $0x38;
	[tilespmem:$0x1DA80] =	vst v63  }
0x66: {  	_ =	swait.ge [sflag:s26], $0x2080  }
0x67: {  	[sflag:s26] =	ssyncset.done $0x0  }
0x68: {  	[sflag:s26] =	ssyncadd.s32 $0xFFFFDF80  }
0x69: {  	[bflag:$0x0] =	sbarrier.arrive $0xFFFF  }
0x6a: {  	s8 =	simm.s32 $0x0;
	s31 =	rddreg [dreg:$0x9]  }
0x6b: {  	[tilespmem:s8], [sflag:$0x1] =	stream.linear.gather [hbm4b:s31+s8], $0x50, $0x38;
	[tilespmem:$0x1DA80] =	vst v63  }
0x6c: {  	s25 =	rddreg [dreg:$0xa]  }
0x6d: {  	[tilespmem:s0], [sflag:$0x3] =	stream.linear.gather [hbm4b:s25+s8], $0x50, $0x38;
	[tilespmem:$0x1DA80] =	vst v63  }
0x6e: {  	s26 =	rddreg [dreg:$0xb]  }
0x6f: {  	[tilespmem:s30], [sflag:$0x5] =	stream.linear.gather [hbm4b:s26+s8], $0x2800, $0x38;
	[tilespmem:$0x1DA80] =	vst v63  }
0x70: {  	_ =	swait.ge [sflag:s4], $0x50  }
0x71: {  	[sflag:s4] =	ssyncset.done $0x0  }
0x72: {  	[sflag:s4] =	ssyncadd.s32 $0xFFFFFFB0  }
0x73: {  	_ =	swait.ge [sflag:s9], $0x50  }
0x74: {  	[sflag:s9] =	ssyncset.done $0x0  }
0x75: {  	[sflag:s9] =	ssyncadd.s32 $0xFFFFFFB0  }
0x76: {  	_ =	swait.ge [sflag:s10], $0x2800  }
0x77: {  	[sflag:s10] =	ssyncset.done $0x0  }
0x78: {  	[sflag:s10] =	ssyncadd.s32 $0xFFFFD800  }
0x79: {  	[tilespmem:s12], [sflag:$0x7] =	stream.indirect.gather [hbm4b:s1+s11], $0x80, s8, s11, $0xb8;
	[tilespmem:$0x1DA80] =	vst v63  }
0x7a: {  	s28 =	rddreg [dreg:$0xc]  }
0x7b: {  	[tilespmem:s13], [sflag:$0x2] =	stream.linear.gather [hbm4b:s28+s8], $0x50, $0x38;
	[tilespmem:$0x1DA80] =	vst v63  }
0x7c: {  	s29 =	rddreg [dreg:$0xd]  }
0x7d: {  	[tilespmem:s14], [sflag:$0x4] =	stream.linear.gather [hbm4b:s29+s8], $0x50, $0x38;
	[tilespmem:$0x1DA80] =	vst v63  }
0x7e: {  	s25 =	simm.s32 $0x2A00;
	s31 =	rddreg [dreg:$0xe]  }
0x7f: {  	[tilespmem:s25], [sflag:$0x6] =	stream.linear.gather [hbm4b:s31+s8], $0x2800, $0x38;
	[tilespmem:$0x1DA80] =	vst v63  }
0x80: {  	_ =	swait.ge [sflag:s15], $0x2800  }
0x81: {  	[sflag:s15] =	ssyncset.done $0x0  }
0x82: {  	s26 =	simm.s32 $0x0;
	[sflag:s15] =	ssyncadd.s32 $0xFFFFD800  }
0x83: {  	v7 =	vld [tilespmem:s26+$0x200]  }
0x84: {  	v8 =	vld [tilespmem:s26+$0x210]  }
0x85: {  	v9 =	vld [tilespmem:s26+$0x220]  }
0x86: {  	v10 =	vld [tilespmem:s26+$0x230]  }
0x87: {  	v11 =	vld [tilespmem:s26+$0x240]  }
0x88: {  	v12 =	vld [tilespmem:s26+$0x250]  }
0x89: {  	v13 =	vld [tilespmem:s26+$0x260]  }
0x8a: {  	v14 =	vld [tilespmem:s26+$0x270]  }
0x8b: {  	v15 =	vld [tilespmem:s26+$0x280]  }
0x8c: {  	v16 =	vld [tilespmem:s26+$0x290]  }
0x8d: {  	v17 =	vld [tilespmem:s26+$0x2A0]  }
0x8e: {  	v18 =	vld [tilespmem:s26+$0x2B0]  }
0x8f: {  	v19 =	vld [tilespmem:s26+$0x2C0]  }
0x90: {  	v20 =	vld [tilespmem:s26+$0x2D0]  }
0x91: {  	v21 =	vld [tilespmem:s26+$0x2E0]  }
0x92: {  	v22 =	vld [tilespmem:s26+$0x2F0]  }
0x93: {  	v23 =	vld [tilespmem:s26+$0x300]  }
0x94: {  	v24 =	vld [tilespmem:s26+$0x310]  }
0x95: {  	v25 =	vld [tilespmem:s26+$0x320]  }
0x96: {  	v26 =	vld [tilespmem:s26+$0x330]  }
0x97: {  	v27 =	vld [tilespmem:s26+$0x340]  }
0x98: {  	v33 =	vld [tilespmem:s26+$0x5200]  }
0x99: {  	v28 =	vld [tilespmem:s26+$0x350]  }
0x9a: {  	v34 =	vld [tilespmem:s26+$0x5210]  }
0x9b: {  	v35 =	vld [tilespmem:s26+$0x5220]  }
0x9c: {  	v29 =	vld [tilespmem:s26+$0x360]  }
0x9d: {  	v36 =	vld [tilespmem:s26+$0x5230];
	v7 =	vadd.f32 v7, v33  }
0x9e: {  	v37 =	vld [tilespmem:s26+$0x5240]  }
0x9f: {  	v30 =	vld [tilespmem:s26+$0x370];
	v8 =	vadd.f32 v8, v34;
	v7 =	vmax.f32 v7, $0.0e+00  }
0xa0: {  	v61 =	vld [tilespmem:s26+$0x5250];
	[tilespmem:s26+$0x5200] =	vst v7;
	v7 =	vadd.f32 v9, v35  }
0xa1: {  	v38 =	vld [tilespmem:s26+$0x5260];
	v8 =	vmax.f32 v8, $0.0e+00  }
0xa2: {  	v31 =	vld [tilespmem:s26+$0x380];
	[tilespmem:s26+$0x5210] =	vst v8;
	v8 =	vadd.f32 v10, v36;
	v7 =	vmax.f32 v7, $0.0e+00  }
0xa3: {  	v62 =	vld [tilespmem:s26+$0x5270];
	[tilespmem:s26+$0x5220] =	vst v7;
	v7 =	vadd.f32 v11, v37  }
0xa4: {  	v9 =	vld [tilespmem:s26+$0x5280];
	v8 =	vmax.f32 v8, $0.0e+00  }
0xa5: {  	v32 =	vld [tilespmem:s26+$0x390];
	[tilespmem:s26+$0x5230] =	vst v8;
	v8 =	vadd.f32 v12, v61;
	v7 =	vmax.f32 v7, $0.0e+00  }
0xa6: {  	v10 =	vld [tilespmem:s26+$0x5290];
	[tilespmem:s26+$0x5240] =	vst v7;
	v7 =	vadd.f32 v13, v38  }
0xa7: {  	v11 =	vld [tilespmem:s26+$0x52A0];
	v8 =	vmax.f32 v8, $0.0e+00  }
0xa8: {  	v6 =	vld [tilespmem:s26+$0x3A0];
	[tilespmem:s26+$0x5250] =	vst v8;
	v8 =	vadd.f32 v14, v62;
	v7 =	vmax.f32 v7, $0.0e+00  }
0xa9: {  	v12 =	vld [tilespmem:s26+$0x52B0];
	[tilespmem:s26+$0x5260] =	vst v7;
	v7 =	vadd.f32 v15, v9  }
0xaa: {  	v13 =	vld [tilespmem:s26+$0x52C0];
	v8 =	vmax.f32 v8, $0.0e+00  }
0xab: {  	v5 =	vld [tilespmem:s26+$0x3B0];
	[tilespmem:s26+$0x5270] =	vst v8;
	v8 =	vadd.f32 v16, v10;
	v7 =	vmax.f32 v7, $0.0e+00  }
0xac: {  	v14 =	vld [tilespmem:s26+$0x52D0];
	[tilespmem:s26+$0x5280] =	vst v7;
	v7 =	vadd.f32 v17, v11  }
0xad: {  	v9 =	vld [tilespmem:s26+$0x52E0];
	v8 =	vmax.f32 v8, $0.0e+00  }
0xae: {  	v4 =	vld [tilespmem:s26+$0x3C0];
	[tilespmem:s26+$0x5290] =	vst v8;
	v8 =	vadd.f32 v18, v12;
	v7 =	vmax.f32 v7, $0.0e+00  }
0xaf: {  	v10 =	vld [tilespmem:s26+$0x52F0];
	[tilespmem:s26+$0x52A0] =	vst v7;
	v7 =	vadd.f32 v19, v13  }
0xb0: {  	v11 =	vld [tilespmem:s26+$0x5300];
	v8 =	vmax.f32 v8, $0.0e+00  }
0xb1: {  	v3 =	vld [tilespmem:s26+$0x3D0];
	[tilespmem:s26+$0x52B0] =	vst v8;
	v8 =	vadd.f32 v20, v14;
	v7 =	vmax.f32 v7, $0.0e+00  }
0xb2: {  	v12 =	vld [tilespmem:s26+$0x5310];
	[tilespmem:s26+$0x52C0] =	vst v7;
	v7 =	vadd.f32 v21, v9  }
0xb3: {  	v13 =	vld [tilespmem:s26+$0x5320];
	v8 =	vmax.f32 v8, $0.0e+00  }
0xb4: {  	v2 =	vld [tilespmem:s26+$0x3E0];
	[tilespmem:s26+$0x52D0] =	vst v8;
	v8 =	vadd.f32 v22, v10;
	v7 =	vmax.f32 v7, $0.0e+00  }
0xb5: {  	v14 =	vld [tilespmem:s26+$0x5330];
	[tilespmem:s26+$0x52E0] =	vst v7;
	v7 =	vadd.f32 v23, v11  }
0xb6: {  	v9 =	vld [tilespmem:s26+$0x5340];
	v8 =	vmax.f32 v8, $0.0e+00  }
0xb7: {  	v1 =	vld [tilespmem:s26+$0x3F0];
	[tilespmem:s26+$0x52F0] =	vst v8;
	v8 =	vadd.f32 v24, v12;
	v7 =	vmax.f32 v7, $0.0e+00  }
0xb8: {  	v10 =	vld [tilespmem:s26+$0x5350];
	[tilespmem:s26+$0x5300] =	vst v7;
	v7 =	vadd.f32 v25, v13  }
0xb9: {  	v15 =	vld [tilespmem:s26+$0x5360];
	v8 =	vmax.f32 v8, $0.0e+00  }
0xba: {  	v12 =	vld [tilespmem:s26+$0x5370];
	[tilespmem:s26+$0x5310] =	vst v8;
	v8 =	vadd.f32 v26, v14;
	v7 =	vmax.f32 v7, $0.0e+00  }
0xbb: {  	v13 =	vld [tilespmem:s26+$0x5380];
	[tilespmem:s26+$0x5320] =	vst v7;
	v7 =	vadd.f32 v27, v9  }
0xbc: {  	v63 =	vld [tilespmem:s26+$0x5390];
	v8 =	vmax.f32 v8, $0.0e+00  }
0xbd: {  	v11 =	vld [tilespmem:s26+$0x53A0];
	[tilespmem:s26+$0x5330] =	vst v8;
	v8 =	vadd.f32 v28, v10;
	v7 =	vmax.f32 v7, $0.0e+00  }
0xbe: {  	v10 =	vld [tilespmem:s26+$0x53B0];
	[tilespmem:s26+$0x5340] =	vst v7;
	v7 =	vadd.f32 v29, v15  }
0xbf: {  	v12 =	vadd.f32 v30, v12;
	v9 =	vld [tilespmem:s26+$0x53C0];
	v8 =	vmax.f32 v8, $0.0e+00  }
0xc0: {  	v13 =	vadd.f32 v31, v13;
	[tilespmem:s26+$0x5350] =	vst v8;
	v8 =	vld [tilespmem:s26+$0x53D0];
	v7 =	vmax.f32 v7, $0.0e+00  }
0xc1: {  	s8 =	simm.s32 $0x800;
	v14 =	vmax.f32 v12, $0.0e+00;
	v12 =	vadd.f32 v32, v63;
	[tilespmem:s26+$0x5360] =	vst v7;
	v7 =	vld [tilespmem:s26+$0x53E0]  }
.LBB2_4:
0xc2: {  	s25 =	sshra.s32 s8, $0x2;
	p1 =	sne.s32 s8, $0x9800;
	[tilespmem:s26+$0x5370] =	vst v14;
	v13 =	vmax.f32 v13, $0.0e+00;
	v6 =	vadd.f32 v6, v11;
	v11 =	vld [tilespmem:s26+$0x53F0]  }
0xc3: {  	v14 =	vld [tilespmem:s25+$0x200];
	[tilespmem:s26+$0x5380] =	vst v13;
	v12 =	vmax.f32 v12, $0.0e+00;
	v5 =	vadd.f32 v5, v10  }
0xc4: {  	v13 =	vld [tilespmem:s25+$0x210];
	[tilespmem:s26+$0x5390] =	vst v12;
	v6 =	vmax.f32 v6, $0.0e+00;
	v4 =	vadd.f32 v4, v9  }
0xc5: {  	v15 =	vld [tilespmem:s25+$0x220];
	[tilespmem:s26+$0x53A0] =	vst v6;
	v5 =	vmax.f32 v5, $0.0e+00;
	v3 =	vadd.f32 v3, v8  }
0xc6: {  	v16 =	vld [tilespmem:s25+$0x230];
	[tilespmem:s26+$0x53B0] =	vst v5;
	v4 =	vmax.f32 v4, $0.0e+00;
	v2 =	vadd.f32 v2, v7  }
0xc7: {  	v17 =	vld [tilespmem:s25+$0x240];
	[tilespmem:s26+$0x53C0] =	vst v4;
	v3 =	vmax.f32 v3, $0.0e+00;
	v1 =	vadd.f32 v1, v11  }
0xc8: {  	v18 =	vld [tilespmem:s25+$0x250];
	[tilespmem:s26+$0x53D0] =	vst v3;
	v2 =	vmax.f32 v2, $0.0e+00  }
0xc9: {  	v19 =	vld [tilespmem:s25+$0x260];
	[tilespmem:s26+$0x53E0] =	vst v2;
	v1 =	vmax.f32 v1, $0.0e+00  }
0xca: {  	v20 =	vld [tilespmem:s25+$0x270];
	[tilespmem:s26+$0x53F0] =	vst v1;
	s26 =	smov.u32 s25  }
0xcb: {  	v21 =	vld [tilespmem:s26+$0x280]  }
0xcc: {  	v22 =	vld [tilespmem:s26+$0x290]  }
0xcd: {  	v23 =	vld [tilespmem:s26+$0x2A0]  }
0xce: {  	v24 =	vld [tilespmem:s26+$0x2B0]  }
0xcf: {  	v25 =	vld [tilespmem:s26+$0x2C0]  }
0xd0: {  	v26 =	vld [tilespmem:s26+$0x2D0]  }
0xd1: {  	v27 =	vld [tilespmem:s26+$0x2E0]  }
0xd2: {  	v28 =	vld [tilespmem:s26+$0x2F0]  }
0xd3: {  	v29 =	vld [tilespmem:s26+$0x300]  }
0xd4: {  	v30 =	vld [tilespmem:s26+$0x310]  }
0xd5: {  	v31 =	vld [tilespmem:s26+$0x320]  }
0xd6: {  	v32 =	vld [tilespmem:s26+$0x330]  }
0xd7: {  	v12 =	vld [tilespmem:s26+$0x340]  }
0xd8: {  	v11 =	vld [tilespmem:s26+$0x350]  }
0xd9: {  	v10 =	vld [tilespmem:s26+$0x360]  }
0xda: {  	v9 =	vld [tilespmem:s26+$0x370]  }
0xdb: {  	v8 =	vld [tilespmem:s26+$0x380]  }
0xdc: {  	v7 =	vld [tilespmem:s26+$0x390]  }
0xdd: {  	v6 =	vld [tilespmem:s26+$0x3A0]  }
0xde: {  	v5 =	vld [tilespmem:s26+$0x3B0]  }
0xdf: {  	v4 =	vld [tilespmem:s26+$0x3C0]  }
0xe0: {  	v3 =	vld [tilespmem:s26+$0x3D0]  }
0xe1: {  	v2 =	vld [tilespmem:s26+$0x3E0]  }
0xe2: {  	v1 =	vld [tilespmem:s26+$0x3F0]  }
0xe3: {  	v33 =	vld [tilespmem:s26+$0x5200]  }
0xe4: {  	v34 =	vld [tilespmem:s26+$0x5210]  }
0xe5: {  	v35 =	vld [tilespmem:s26+$0x5220]  }
0xe6: {  	v36 =	vld [tilespmem:s26+$0x5230]  }
0xe7: {  	v37 =	vld [tilespmem:s26+$0x5240]  }
0xe8: {  	v14 =	vadd.f32 v14, v33;
	v33 =	vld [tilespmem:s26+$0x5250]  }
0xe9: {  	v13 =	vadd.f32 v13, v34;
	v34 =	vld [tilespmem:s26+$0x5260]  }
0xea: {  	v14 =	vmax.f32 v14, $0.0e+00;
	v15 =	vadd.f32 v15, v35;
	v35 =	vld [tilespmem:s26+$0x5270]  }
0xeb: {  	[tilespmem:s26+$0x5200] =	vst v14;
	v13 =	vmax.f32 v13, $0.0e+00;
	v14 =	vadd.f32 v16, v36;
	v16 =	vld [tilespmem:s26+$0x5280]  }
0xec: {  	[tilespmem:s26+$0x5210] =	vst v13;
	v13 =	vmax.f32 v15, $0.0e+00;
	v15 =	vadd.f32 v17, v37;
	v17 =	vld [tilespmem:s26+$0x5290]  }
0xed: {  	[tilespmem:s26+$0x5220] =	vst v13;
	v13 =	vmax.f32 v14, $0.0e+00;
	v14 =	vadd.f32 v18, v33;
	v18 =	vld [tilespmem:s26+$0x52A0]  }
0xee: {  	[tilespmem:s26+$0x5230] =	vst v13;
	v13 =	vmax.f32 v15, $0.0e+00;
	v15 =	vadd.f32 v19, v34;
	v19 =	vld [tilespmem:s26+$0x52B0]  }
0xef: {  	[tilespmem:s26+$0x5240] =	vst v13;
	v13 =	vmax.f32 v14, $0.0e+00;
	v14 =	vadd.f32 v20, v35;
	v20 =	vld [tilespmem:s26+$0x52C0]  }
0xf0: {  	[tilespmem:s26+$0x5250] =	vst v13;
	v13 =	vmax.f32 v15, $0.0e+00;
	v15 =	vadd.f32 v21, v16;
	v16 =	vld [tilespmem:s26+$0x52D0]  }
0xf1: {  	[tilespmem:s26+$0x5260] =	vst v13;
	v13 =	vmax.f32 v14, $0.0e+00;
	v14 =	vadd.f32 v22, v17;
	v17 =	vld [tilespmem:s26+$0x52E0]  }
0xf2: {  	[tilespmem:s26+$0x5270] =	vst v13;
	v13 =	vmax.f32 v15, $0.0e+00;
	v15 =	vadd.f32 v23, v18;
	v18 =	vld [tilespmem:s26+$0x52F0]  }
0xf3: {  	[tilespmem:s26+$0x5280] =	vst v13;
	v13 =	vmax.f32 v14, $0.0e+00;
	v14 =	vadd.f32 v24, v19;
	v19 =	vld [tilespmem:s26+$0x5300]  }
0xf4: {  	[tilespmem:s26+$0x5290] =	vst v13;
	v13 =	vmax.f32 v15, $0.0e+00;
	v15 =	vadd.f32 v25, v20;
	v20 =	vld [tilespmem:s26+$0x5310]  }
0xf5: {  	[tilespmem:s26+$0x52A0] =	vst v13;
	v13 =	vmax.f32 v14, $0.0e+00;
	v14 =	vadd.f32 v26, v16;
	v16 =	vld [tilespmem:s26+$0x5320]  }
0xf6: {  	[tilespmem:s26+$0x52B0] =	vst v13;
	v13 =	vmax.f32 v15, $0.0e+00;
	v15 =	vadd.f32 v27, v17;
	v17 =	vld [tilespmem:s26+$0x5330]  }
0xf7: {  	[tilespmem:s26+$0x52C0] =	vst v13;
	v13 =	vmax.f32 v14, $0.0e+00;
	v14 =	vadd.f32 v28, v18;
	v18 =	vld [tilespmem:s26+$0x5340]  }
0xf8: {  	[tilespmem:s26+$0x52D0] =	vst v13;
	v13 =	vmax.f32 v15, $0.0e+00;
	v15 =	vadd.f32 v29, v19;
	v19 =	vld [tilespmem:s26+$0x5350]  }
0xf9: {  	[tilespmem:s26+$0x52E0] =	vst v13;
	v13 =	vmax.f32 v14, $0.0e+00;
	v14 =	vadd.f32 v30, v20;
	v20 =	vld [tilespmem:s26+$0x5360]  }
0xfa: {  	[tilespmem:s26+$0x52F0] =	vst v13;
	v13 =	vmax.f32 v15, $0.0e+00;
	v15 =	vadd.f32 v31, v16;
	v16 =	vld [tilespmem:s26+$0x5370]  }
0xfb: {  	[tilespmem:s26+$0x5300] =	vst v13;
	v13 =	vmax.f32 v14, $0.0e+00;
	v14 =	vadd.f32 v32, v17;
	v17 =	vld [tilespmem:s26+$0x5380]  }
0xfc: {  	[tilespmem:s26+$0x5310] =	vst v13;
	v13 =	vmax.f32 v15, $0.0e+00;
	v12 =	vadd.f32 v12, v18;
	v15 =	vld [tilespmem:s26+$0x5390]  }
.Ltmp3:
0xfd: {  	[tilespmem:s26+$0x5320] =	vst v13;
	v13 =	vmax.f32 v14, $0.0e+00;
	v14 =	vadd.f32 v11, v19;
	v11 =	vld [tilespmem:s26+$0x53A0];
	(pc) =	sbr.rel @p1 .LBB2_4-.Ltmp3, $4  }
0xfe: {  	[tilespmem:s26+$0x5330] =	vst v13;
	v12 =	vmax.f32 v12, $0.0e+00;
	v13 =	vadd.f32 v10, v20;
	v10 =	vld [tilespmem:s26+$0x53B0]  }
0xff: {  	[tilespmem:s26+$0x5340] =	vst v12;
	v12 =	vmax.f32 v14, $0.0e+00;
	v14 =	vadd.f32 v9, v16;
	v9 =	vld [tilespmem:s26+$0x53C0]  }
0x100: {  	[tilespmem:s26+$0x5350] =	vst v12;
	v12 =	vmax.f32 v13, $0.0e+00;
	v13 =	vadd.f32 v8, v17;
	v8 =	vld [tilespmem:s26+$0x53D0]  }
0x101: {  	s8 =	sadd.s32 $0x800, s8;
	[tilespmem:s26+$0x5360] =	vst v12;
	v14 =	vmax.f32 v14, $0.0e+00;
	v12 =	vadd.f32 v7, v15;
	v7 =	vld [tilespmem:s26+$0x53E0]  }
0x102: {  	[tilespmem:s26+$0x5370] =	vst v14;
	v13 =	vmax.f32 v13, $0.0e+00;
	v6 =	vadd.f32 v6, v11;
	v63 =	vld [tilespmem:s26+$0x53F0]  }
0x103: {  	[tilespmem:s26+$0x5380] =	vst v13;
	v12 =	vmax.f32 v12, $0.0e+00;
	v5 =	vadd.f32 v5, v10  }
0x104: {  	[tilespmem:s26+$0x5390] =	vst v12;
	v6 =	vmax.f32 v6, $0.0e+00;
	v4 =	vadd.f32 v4, v9  }
0x105: {  	[tilespmem:s26+$0x53A0] =	vst v6;
	v5 =	vmax.f32 v5, $0.0e+00;
	v3 =	vadd.f32 v3, v8  }
0x106: {  	[tilespmem:s26+$0x53B0] =	vst v5;
	v4 =	vmax.f32 v4, $0.0e+00;
	v2 =	vadd.f32 v2, v7  }
0x107: {  	[tilespmem:s26+$0x53C0] =	vst v4;
	v3 =	vmax.f32 v3, $0.0e+00;
	v1 =	vadd.f32 v1, v63  }
0x108: {  	[tilespmem:s26+$0x53D0] =	vst v3;
	v2 =	vmax.f32 v2, $0.0e+00  }
0x109: {  	[tilespmem:s26+$0x53E0] =	vst v2;
	v1 =	vmax.f32 v1, $0.0e+00  }
0x10a: {  	[tilespmem:s26+$0x53F0] =	vst v1  }
0x10b: {  	_ =	swait.ge [sflag:s16], $0x50  }
0x10c: {  	[sflag:s16] =	ssyncset.done $0x0  }
0x10d: {  	[sflag:s16] =	ssyncadd.s32 $0xFFFFFFB0  }
0x10e: {  	_ =	swait.ge [sflag:s17], $0x50  }
0x10f: {  	[sflag:s17] =	ssyncset.done $0x0  }
0x110: {  	[sflag:s17] =	ssyncadd.s32 $0xFFFFFFB0  }
0x111: {  	_ =	swait.ge [sflag:s18], $0x2800  }
0x112: {  	[sflag:s18] =	ssyncset.done $0x0  }
0x113: {  	[sflag:s18] =	ssyncadd.s32 $0xFFFFD800  }
0x114: {  	[tilespmem:s21], [sflag:$0x8] =	stream.indirect.gather [hbm4b:s1+s11], $0x80, s13, s11, $0xb8;
	[tilespmem:$0x1DA80] =	vst v63  }
0x115: {  	s28 =	simm.s32 $0x0;
	s26 =	simm.s32 $0x0  }
0x116: {  	[spmem:s2] =	stream.indirect.scatter.add.f32 [tilespmem:s12], [sflag:$0x9], $0x80, s0, s11, $0xb8;
	[tilespmem:$0x1DA80] =	vst v63  }
.LBB2_6:
0x117: {  	s29 =	smul.u32 $0xA0, s28;
	_ =	sdelay $0x1  }
0x118: {  	_ =	swait.ge [sflag:s22], $0x2800;
	s8 =	sadd.s32 s29, s19  }
0x119: {  	[sflag:s22] =	ssyncset.done $0x0;
	s25 =	sshrl.u32 s8, $0x3  }
0x11a: {  	[sflag:s22] =	ssyncadd.s32 $0xFFFFD800;
	s31 =	sadd.s32 s5, s25  }
0x11b: {  	[tilespmem:s26], [sflag:$0x1] =	stream.linear.gather [hbm4b:s31+s26], $0x50, $0x38;
	[tilespmem:$0x1DA80] =	vst v63  }
0x11c: {  	s8 =	sshll.u32 s8, $0x4;
	s25 =	sadd.s32 s6, s25  }
0x11d: {  	[tilespmem:s0], [sflag:$0x3] =	stream.linear.gather [hbm4b:s25+s26], $0x50, $0x38;
	[tilespmem:$0x1DA80] =	vst v63  }
0x11e: {  	s8 =	sadd.s32 s7, s8  }
0x11f: {  	[tilespmem:s30], [sflag:$0x5] =	stream.linear.gather [hbm4b:s8+s26], $0x2800, $0x38;
	[tilespmem:$0x1DA80] =	vst v63  }
0x120: {  	_ =	swait.ge [sflag:s23], $0x2800  }
0x121: {  	[sflag:s23] =	ssyncset.done $0x0  }
0x122: {  	s8 =	simm.s32 $0x0;
	[sflag:s23] =	ssyncadd.s32 $0xFFFFD800  }
0x123: {  	v7 =	vld [tilespmem:s8+$0x2A00]  }
0x124: {  	v8 =	vld [tilespmem:s8+$0x2A10]  }
0x125: {  	v9 =	vld [tilespmem:s8+$0x2A20]  }
0x126: {  	v10 =	vld [tilespmem:s8+$0x2A30]  }
0x127: {  	v11 =	vld [tilespmem:s8+$0x2A40]  }
0x128: {  	v12 =	vld [tilespmem:s8+$0x2A50]  }
0x129: {  	v13 =	vld [tilespmem:s8+$0x2A60]  }
0x12a: {  	v14 =	vld [tilespmem:s8+$0x2A70]  }
0x12b: {  	v15 =	vld [tilespmem:s8+$0x2A80]  }
0x12c: {  	v16 =	vld [tilespmem:s8+$0x2A90]  }
0x12d: {  	v17 =	vld [tilespmem:s8+$0x2AA0]  }
0x12e: {  	v18 =	vld [tilespmem:s8+$0x2AB0]  }
0x12f: {  	v19 =	vld [tilespmem:s8+$0x2AC0]  }
0x130: {  	v20 =	vld [tilespmem:s8+$0x2AD0]  }
0x131: {  	v21 =	vld [tilespmem:s8+$0x2AE0]  }
0x132: {  	v22 =	vld [tilespmem:s8+$0x2AF0]  }
0x133: {  	v23 =	vld [tilespmem:s8+$0x2B00]  }
0x134: {  	v24 =	vld [tilespmem:s8+$0x2B10]  }
0x135: {  	v25 =	vld [tilespmem:s8+$0x2B20]  }
0x136: {  	v26 =	vld [tilespmem:s8+$0x2B30]  }
0x137: {  	v27 =	vld [tilespmem:s8+$0x2B40]  }
0x138: {  	v33 =	vld [tilespmem:s8+$0x7A00]  }
0x139: {  	v28 =	vld [tilespmem:s8+$0x2B50]  }
0x13a: {  	v34 =	vld [tilespmem:s8+$0x7A10]  }
0x13b: {  	v35 =	vld [tilespmem:s8+$0x7A20]  }
0x13c: {  	v29 =	vld [tilespmem:s8+$0x2B60]  }
0x13d: {  	v36 =	vld [tilespmem:s8+$0x7A30];
	v7 =	vadd.f32 v7, v33  }
0x13e: {  	v37 =	vld [tilespmem:s8+$0x7A40]  }
0x13f: {  	v30 =	vld [tilespmem:s8+$0x2B70];
	v8 =	vadd.f32 v8, v34;
	v7 =	vmax.f32 v7, $0.0e+00  }
0x140: {  	v61 =	vld [tilespmem:s8+$0x7A50];
	[tilespmem:s8+$0x7A00] =	vst v7;
	v7 =	vadd.f32 v9, v35  }
0x141: {  	v38 =	vld [tilespmem:s8+$0x7A60];
	v8 =	vmax.f32 v8, $0.0e+00  }
0x142: {  	v31 =	vld [tilespmem:s8+$0x2B80];
	[tilespmem:s8+$0x7A10] =	vst v8;
	v8 =	vadd.f32 v10, v36;
	v7 =	vmax.f32 v7, $0.0e+00  }
0x143: {  	v62 =	vld [tilespmem:s8+$0x7A70];
	[tilespmem:s8+$0x7A20] =	vst v7;
	v7 =	vadd.f32 v11, v37  }
0x144: {  	v9 =	vld [tilespmem:s8+$0x7A80];
	v8 =	vmax.f32 v8, $0.0e+00  }
0x145: {  	v32 =	vld [tilespmem:s8+$0x2B90];
	[tilespmem:s8+$0x7A30] =	vst v8;
	v8 =	vadd.f32 v12, v61;
	v7 =	vmax.f32 v7, $0.0e+00  }
0x146: {  	v10 =	vld [tilespmem:s8+$0x7A90];
	[tilespmem:s8+$0x7A40] =	vst v7;
	v7 =	vadd.f32 v13, v38  }
0x147: {  	v11 =	vld [tilespmem:s8+$0x7AA0];
	v8 =	vmax.f32 v8, $0.0e+00  }
0x148: {  	v6 =	vld [tilespmem:s8+$0x2BA0];
	[tilespmem:s8+$0x7A50] =	vst v8;
	v8 =	vadd.f32 v14, v62;
	v7 =	vmax.f32 v7, $0.0e+00  }
0x149: {  	v12 =	vld [tilespmem:s8+$0x7AB0];
	[tilespmem:s8+$0x7A60] =	vst v7;
	v7 =	vadd.f32 v15, v9  }
0x14a: {  	v13 =	vld [tilespmem:s8+$0x7AC0];
	v8 =	vmax.f32 v8, $0.0e+00  }
0x14b: {  	v5 =	vld [tilespmem:s8+$0x2BB0];
	[tilespmem:s8+$0x7A70] =	vst v8;
	v8 =	vadd.f32 v16, v10;
	v7 =	vmax.f32 v7, $0.0e+00  }
0x14c: {  	v14 =	vld [tilespmem:s8+$0x7AD0];
	[tilespmem:s8+$0x7A80] =	vst v7;
	v7 =	vadd.f32 v17, v11  }
0x14d: {  	v9 =	vld [tilespmem:s8+$0x7AE0];
	v8 =	vmax.f32 v8, $0.0e+00  }
0x14e: {  	v4 =	vld [tilespmem:s8+$0x2BC0];
	[tilespmem:s8+$0x7A90] =	vst v8;
	v8 =	vadd.f32 v18, v12;
	v7 =	vmax.f32 v7, $0.0e+00  }
0x14f: {  	v10 =	vld [tilespmem:s8+$0x7AF0];
	[tilespmem:s8+$0x7AA0] =	vst v7;
	v7 =	vadd.f32 v19, v13  }
0x150: {  	v11 =	vld [tilespmem:s8+$0x7B00];
	v8 =	vmax.f32 v8, $0.0e+00  }
0x151: {  	v3 =	vld [tilespmem:s8+$0x2BD0];
	[tilespmem:s8+$0x7AB0] =	vst v8;
	v8 =	vadd.f32 v20, v14;
	v7 =	vmax.f32 v7, $0.0e+00  }
0x152: {  	v12 =	vld [tilespmem:s8+$0x7B10];
	[tilespmem:s8+$0x7AC0] =	vst v7;
	v7 =	vadd.f32 v21, v9  }
0x153: {  	v13 =	vld [tilespmem:s8+$0x7B20];
	v8 =	vmax.f32 v8, $0.0e+00  }
0x154: {  	v2 =	vld [tilespmem:s8+$0x2BE0];
	[tilespmem:s8+$0x7AD0] =	vst v8;
	v8 =	vadd.f32 v22, v10;
	v7 =	vmax.f32 v7, $0.0e+00  }
0x155: {  	v14 =	vld [tilespmem:s8+$0x7B30];
	[tilespmem:s8+$0x7AE0] =	vst v7;
	v7 =	vadd.f32 v23, v11  }
0x156: {  	v9 =	vld [tilespmem:s8+$0x7B40];
	v8 =	vmax.f32 v8, $0.0e+00  }
0x157: {  	v1 =	vld [tilespmem:s8+$0x2BF0];
	[tilespmem:s8+$0x7AF0] =	vst v8;
	v8 =	vadd.f32 v24, v12;
	v7 =	vmax.f32 v7, $0.0e+00  }
0x158: {  	v10 =	vld [tilespmem:s8+$0x7B50];
	[tilespmem:s8+$0x7B00] =	vst v7;
	v7 =	vadd.f32 v25, v13  }
0x159: {  	v15 =	vld [tilespmem:s8+$0x7B60];
	v8 =	vmax.f32 v8, $0.0e+00  }
0x15a: {  	v12 =	vld [tilespmem:s8+$0x7B70];
	[tilespmem:s8+$0x7B10] =	vst v8;
	v8 =	vadd.f32 v26, v14;
	v7 =	vmax.f32 v7, $0.0e+00  }
0x15b: {  	v13 =	vld [tilespmem:s8+$0x7B80];
	[tilespmem:s8+$0x7B20] =	vst v7;
	v7 =	vadd.f32 v27, v9  }
0x15c: {  	v63 =	vld [tilespmem:s8+$0x7B90];
	v8 =	vmax.f32 v8, $0.0e+00  }
0x15d: {  	v11 =	vld [tilespmem:s8+$0x7BA0];
	[tilespmem:s8+$0x7B30] =	vst v8;
	v8 =	vadd.f32 v28, v10;
	v7 =	vmax.f32 v7, $0.0e+00  }
0x15e: {  	v10 =	vld [tilespmem:s8+$0x7BB0];
	[tilespmem:s8+$0x7B40] =	vst v7;
	v7 =	vadd.f32 v29, v15  }
0x15f: {  	v12 =	vadd.f32 v30, v12;
	v9 =	vld [tilespmem:s8+$0x7BC0];
	v8 =	vmax.f32 v8, $0.0e+00  }
0x160: {  	v13 =	vadd.f32 v31, v13;
	[tilespmem:s8+$0x7B50] =	vst v8;
	v8 =	vld [tilespmem:s8+$0x7BD0];
	v7 =	vmax.f32 v7, $0.0e+00  }
0x161: {  	s25 =	simm.s32 $0x800;
	v14 =	vmax.f32 v12, $0.0e+00;
	v12 =	vadd.f32 v32, v63;
	[tilespmem:s8+$0x7B60] =	vst v7;
	v7 =	vld [tilespmem:s8+$0x7BE0]  }
.LBB2_7:
0x162: {  	s31 =	sshra.s32 s25, $0x2;
	p1 =	sne.s32 s25, $0x9800;
	[tilespmem:s8+$0x7B70] =	vst v14;
	v13 =	vmax.f32 v13, $0.0e+00;
	v6 =	vadd.f32 v6, v11;
	v11 =	vld [tilespmem:s8+$0x7BF0]  }
0x163: {  	v14 =	vld [tilespmem:s31+$0x2A00];
	[tilespmem:s8+$0x7B80] =	vst v13;
	v12 =	vmax.f32 v12, $0.0e+00;
	v5 =	vadd.f32 v5, v10  }
0x164: {  	v13 =	vld [tilespmem:s31+$0x2A10];
	[tilespmem:s8+$0x7B90] =	vst v12;
	v6 =	vmax.f32 v6, $0.0e+00;
	v4 =	vadd.f32 v4, v9  }
0x165: {  	v15 =	vld [tilespmem:s31+$0x2A20];
	[tilespmem:s8+$0x7BA0] =	vst v6;
	v5 =	vmax.f32 v5, $0.0e+00;
	v3 =	vadd.f32 v3, v8  }
0x166: {  	v16 =	vld [tilespmem:s31+$0x2A30];
	[tilespmem:s8+$0x7BB0] =	vst v5;
	v4 =	vmax.f32 v4, $0.0e+00;
	v2 =	vadd.f32 v2, v7  }
0x167: {  	v17 =	vld [tilespmem:s31+$0x2A40];
	[tilespmem:s8+$0x7BC0] =	vst v4;
	v3 =	vmax.f32 v3, $0.0e+00;
	v1 =	vadd.f32 v1, v11  }
0x168: {  	v18 =	vld [tilespmem:s31+$0x2A50];
	[tilespmem:s8+$0x7BD0] =	vst v3;
	v2 =	vmax.f32 v2, $0.0e+00  }
0x169: {  	v19 =	vld [tilespmem:s31+$0x2A60];
	[tilespmem:s8+$0x7BE0] =	vst v2;
	v1 =	vmax.f32 v1, $0.0e+00  }
0x16a: {  	v20 =	vld [tilespmem:s31+$0x2A70];
	[tilespmem:s8+$0x7BF0] =	vst v1;
	s8 =	smov.u32 s31  }
0x16b: {  	v21 =	vld [tilespmem:s8+$0x2A80]  }
0x16c: {  	v22 =	vld [tilespmem:s8+$0x2A90]  }
0x16d: {  	v23 =	vld [tilespmem:s8+$0x2AA0]  }
0x16e: {  	v24 =	vld [tilespmem:s8+$0x2AB0]  }
0x16f: {  	v25 =	vld [tilespmem:s8+$0x2AC0]  }
0x170: {  	v26 =	vld [tilespmem:s8+$0x2AD0]  }
0x171: {  	v27 =	vld [tilespmem:s8+$0x2AE0]  }
0x172: {  	v28 =	vld [tilespmem:s8+$0x2AF0]  }
0x173: {  	v29 =	vld [tilespmem:s8+$0x2B00]  }
0x174: {  	v30 =	vld [tilespmem:s8+$0x2B10]  }
0x175: {  	v31 =	vld [tilespmem:s8+$0x2B20]  }
0x176: {  	v32 =	vld [tilespmem:s8+$0x2B30]  }
0x177: {  	v12 =	vld [tilespmem:s8+$0x2B40]  }
0x178: {  	v11 =	vld [tilespmem:s8+$0x2B50]  }
0x179: {  	v10 =	vld [tilespmem:s8+$0x2B60]  }
0x17a: {  	v9 =	vld [tilespmem:s8+$0x2B70]  }
0x17b: {  	v8 =	vld [tilespmem:s8+$0x2B80]  }
0x17c: {  	v7 =	vld [tilespmem:s8+$0x2B90]  }
0x17d: {  	v6 =	vld [tilespmem:s8+$0x2BA0]  }
0x17e: {  	v5 =	vld [tilespmem:s8+$0x2BB0]  }
0x17f: {  	v4 =	vld [tilespmem:s8+$0x2BC0]  }
0x180: {  	v3 =	vld [tilespmem:s8+$0x2BD0]  }
0x181: {  	v2 =	vld [tilespmem:s8+$0x2BE0]  }
0x182: {  	v1 =	vld [tilespmem:s8+$0x2BF0]  }
0x183: {  	v33 =	vld [tilespmem:s8+$0x7A00]  }
0x184: {  	v34 =	vld [tilespmem:s8+$0x7A10]  }
0x185: {  	v35 =	vld [tilespmem:s8+$0x7A20]  }
0x186: {  	v36 =	vld [tilespmem:s8+$0x7A30]  }
0x187: {  	v37 =	vld [tilespmem:s8+$0x7A40]  }
0x188: {  	v14 =	vadd.f32 v14, v33;
	v33 =	vld [tilespmem:s8+$0x7A50]  }
0x189: {  	v13 =	vadd.f32 v13, v34;
	v34 =	vld [tilespmem:s8+$0x7A60]  }
0x18a: {  	v14 =	vmax.f32 v14, $0.0e+00;
	v15 =	vadd.f32 v15, v35;
	v35 =	vld [tilespmem:s8+$0x7A70]  }
0x18b: {  	[tilespmem:s8+$0x7A00] =	vst v14;
	v13 =	vmax.f32 v13, $0.0e+00;
	v14 =	vadd.f32 v16, v36;
	v16 =	vld [tilespmem:s8+$0x7A80]  }
0x18c: {  	[tilespmem:s8+$0x7A10] =	vst v13;
	v13 =	vmax.f32 v15, $0.0e+00;
	v15 =	vadd.f32 v17, v37;
	v17 =	vld [tilespmem:s8+$0x7A90]  }
0x18d: {  	[tilespmem:s8+$0x7A20] =	vst v13;
	v13 =	vmax.f32 v14, $0.0e+00;
	v14 =	vadd.f32 v18, v33;
	v18 =	vld [tilespmem:s8+$0x7AA0]  }
0x18e: {  	[tilespmem:s8+$0x7A30] =	vst v13;
	v13 =	vmax.f32 v15, $0.0e+00;
	v15 =	vadd.f32 v19, v34;
	v19 =	vld [tilespmem:s8+$0x7AB0]  }
0x18f: {  	[tilespmem:s8+$0x7A40] =	vst v13;
	v13 =	vmax.f32 v14, $0.0e+00;
	v14 =	vadd.f32 v20, v35;
	v20 =	vld [tilespmem:s8+$0x7AC0]  }
0x190: {  	[tilespmem:s8+$0x7A50] =	vst v13;
	v13 =	vmax.f32 v15, $0.0e+00;
	v15 =	vadd.f32 v21, v16;
	v16 =	vld [tilespmem:s8+$0x7AD0]  }
0x191: {  	[tilespmem:s8+$0x7A60] =	vst v13;
	v13 =	vmax.f32 v14, $0.0e+00;
	v14 =	vadd.f32 v22, v17;
	v17 =	vld [tilespmem:s8+$0x7AE0]  }
0x192: {  	[tilespmem:s8+$0x7A70] =	vst v13;
	v13 =	vmax.f32 v15, $0.0e+00;
	v15 =	vadd.f32 v23, v18;
	v18 =	vld [tilespmem:s8+$0x7AF0]  }
0x193: {  	[tilespmem:s8+$0x7A80] =	vst v13;
	v13 =	vmax.f32 v14, $0.0e+00;
	v14 =	vadd.f32 v24, v19;
	v19 =	vld [tilespmem:s8+$0x7B00]  }
0x194: {  	[tilespmem:s8+$0x7A90] =	vst v13;
	v13 =	vmax.f32 v15, $0.0e+00;
	v15 =	vadd.f32 v25, v20;
	v20 =	vld [tilespmem:s8+$0x7B10]  }
0x195: {  	[tilespmem:s8+$0x7AA0] =	vst v13;
	v13 =	vmax.f32 v14, $0.0e+00;
	v14 =	vadd.f32 v26, v16;
	v16 =	vld [tilespmem:s8+$0x7B20]  }
0x196: {  	[tilespmem:s8+$0x7AB0] =	vst v13;
	v13 =	vmax.f32 v15, $0.0e+00;
	v15 =	vadd.f32 v27, v17;
	v17 =	vld [tilespmem:s8+$0x7B30]  }
0x197: {  	[tilespmem:s8+$0x7AC0] =	vst v13;
	v13 =	vmax.f32 v14, $0.0e+00;
	v14 =	vadd.f32 v28, v18;
	v18 =	vld [tilespmem:s8+$0x7B40]  }
0x198: {  	[tilespmem:s8+$0x7AD0] =	vst v13;
	v13 =	vmax.f32 v15, $0.0e+00;
	v15 =	vadd.f32 v29, v19;
	v19 =	vld [tilespmem:s8+$0x7B50]  }
0x199: {  	[tilespmem:s8+$0x7AE0] =	vst v13;
	v13 =	vmax.f32 v14, $0.0e+00;
	v14 =	vadd.f32 v30, v20;
	v20 =	vld [tilespmem:s8+$0x7B60]  }
0x19a: {  	[tilespmem:s8+$0x7AF0] =	vst v13;
	v13 =	vmax.f32 v15, $0.0e+00;
	v15 =	vadd.f32 v31, v16;
	v16 =	vld [tilespmem:s8+$0x7B70]  }
0x19b: {  	[tilespmem:s8+$0x7B00] =	vst v13;
	v13 =	vmax.f32 v14, $0.0e+00;
	v14 =	vadd.f32 v32, v17;
	v17 =	vld [tilespmem:s8+$0x7B80]  }
0x19c: {  	[tilespmem:s8+$0x7B10] =	vst v13;
	v13 =	vmax.f32 v15, $0.0e+00;
	v12 =	vadd.f32 v12, v18;
	v15 =	vld [tilespmem:s8+$0x7B90]  }
.Ltmp4:
0x19d: {  	[tilespmem:s8+$0x7B20] =	vst v13;
	v13 =	vmax.f32 v14, $0.0e+00;
	v14 =	vadd.f32 v11, v19;
	v11 =	vld [tilespmem:s8+$0x7BA0];
	(pc) =	sbr.rel @p1 .LBB2_7-.Ltmp4, $4  }
0x19e: {  	[tilespmem:s8+$0x7B30] =	vst v13;
	v12 =	vmax.f32 v12, $0.0e+00;
	v13 =	vadd.f32 v10, v20;
	v10 =	vld [tilespmem:s8+$0x7BB0]  }
0x19f: {  	[tilespmem:s8+$0x7B40] =	vst v12;
	v12 =	vmax.f32 v14, $0.0e+00;
	v14 =	vadd.f32 v9, v16;
	v9 =	vld [tilespmem:s8+$0x7BC0]  }
0x1a0: {  	[tilespmem:s8+$0x7B50] =	vst v12;
	v12 =	vmax.f32 v13, $0.0e+00;
	v13 =	vadd.f32 v8, v17;
	v8 =	vld [tilespmem:s8+$0x7BD0]  }
0x1a1: {  	s25 =	sadd.s32 $0x800, s25;
	[tilespmem:s8+$0x7B60] =	vst v12;
	v14 =	vmax.f32 v14, $0.0e+00;
	v12 =	vadd.f32 v7, v15;
	v7 =	vld [tilespmem:s8+$0x7BE0]  }
0x1a2: {  	[tilespmem:s8+$0x7B70] =	vst v14;
	v13 =	vmax.f32 v13, $0.0e+00;
	v6 =	vadd.f32 v6, v11;
	v11 =	vld [tilespmem:s8+$0x7BF0]  }
0x1a3: {  	[tilespmem:s8+$0x7B80] =	vst v13;
	v12 =	vmax.f32 v12, $0.0e+00;
	v5 =	vadd.f32 v5, v10  }
0x1a4: {  	[tilespmem:s8+$0x7B90] =	vst v12;
	v6 =	vmax.f32 v6, $0.0e+00;
	v4 =	vadd.f32 v4, v9  }
0x1a5: {  	[tilespmem:s8+$0x7BA0] =	vst v6;
	v5 =	vmax.f32 v5, $0.0e+00;
	v3 =	vadd.f32 v3, v8  }
0x1a6: {  	[tilespmem:s8+$0x7BB0] =	vst v5;
	v4 =	vmax.f32 v4, $0.0e+00;
	v2 =	vadd.f32 v2, v7  }
0x1a7: {  	[tilespmem:s8+$0x7BC0] =	vst v4;
	v3 =	vmax.f32 v3, $0.0e+00;
	v1 =	vadd.f32 v1, v11  }
0x1a8: {  	[tilespmem:s8+$0x7BD0] =	vst v3;
	v2 =	vmax.f32 v2, $0.0e+00  }
0x1a9: {  	[tilespmem:s8+$0x7BE0] =	vst v2;
	v1 =	vmax.f32 v1, $0.0e+00  }
0x1aa: {  	[tilespmem:s8+$0x7BF0] =	vst v1  }
0x1ab: {  	_ =	swait.ge [sflag:s4], $0x50  }
0x1ac: {  	[sflag:s4] =	ssyncset.done $0x0  }
0x1ad: {  	[sflag:s4] =	ssyncadd.s32 $0xFFFFFFB0  }
0x1ae: {  	_ =	swait.ge [sflag:s9], $0x50  }
0x1af: {  	[sflag:s9] =	ssyncset.done $0x0  }
0x1b0: {  	[sflag:s9] =	ssyncadd.s32 $0xFFFFFFB0  }
0x1b1: {  	_ =	swait.ge [sflag:s10], $0x2800  }
0x1b2: {  	[sflag:s10] =	ssyncset.done $0x0  }
0x1b3: {  	s3 =	simm.s32 $0x0;
	[sflag:s10] =	ssyncadd.s32 $0xFFFFD800  }
0x1b4: {  	[tilespmem:s12], [sflag:$0x7] =	stream.indirect.gather [hbm4b:s1+s11], $0x80, s3, s11, $0xb8;
	[tilespmem:$0x1DA80] =	vst v63  }
0x1b5: {  	p1 =	seq.s32 s28, $0x3D  }
0x1b6: {  	[spmem:s2] =	stream.indirect.scatter.add.f32 [tilespmem:s21], [sflag:$0xA], $0x80, s14, s11, $0xb8;
	[tilespmem:$0x1DA80] =	vst v63  }
0x1b7: {  	s8 =	sadd.s32 @!p1 s29, s20;
	_ =	swait.ge [sflag:s24], $0x2800  }
0x1b8: {  	s31 =	simm.s32 @!p1 $0x0;
	s25 =	sshrl.u32 @!p1 s8, $0x3;
	[sflag:s24] =	ssyncset.done $0x0  }
0x1b9: {  	s29 =	sadd.s32 @!p1 s5, s25;
	s3 =	simm.s32 @!p1 $0x80;
	[sflag:s24] =	ssyncadd.s32 $0xFFFFD800  }
0x1ba: {  	[tilespmem:s3], [sflag:$0x2] =	stream.linear.gather @!p1 [hbm4b:s29+s31], $0x50, $0x38;
	[tilespmem:$0x1DA80] =	vst v63  }
0x1bb: {  	s3 =	sadd.s32 @!p1 s6, s25;
	s25 =	simm.s32 @!p1 $0x180  }
0x1bc: {  	[tilespmem:s25], [sflag:$0x4] =	stream.linear.gather @!p1 [hbm4b:s3+s31], $0x50, $0x38;
	[tilespmem:$0x1DA80] =	vst v63  }
0x1bd: {  	s3 =	sshll.u32 @!p1 s8, $0x4  }
0x1be: {  	s8 =	simm.s32 @!p1 $0x2A00;
	s3 =	sadd.s32 @!p1 s7, s3  }
0x1bf: {  	[tilespmem:s8], [sflag:$0x6] =	stream.linear.gather @!p1 [hbm4b:s3+s31], $0x2800, $0x38;
	[tilespmem:$0x1DA80] =	vst v63  }
0x1c0: {  	_ =	swait.ge [sflag:s15], $0x2800  }
0x1c1: {  	[sflag:s15] =	ssyncset.done $0x0  }
0x1c2: {  	s8 =	simm.s32 $0x0;
	[sflag:s15] =	ssyncadd.s32 $0xFFFFD800  }
0x1c3: {  	v7 =	vld [tilespmem:s8+$0x200]  }
0x1c4: {  	v8 =	vld [tilespmem:s8+$0x210]  }
0x1c5: {  	v9 =	vld [tilespmem:s8+$0x220]  }
0x1c6: {  	v10 =	vld [tilespmem:s8+$0x230]  }
0x1c7: {  	v11 =	vld [tilespmem:s8+$0x240]  }
0x1c8: {  	v12 =	vld [tilespmem:s8+$0x250]  }
0x1c9: {  	v13 =	vld [tilespmem:s8+$0x260]  }
0x1ca: {  	v14 =	vld [tilespmem:s8+$0x270]  }
0x1cb: {  	v15 =	vld [tilespmem:s8+$0x280]  }
0x1cc: {  	v16 =	vld [tilespmem:s8+$0x290]  }
0x1cd: {  	v17 =	vld [tilespmem:s8+$0x2A0]  }
0x1ce: {  	v18 =	vld [tilespmem:s8+$0x2B0]  }
0x1cf: {  	v19 =	vld [tilespmem:s8+$0x2C0]  }
0x1d0: {  	v20 =	vld [tilespmem:s8+$0x2D0]  }
0x1d1: {  	v21 =	vld [tilespmem:s8+$0x2E0]  }
0x1d2: {  	v22 =	vld [tilespmem:s8+$0x2F0]  }
0x1d3: {  	v23 =	vld [tilespmem:s8+$0x300]  }
0x1d4: {  	v24 =	vld [tilespmem:s8+$0x310]  }
0x1d5: {  	v25 =	vld [tilespmem:s8+$0x320]  }
0x1d6: {  	v26 =	vld [tilespmem:s8+$0x330]  }
0x1d7: {  	v27 =	vld [tilespmem:s8+$0x340]  }
0x1d8: {  	v33 =	vld [tilespmem:s8+$0x5200]  }
0x1d9: {  	v28 =	vld [tilespmem:s8+$0x350]  }
0x1da: {  	v34 =	vld [tilespmem:s8+$0x5210]  }
0x1db: {  	v35 =	vld [tilespmem:s8+$0x5220]  }
0x1dc: {  	v29 =	vld [tilespmem:s8+$0x360]  }
0x1dd: {  	v36 =	vld [tilespmem:s8+$0x5230];
	v7 =	vadd.f32 v7, v33  }
0x1de: {  	v37 =	vld [tilespmem:s8+$0x5240]  }
0x1df: {  	v30 =	vld [tilespmem:s8+$0x370];
	v8 =	vadd.f32 v8, v34;
	v7 =	vmax.f32 v7, $0.0e+00  }
0x1e0: {  	v61 =	vld [tilespmem:s8+$0x5250];
	[tilespmem:s8+$0x5200] =	vst v7;
	v7 =	vadd.f32 v9, v35  }
0x1e1: {  	v38 =	vld [tilespmem:s8+$0x5260];
	v8 =	vmax.f32 v8, $0.0e+00  }
0x1e2: {  	v31 =	vld [tilespmem:s8+$0x380];
	[tilespmem:s8+$0x5210] =	vst v8;
	v8 =	vadd.f32 v10, v36;
	v7 =	vmax.f32 v7, $0.0e+00  }
0x1e3: {  	v62 =	vld [tilespmem:s8+$0x5270];
	[tilespmem:s8+$0x5220] =	vst v7;
	v7 =	vadd.f32 v11, v37  }
0x1e4: {  	v9 =	vld [tilespmem:s8+$0x5280];
	v8 =	vmax.f32 v8, $0.0e+00  }
0x1e5: {  	v32 =	vld [tilespmem:s8+$0x390];
	[tilespmem:s8+$0x5230] =	vst v8;
	v8 =	vadd.f32 v12, v61;
	v7 =	vmax.f32 v7, $0.0e+00  }
0x1e6: {  	v10 =	vld [tilespmem:s8+$0x5290];
	[tilespmem:s8+$0x5240] =	vst v7;
	v7 =	vadd.f32 v13, v38  }
0x1e7: {  	v11 =	vld [tilespmem:s8+$0x52A0];
	v8 =	vmax.f32 v8, $0.0e+00  }
0x1e8: {  	v6 =	vld [tilespmem:s8+$0x3A0];
	[tilespmem:s8+$0x5250] =	vst v8;
	v8 =	vadd.f32 v14, v62;
	v7 =	vmax.f32 v7, $0.0e+00  }
0x1e9: {  	v12 =	vld [tilespmem:s8+$0x52B0];
	[tilespmem:s8+$0x5260] =	vst v7;
	v7 =	vadd.f32 v15, v9  }
0x1ea: {  	v13 =	vld [tilespmem:s8+$0x52C0];
	v8 =	vmax.f32 v8, $0.0e+00  }
0x1eb: {  	v5 =	vld [tilespmem:s8+$0x3B0];
	[tilespmem:s8+$0x5270] =	vst v8;
	v8 =	vadd.f32 v16, v10;
	v7 =	vmax.f32 v7, $0.0e+00  }
0x1ec: {  	v14 =	vld [tilespmem:s8+$0x52D0];
	[tilespmem:s8+$0x5280] =	vst v7;
	v7 =	vadd.f32 v17, v11  }
0x1ed: {  	v9 =	vld [tilespmem:s8+$0x52E0];
	v8 =	vmax.f32 v8, $0.0e+00  }
0x1ee: {  	v4 =	vld [tilespmem:s8+$0x3C0];
	[tilespmem:s8+$0x5290] =	vst v8;
	v8 =	vadd.f32 v18, v12;
	v7 =	vmax.f32 v7, $0.0e+00  }
0x1ef: {  	v10 =	vld [tilespmem:s8+$0x52F0];
	[tilespmem:s8+$0x52A0] =	vst v7;
	v7 =	vadd.f32 v19, v13  }
0x1f0: {  	v11 =	vld [tilespmem:s8+$0x5300];
	v8 =	vmax.f32 v8, $0.0e+00  }
0x1f1: {  	v3 =	vld [tilespmem:s8+$0x3D0];
	[tilespmem:s8+$0x52B0] =	vst v8;
	v8 =	vadd.f32 v20, v14;
	v7 =	vmax.f32 v7, $0.0e+00  }
0x1f2: {  	v12 =	vld [tilespmem:s8+$0x5310];
	[tilespmem:s8+$0x52C0] =	vst v7;
	v7 =	vadd.f32 v21, v9  }
0x1f3: {  	v13 =	vld [tilespmem:s8+$0x5320];
	v8 =	vmax.f32 v8, $0.0e+00  }
0x1f4: {  	v2 =	vld [tilespmem:s8+$0x3E0];
	[tilespmem:s8+$0x52D0] =	vst v8;
	v8 =	vadd.f32 v22, v10;
	v7 =	vmax.f32 v7, $0.0e+00  }
0x1f5: {  	v14 =	vld [tilespmem:s8+$0x5330];
	[tilespmem:s8+$0x52E0] =	vst v7;
	v7 =	vadd.f32 v23, v11  }
0x1f6: {  	v9 =	vld [tilespmem:s8+$0x5340];
	v8 =	vmax.f32 v8, $0.0e+00  }
0x1f7: {  	v1 =	vld [tilespmem:s8+$0x3F0];
	[tilespmem:s8+$0x52F0] =	vst v8;
	v8 =	vadd.f32 v24, v12;
	v7 =	vmax.f32 v7, $0.0e+00  }
0x1f8: {  	v10 =	vld [tilespmem:s8+$0x5350];
	[tilespmem:s8+$0x5300] =	vst v7;
	v7 =	vadd.f32 v25, v13  }
0x1f9: {  	v15 =	vld [tilespmem:s8+$0x5360];
	v8 =	vmax.f32 v8, $0.0e+00  }
0x1fa: {  	v12 =	vld [tilespmem:s8+$0x5370];
	[tilespmem:s8+$0x5310] =	vst v8;
	v8 =	vadd.f32 v26, v14;
	v7 =	vmax.f32 v7, $0.0e+00  }
0x1fb: {  	v13 =	vld [tilespmem:s8+$0x5380];
	[tilespmem:s8+$0x5320] =	vst v7;
	v7 =	vadd.f32 v27, v9  }
0x1fc: {  	v63 =	vld [tilespmem:s8+$0x5390];
	v8 =	vmax.f32 v8, $0.0e+00  }
0x1fd: {  	v11 =	vld [tilespmem:s8+$0x53A0];
	[tilespmem:s8+$0x5330] =	vst v8;
	v8 =	vadd.f32 v28, v10;
	v7 =	vmax.f32 v7, $0.0e+00  }
0x1fe: {  	v10 =	vld [tilespmem:s8+$0x53B0];
	[tilespmem:s8+$0x5340] =	vst v7;
	v7 =	vadd.f32 v29, v15  }
0x1ff: {  	v12 =	vadd.f32 v30, v12;
	v9 =	vld [tilespmem:s8+$0x53C0];
	v8 =	vmax.f32 v8, $0.0e+00  }
0x200: {  	v13 =	vadd.f32 v31, v13;
	[tilespmem:s8+$0x5350] =	vst v8;
	v8 =	vld [tilespmem:s8+$0x53D0];
	v7 =	vmax.f32 v7, $0.0e+00  }
0x201: {  	s25 =	simm.s32 $0x800;
	v14 =	vmax.f32 v12, $0.0e+00;
	v12 =	vadd.f32 v32, v63;
	[tilespmem:s8+$0x5360] =	vst v7;
	v7 =	vld [tilespmem:s8+$0x53E0]  }
.LBB2_9:
0x202: {  	s3 =	sshra.s32 s25, $0x2;
	p2 =	sne.s32 s25, $0x9800;
	[tilespmem:s8+$0x5370] =	vst v14;
	v13 =	vmax.f32 v13, $0.0e+00;
	v6 =	vadd.f32 v6, v11;
	v11 =	vld [tilespmem:s8+$0x53F0]  }
0x203: {  	v14 =	vld [tilespmem:s3+$0x200];
	[tilespmem:s8+$0x5380] =	vst v13;
	v12 =	vmax.f32 v12, $0.0e+00;
	v5 =	vadd.f32 v5, v10  }
0x204: {  	v13 =	vld [tilespmem:s3+$0x210];
	[tilespmem:s8+$0x5390] =	vst v12;
	v6 =	vmax.f32 v6, $0.0e+00;
	v4 =	vadd.f32 v4, v9  }
0x205: {  	v15 =	vld [tilespmem:s3+$0x220];
	[tilespmem:s8+$0x53A0] =	vst v6;
	v5 =	vmax.f32 v5, $0.0e+00;
	v3 =	vadd.f32 v3, v8  }
0x206: {  	v16 =	vld [tilespmem:s3+$0x230];
	[tilespmem:s8+$0x53B0] =	vst v5;
	v4 =	vmax.f32 v4, $0.0e+00;
	v2 =	vadd.f32 v2, v7  }
0x207: {  	v17 =	vld [tilespmem:s3+$0x240];
	[tilespmem:s8+$0x53C0] =	vst v4;
	v3 =	vmax.f32 v3, $0.0e+00;
	v1 =	vadd.f32 v1, v11  }
0x208: {  	v18 =	vld [tilespmem:s3+$0x250];
	[tilespmem:s8+$0x53D0] =	vst v3;
	v2 =	vmax.f32 v2, $0.0e+00  }
0x209: {  	v19 =	vld [tilespmem:s3+$0x260];
	[tilespmem:s8+$0x53E0] =	vst v2;
	v1 =	vmax.f32 v1, $0.0e+00  }
0x20a: {  	v20 =	vld [tilespmem:s3+$0x270];
	[tilespmem:s8+$0x53F0] =	vst v1;
	s8 =	smov.u32 s3  }
0x20b: {  	v21 =	vld [tilespmem:s8+$0x280]  }
0x20c: {  	v22 =	vld [tilespmem:s8+$0x290]  }
0x20d: {  	v23 =	vld [tilespmem:s8+$0x2A0]  }
0x20e: {  	v24 =	vld [tilespmem:s8+$0x2B0]  }
0x20f: {  	v25 =	vld [tilespmem:s8+$0x2C0]  }
0x210: {  	v26 =	vld [tilespmem:s8+$0x2D0]  }
0x211: {  	v27 =	vld [tilespmem:s8+$0x2E0]  }
0x212: {  	v28 =	vld [tilespmem:s8+$0x2F0]  }
0x213: {  	v29 =	vld [tilespmem:s8+$0x300]  }
0x214: {  	v30 =	vld [tilespmem:s8+$0x310]  }
0x215: {  	v31 =	vld [tilespmem:s8+$0x320]  }
0x216: {  	v32 =	vld [tilespmem:s8+$0x330]  }
0x217: {  	v12 =	vld [tilespmem:s8+$0x340]  }
0x218: {  	v11 =	vld [tilespmem:s8+$0x350]  }
0x219: {  	v10 =	vld [tilespmem:s8+$0x360]  }
0x21a: {  	v9 =	vld [tilespmem:s8+$0x370]  }
0x21b: {  	v8 =	vld [tilespmem:s8+$0x380]  }
0x21c: {  	v7 =	vld [tilespmem:s8+$0x390]  }
0x21d: {  	v6 =	vld [tilespmem:s8+$0x3A0]  }
0x21e: {  	v5 =	vld [tilespmem:s8+$0x3B0]  }
0x21f: {  	v4 =	vld [tilespmem:s8+$0x3C0]  }
0x220: {  	v3 =	vld [tilespmem:s8+$0x3D0]  }
0x221: {  	v2 =	vld [tilespmem:s8+$0x3E0]  }
0x222: {  	v1 =	vld [tilespmem:s8+$0x3F0]  }
0x223: {  	v33 =	vld [tilespmem:s8+$0x5200]  }
0x224: {  	v34 =	vld [tilespmem:s8+$0x5210]  }
0x225: {  	v35 =	vld [tilespmem:s8+$0x5220]  }
0x226: {  	v36 =	vld [tilespmem:s8+$0x5230]  }
0x227: {  	v37 =	vld [tilespmem:s8+$0x5240]  }
0x228: {  	v14 =	vadd.f32 v14, v33;
	v33 =	vld [tilespmem:s8+$0x5250]  }
0x229: {  	v13 =	vadd.f32 v13, v34;
	v34 =	vld [tilespmem:s8+$0x5260]  }
0x22a: {  	v14 =	vmax.f32 v14, $0.0e+00;
	v15 =	vadd.f32 v15, v35;
	v35 =	vld [tilespmem:s8+$0x5270]  }
0x22b: {  	[tilespmem:s8+$0x5200] =	vst v14;
	v13 =	vmax.f32 v13, $0.0e+00;
	v14 =	vadd.f32 v16, v36;
	v16 =	vld [tilespmem:s8+$0x5280]  }
0x22c: {  	[tilespmem:s8+$0x5210] =	vst v13;
	v13 =	vmax.f32 v15, $0.0e+00;
	v15 =	vadd.f32 v17, v37;
	v17 =	vld [tilespmem:s8+$0x5290]  }
0x22d: {  	[tilespmem:s8+$0x5220] =	vst v13;
	v13 =	vmax.f32 v14, $0.0e+00;
	v14 =	vadd.f32 v18, v33;
	v18 =	vld [tilespmem:s8+$0x52A0]  }
0x22e: {  	[tilespmem:s8+$0x5230] =	vst v13;
	v13 =	vmax.f32 v15, $0.0e+00;
	v15 =	vadd.f32 v19, v34;
	v19 =	vld [tilespmem:s8+$0x52B0]  }
0x22f: {  	[tilespmem:s8+$0x5240] =	vst v13;
	v13 =	vmax.f32 v14, $0.0e+00;
	v14 =	vadd.f32 v20, v35;
	v20 =	vld [tilespmem:s8+$0x52C0]  }
0x230: {  	[tilespmem:s8+$0x5250] =	vst v13;
	v13 =	vmax.f32 v15, $0.0e+00;
	v15 =	vadd.f32 v21, v16;
	v16 =	vld [tilespmem:s8+$0x52D0]  }
0x231: {  	[tilespmem:s8+$0x5260] =	vst v13;
	v13 =	vmax.f32 v14, $0.0e+00;
	v14 =	vadd.f32 v22, v17;
	v17 =	vld [tilespmem:s8+$0x52E0]  }
0x232: {  	[tilespmem:s8+$0x5270] =	vst v13;
	v13 =	vmax.f32 v15, $0.0e+00;
	v15 =	vadd.f32 v23, v18;
	v18 =	vld [tilespmem:s8+$0x52F0]  }
0x233: {  	[tilespmem:s8+$0x5280] =	vst v13;
	v13 =	vmax.f32 v14, $0.0e+00;
	v14 =	vadd.f32 v24, v19;
	v19 =	vld [tilespmem:s8+$0x5300]  }
0x234: {  	[tilespmem:s8+$0x5290] =	vst v13;
	v13 =	vmax.f32 v15, $0.0e+00;
	v15 =	vadd.f32 v25, v20;
	v20 =	vld [tilespmem:s8+$0x5310]  }
0x235: {  	[tilespmem:s8+$0x52A0] =	vst v13;
	v13 =	vmax.f32 v14, $0.0e+00;
	v14 =	vadd.f32 v26, v16;
	v16 =	vld [tilespmem:s8+$0x5320]  }
0x236: {  	[tilespmem:s8+$0x52B0] =	vst v13;
	v13 =	vmax.f32 v15, $0.0e+00;
	v15 =	vadd.f32 v27, v17;
	v17 =	vld [tilespmem:s8+$0x5330]  }
0x237: {  	[tilespmem:s8+$0x52C0] =	vst v13;
	v13 =	vmax.f32 v14, $0.0e+00;
	v14 =	vadd.f32 v28, v18;
	v18 =	vld [tilespmem:s8+$0x5340]  }
0x238: {  	[tilespmem:s8+$0x52D0] =	vst v13;
	v13 =	vmax.f32 v15, $0.0e+00;
	v15 =	vadd.f32 v29, v19;
	v19 =	vld [tilespmem:s8+$0x5350]  }
0x239: {  	[tilespmem:s8+$0x52E0] =	vst v13;
	v13 =	vmax.f32 v14, $0.0e+00;
	v14 =	vadd.f32 v30, v20;
	v20 =	vld [tilespmem:s8+$0x5360]  }
0x23a: {  	[tilespmem:s8+$0x52F0] =	vst v13;
	v13 =	vmax.f32 v15, $0.0e+00;
	v15 =	vadd.f32 v31, v16;
	v16 =	vld [tilespmem:s8+$0x5370]  }
0x23b: {  	[tilespmem:s8+$0x5300] =	vst v13;
	v13 =	vmax.f32 v14, $0.0e+00;
	v14 =	vadd.f32 v32, v17;
	v17 =	vld [tilespmem:s8+$0x5380]  }
0x23c: {  	[tilespmem:s8+$0x5310] =	vst v13;
	v13 =	vmax.f32 v15, $0.0e+00;
	v12 =	vadd.f32 v12, v18;
	v15 =	vld [tilespmem:s8+$0x5390]  }
.Ltmp5:
0x23d: {  	[tilespmem:s8+$0x5320] =	vst v13;
	v13 =	vmax.f32 v14, $0.0e+00;
	v14 =	vadd.f32 v11, v19;
	v11 =	vld [tilespmem:s8+$0x53A0];
	(pc) =	sbr.rel @p2 .LBB2_9-.Ltmp5, $4  }
0x23e: {  	[tilespmem:s8+$0x5330] =	vst v13;
	v12 =	vmax.f32 v12, $0.0e+00;
	v13 =	vadd.f32 v10, v20;
	v10 =	vld [tilespmem:s8+$0x53B0]  }
0x23f: {  	[tilespmem:s8+$0x5340] =	vst v12;
	v12 =	vmax.f32 v14, $0.0e+00;
	v14 =	vadd.f32 v9, v16;
	v9 =	vld [tilespmem:s8+$0x53C0]  }
0x240: {  	[tilespmem:s8+$0x5350] =	vst v12;
	v12 =	vmax.f32 v13, $0.0e+00;
	v13 =	vadd.f32 v8, v17;
	v8 =	vld [tilespmem:s8+$0x53D0]  }
0x241: {  	s25 =	sadd.s32 $0x800, s25;
	[tilespmem:s8+$0x5360] =	vst v12;
	v14 =	vmax.f32 v14, $0.0e+00;
	v12 =	vadd.f32 v7, v15;
	v7 =	vld [tilespmem:s8+$0x53E0]  }
0x242: {  	[tilespmem:s8+$0x5370] =	vst v14;
	v13 =	vmax.f32 v13, $0.0e+00;
	v6 =	vadd.f32 v6, v11;
	v63 =	vld [tilespmem:s8+$0x53F0]  }
0x243: {  	[tilespmem:s8+$0x5380] =	vst v13;
	v12 =	vmax.f32 v12, $0.0e+00;
	v5 =	vadd.f32 v5, v10  }
0x244: {  	[tilespmem:s8+$0x5390] =	vst v12;
	v6 =	vmax.f32 v6, $0.0e+00;
	v4 =	vadd.f32 v4, v9  }
0x245: {  	[tilespmem:s8+$0x53A0] =	vst v6;
	v5 =	vmax.f32 v5, $0.0e+00;
	v3 =	vadd.f32 v3, v8  }
.Ltmp6:
0x246: {  	[tilespmem:s8+$0x53B0] =	vst v5;
	v4 =	vmax.f32 v4, $0.0e+00;
	v2 =	vadd.f32 v2, v7;
	(pc) =	sbr.rel @p1 .LBB2_12-.Ltmp6, $4  }
0x247: {  	[tilespmem:s8+$0x53C0] =	vst v4;
	v3 =	vmax.f32 v3, $0.0e+00;
	v1 =	vadd.f32 v1, v63  }
0x248: {  	[tilespmem:s8+$0x53D0] =	vst v3;
	v2 =	vmax.f32 v2, $0.0e+00  }
0x249: {  	[tilespmem:s8+$0x53E0] =	vst v2;
	v1 =	vmax.f32 v1, $0.0e+00  }
0x24a: {  	[tilespmem:s8+$0x53F0] =	vst v1  }
0x24b: {  	_ =	swait.ge [sflag:s16], $0x50  }
0x24c: {  	[sflag:s16] =	ssyncset.done $0x0  }
0x24d: {  	[sflag:s16] =	ssyncadd.s32 $0xFFFFFFB0  }
0x24e: {  	_ =	swait.ge [sflag:s17], $0x50  }
0x24f: {  	[sflag:s17] =	ssyncset.done $0x0  }
0x250: {  	[sflag:s17] =	ssyncadd.s32 $0xFFFFFFB0  }
0x251: {  	_ =	swait.ge [sflag:s18], $0x2800  }
.Ltmp7:
0x252: {  	[sflag:s18] =	ssyncset.done $0x0;
	(pc) =	sbr.rel .LBB2_6-.Ltmp7, $4  }
0x253: {  	[sflag:s18] =	ssyncadd.s32 $0xFFFFD800  }
0x254: {  	[tilespmem:s21], [sflag:$0x8] =	stream.indirect.gather [hbm4b:s1+s11], $0x80, s13, s11, $0xb8;
	[tilespmem:$0x1DA80] =	vst v63  }
0x255: {  	s28 =	sadd.s32 $0x1, s28  }
0x256: {  	[spmem:s2] =	stream.indirect.scatter.add.f32 [tilespmem:s12], [sflag:$0x9], $0x80, s0, s11, $0xb8;
	[tilespmem:$0x1DA80] =	vst v63  }
.LBB2_13:
0x257: {  	_ =	sfence.sel $0x180000  }
0x258: {  	[bflag:$0x0] =	sbarrier.arrive $0xFFFF  }
0x259: {  	_ =	strace $0x90000047  }
0x25a: {  	s0 =	stileid.u32;
	[bflag:$0x2] =	sbarrier.arrive $0xFFFF  }
0x25b: {  	p0 =	sne.s32 s0, $0x0;
	s0 =	rddreg [dreg:$0x3]  }
0x25c: {  	s0 =	sadd.s32 @!p0 $0x100000, s0  }
0x25d: {  	[sflag:s0] =	ssyncadd.tile.s32 @!p0 $0x1;
	_ =	shalt  }
.Lfunc_end2:
_tile_overlayer_lowered:
.L_overlay_start_2:
0x25e: {  	(tag) =	ssettag $0x2  }
0x25f: {  	s0 =	rddreg [dreg:$0x0];
	s2 =	stileid.u32  }
0x260: {  	s1 =	rddreg [dreg:$0x1];
	p0 =	sne.s32 s2, $0x0  }
0x261: {  	s3 =	rddreg [dreg:$0x2];
	[bflag:$0x3] =	sbarrier.arrive $0xFFFF;
	s2 =	simm.s32 @!p0 $0x1C0B  }
0x262: {  	[timem:s3], [sflag:s2] =	dma.local @!p0 [hbm:s0], s1  }
0x263: {  	s0 =	simm.s32 @!p0 $0xB  }
0x264: {  	_ =	swait.ge @!p0 [sflag:s0], s1  }
0x265: {  	s1 =	ssub.s32 @!p0 $0x0, s1;
	[sflag:s0] =	ssyncset.done @!p0 $0x0  }
0x266: {  	[sflag:s0] =	ssyncadd.s32 @!p0 s1  }
0x267: {  	[bflag:$0x3] =	sbarrier.arrive $0xFFFF  }
0x268: {  	_ =	shalt  }

</sc_bundles>
